<compile_context>
chip_gen: v7x
topology: tpu7x:2x2x1
jax: 0.10.2.dev20260603
libtpu: 0.0.44.dev20260713+nightly
codegen_flags: <defaults>
</compile_context>

<pallas_src>
import functools

import jax
import jax.numpy as jnp
from jax import lax
from jax.experimental import pallas as pl
from jax.experimental.pallas import tpu as pltpu
from jax.experimental.pallas import tpu_sc as plsc

N = 10000
D = 128
D_OUT = 64
E = 320000

NC = 2
NS = 16
NW = NC * NS

K = 128
CH = 80
EPT = K * CH
EPAD = EPT * NW
NPAD = 10240
RPT = NPAD // NS
GRID2 = 5
BLK2 = N // GRID2


def _mesh():
    return plsc.VectorSubcoreMesh(
        core_axis_name="c", subcore_axis_name="s", num_cores=NC, num_subcores=NS
    )



def _sc_degree(dst2d):

    @functools.partial(
        pl.kernel,
        out_type=jax.ShapeDtypeStruct((NC * NPAD,), jnp.float32),
        mesh=_mesh(),
        scratch_types=[
            pltpu.VMEM((CH, K), jnp.int32),
            pltpu.VMEM((K,), jnp.float32),
            pltpu.VMEM((RPT,), jnp.float32),
            pltpu.VMEM_SHARED((NPAD,), jnp.float32),
            pltpu.SemaphoreType.DMA,
        ],
    )
    def k(dst_hbm, out_hbm, dst_v, ones_v, zbuf, acc, sem):
        c = lax.axis_index("c")
        s = lax.axis_index("s")
        wid = c * NS + s
        r0 = s * RPT

        def fill(i, carry):
            ones_v[pl.ds(i * 16, 16)] = jnp.ones((16,), jnp.float32)
            return carry
        lax.fori_loop(0, K // 16, fill, 0)

        def zfill(i, carry):
            zbuf[pl.ds(i * 16, 16)] = jnp.zeros((16,), jnp.float32)
            return carry
        lax.fori_loop(0, RPT // 16, zfill, 0)
        pltpu.sync_copy(zbuf, acc.at[pl.ds(r0, RPT)])

        pltpu.sync_copy(dst_hbm.at[pl.ds(wid * CH, CH)], dst_v)
        plsc.subcore_barrier()

        def body(g, carry):
            pltpu.sync_copy(ones_v, acc.at[dst_v.at[g]], add=True)
            return carry
        lax.fori_loop(0, CH, body, 0)

        plsc.subcore_barrier()
        pltpu.sync_copy(acc.at[pl.ds(r0, RPT)],
                        out_hbm.at[pl.ds(c * NPAD + r0, RPT)])

    return k(dst2d)


def _sc_scatter(y, src1d, dst1d):

    @functools.partial(
        pl.kernel,
        out_type=jax.ShapeDtypeStruct((NC * NPAD, D), jnp.float32),
        mesh=_mesh(),
        scratch_types=[
            [pltpu.VMEM((K,), jnp.int32)] * 4,
            [pltpu.VMEM((K,), jnp.int32)] * 4,
            pltpu.VMEM((K, D), jnp.float32),
            pltpu.VMEM((K, D), jnp.float32),
            pltpu.VMEM_SHARED((NPAD, D), jnp.float32),
            pltpu.SemaphoreType.DMA,
            pltpu.SemaphoreType.DMA,
            pltpu.SemaphoreType.DMA,
            pltpu.SemaphoreType.DMA,
            pltpu.SemaphoreType.DMA,
            pltpu.SemaphoreType.DMA,
        ],
    )
    def k(y_hbm, src_hbm, dst_hbm, out_hbm, sb, db, rows0, rows1, acc,
          gs0, gs1, is0, is1, is2, is3):
        c = lax.axis_index("c")
        s = lax.axis_index("s")
        wid = c * NS + s
        r0 = s * RPT
        rows = (rows0, rows1)
        gsem = (gs0, gs1)
        isem = (is0, is1, is2, is3)
        e0 = wid * EPT

        def load_idx(j, off):
            pltpu.async_copy(src_hbm.at[pl.ds(off, K)], sb[j], isem[j])
            pltpu.async_copy(dst_hbm.at[pl.ds(off, K)], db[j], isem[j])

        def wait_idx(j):
            pltpu.make_async_copy(src_hbm.at[pl.ds(0, K)], sb[j], isem[j]).wait()
            pltpu.make_async_copy(dst_hbm.at[pl.ds(0, K)], db[j], isem[j]).wait()

        for j in range(4):
            load_idx(j, e0 + j * K)
        def zfill(i, carry):
            for v in range(D // 16):
                rows1[i, pl.ds(v * 16, 16)] = jnp.zeros((16,), jnp.float32)
            return carry
        lax.fori_loop(0, K, zfill, 0)
        for i in range(RPT // K):
            pltpu.sync_copy(rows1, acc.at[pl.ds(r0 + i * K, K)])
        for b in range(2):
            wait_idx(b)
            pltpu.async_copy(y_hbm.at[sb[b]], rows[b], gsem[b])
        plsc.subcore_barrier()

        def outer(t, carry):
            for j in range(4):
                g = 4 * t + j
                b = j % 2
                j2 = (j + 2) % 4
                pltpu.make_async_copy(
                    y_hbm.at[sb[j]], rows[b], gsem[b]).wait()
                wait_idx(j2)
                pltpu.sync_copy(rows[b], acc.at[db[j]], add=True)
                g4 = jnp.where(g + 4 < CH, g + 4, 0)
                load_idx(j, e0 + g4 * K)
                pltpu.async_copy(y_hbm.at[sb[j2]], rows[b], gsem[b])
            return carry
        lax.fori_loop(0, CH // 4, outer, 0)

        pltpu.make_async_copy(y_hbm.at[sb[0]], rows0, gs0).wait()
        pltpu.make_async_copy(y_hbm.at[sb[0]], rows1, gs1).wait()
        wait_idx(2)
        wait_idx(3)

        plsc.subcore_barrier()
        pltpu.sync_copy(acc.at[pl.ds(r0, RPT)],
                        out_hbm.at[pl.ds(c * NPAD + r0, RPT)])

    return k(y, src1d, dst1d)



def _tc_scale_mm(x, W, deg2d):

    def body(x_ref, w_ref, deg_ref, o_ref):
        dinv = lax.rsqrt(deg_ref[...] + 1.0)
        xw = jnp.dot(x_ref[...], w_ref[...], preferred_element_type=jnp.float32)
        o_ref[...] = xw * dinv

    return pl.pallas_call(
        body,
        grid=(GRID2,),
        in_specs=[
            pl.BlockSpec((BLK2, D), lambda i: (i, 0)),
            pl.BlockSpec((D, D), lambda i: (0, 0)),
            pl.BlockSpec((BLK2, 1), lambda i: (i, 0)),
        ],
        out_specs=pl.BlockSpec((BLK2, D), lambda i: (i, 0)),
        out_shape=jax.ShapeDtypeStruct((N, D), jnp.float32),
    )(x, W, deg2d)


def _tc_mid(p, y, deg2d, b, W):

    def body(p0_ref, p1_ref, y_ref, deg_ref, b_ref, w_ref, o_ref):
        dinv = lax.rsqrt(deg_ref[...] + 1.0)
        h = (p0_ref[0] + p1_ref[0] + y_ref[...]) * dinv + b_ref[...]
        h = jnp.maximum(h, 0.0)
        o_ref[...] = jnp.dot(h, w_ref[...], preferred_element_type=jnp.float32) * dinv

    return pl.pallas_call(
        body,
        grid=(GRID2,),
        in_specs=[
            pl.BlockSpec((1, BLK2, D), lambda i: (0, i, 0)),
            pl.BlockSpec((1, BLK2, D), lambda i: (1, i, 0)),
            pl.BlockSpec((BLK2, D), lambda i: (i, 0)),
            pl.BlockSpec((BLK2, 1), lambda i: (i, 0)),
            pl.BlockSpec((1, D), lambda i: (0, 0)),
            pl.BlockSpec((D, D), lambda i: (0, 0)),
        ],
        out_specs=pl.BlockSpec((BLK2, D), lambda i: (i, 0)),
        out_shape=jax.ShapeDtypeStruct((N, D), jnp.float32),
    )(p, p, y, deg2d, b, W)


def _tc_final(p, y, deg2d, b, Wfc, bfc):

    def body(p0_ref, p1_ref, y_ref, deg_ref, b_ref, w_ref, bfc_ref, o_ref):
        dinv = lax.rsqrt(deg_ref[...] + 1.0)
        h = (p0_ref[0] + p1_ref[0] + y_ref[...]) * dinv + b_ref[...]
        h = jnp.maximum(h, 0.0)
        o_ref[...] = (
            jnp.dot(h, w_ref[...], preferred_element_type=jnp.float32) + bfc_ref[...]
        )

    return pl.pallas_call(
        body,
        grid=(GRID2,),
        in_specs=[
            pl.BlockSpec((1, BLK2, D), lambda i: (0, i, 0)),
            pl.BlockSpec((1, BLK2, D), lambda i: (1, i, 0)),
            pl.BlockSpec((BLK2, D), lambda i: (i, 0)),
            pl.BlockSpec((BLK2, 1), lambda i: (i, 0)),
            pl.BlockSpec((1, D), lambda i: (0, 0)),
            pl.BlockSpec((D, D_OUT), lambda i: (0, 0)),
            pl.BlockSpec((1, D_OUT), lambda i: (0, 0)),
        ],
        out_specs=pl.BlockSpec((BLK2, D_OUT), lambda i: (i, 0)),
        out_shape=jax.ShapeDtypeStruct((N, D_OUT), jnp.float32),
    )(p, p, y, deg2d, b, Wfc, bfc)



def kernel(x, edge_index, W1, b1, W2, b2, Wfc, bfc):
    src = edge_index[0].astype(jnp.int32)
    dst = edge_index[1].astype(jnp.int32)
    pad = EPAD - E
    pad_src = (jnp.arange(pad, dtype=jnp.int32) * 37) % N
    pad_dst = N + (jnp.arange(pad, dtype=jnp.int32) % (NPAD - N))
    src1d = jnp.concatenate([src, pad_src])
    dst1d = jnp.concatenate([dst, pad_dst])
    dst2d = dst1d.reshape(EPAD // K, K)

    degp = _sc_degree(dst2d)
    deg2d = (degp[:NPAD] + degp[NPAD:]).reshape(NPAD, 1)
    y1 = _tc_scale_mm(x, W1, deg2d)
    p1 = _sc_scatter(y1, src1d, dst1d).reshape(2, NPAD, D)
    y2 = _tc_mid(p1, y1, deg2d, b1.reshape(1, D), W2)
    p2 = _sc_scatter(y2, src1d, dst1d).reshape(2, NPAD, D)
    return _tc_final(p2, y2, deg2d, b2.reshape(1, D), Wfc, bfc.reshape(1, D_OUT))

# --- scband reference (transcript-rebuilt; emitter-appended) ---
"""Pipeline reference for scband-gcn-21311627723525 (READ-ONLY COPY).

The authoritative reference and input builder live on the scoring server;
editing this copy changes nothing except your own understanding.
"""

import jax, jax.numpy as jnp
import numpy as np

N_NODES = 10000
N_EDGES = 320000
D_IN = 128
D_HID = 128
D_OUT = 64


def setup_inputs(seed: int = 0) -> dict:
    key = jax.random.key(seed)
    ks = jax.random.split(key, 8)
    x = jax.random.normal(ks[0], (N_NODES, D_IN), dtype=jnp.float32)
    edge_index = jax.random.randint(ks[1], (2, N_EDGES), 0, N_NODES, dtype=jnp.int64)
    W1 = jax.random.normal(ks[2], (D_IN, D_HID), dtype=jnp.float32) * (1.0 / np.sqrt(D_IN))
    b1 = jnp.zeros((D_HID,), dtype=jnp.float32)
    W2 = jax.random.normal(ks[3], (D_HID, D_HID), dtype=jnp.float32) * (1.0 / np.sqrt(D_HID))
    b2 = jnp.zeros((D_HID,), dtype=jnp.float32)
    Wfc = jax.random.normal(ks[4], (D_HID, D_OUT), dtype=jnp.float32) * (1.0 / np.sqrt(D_HID))
    bfc = jnp.zeros((D_OUT,), dtype=jnp.float32)
    return {"x": x, "edge_index": edge_index, "W1": W1, "b1": b1, "W2": W2, "b2": b2, "Wfc": Wfc, "bfc": bfc}


def _gcn_layer(x, src, dst, W, b):
    # GCNConv: out = D^{-1/2} (A + I) D^{-1/2} X W + b (self-loops already appended to src/dst)
    n = x.shape[0]
    deg = jnp.zeros((n,), dtype=x.dtype).at[dst].add(1.0)
    dinv = jnp.where(deg > 0, jax.lax.rsqrt(jnp.where(deg > 0, deg, 1.0)), 0.0)
    norm = dinv[src] * dinv[dst]
    xw = x @ W
    msg = jnp.take(xw, src, axis=0) * norm[:, None]
    out = jnp.zeros((n, W.shape[1]), dtype=x.dtype).at[dst].add(msg)
    return out + b


def reference(x, edge_index, W1, b1, W2, b2, Wfc, bfc):
    n = x.shape[0]
    loop = jnp.arange(n, dtype=edge_index.dtype)
    src = jnp.concatenate([edge_index[0], loop])
    dst = jnp.concatenate([edge_index[1], loop])
    h = jax.nn.relu(_gcn_layer(x, src, dst, W1, b1))
    h = jax.nn.relu(_gcn_layer(h, src, dst, W2, b2))
    return h @ Wfc + bfc

if __name__ == "__main__":
    import jax
    _d = setup_inputs()
    print(jax.jit(kernel)(*tuple(_d.values())))

</pallas_src>

<mosaic_0001>
#map = affine_map<(d0, d1) -> (0, 0)>
#map1 = affine_map<(d0, d1) -> (0)>
module attributes {stable_mosaic.version = 14 : i64} {
  func.func @k(%arg0: i32, %arg1: i32, %arg2: memref<2560x128xi32, #tpu.memory_space<hbm>>, %arg3: memref<20480xf32, #tpu.memory_space<hbm>>, %arg4: memref<80x128xi32, #tpu.memory_space<vmem>>, %arg5: memref<128xf32, #tpu.memory_space<vmem>>, %arg6: memref<640xf32, #tpu.memory_space<vmem>>, %arg7: memref<10240xf32, #tpu.memory_space<vmem_shared>>, %arg8: memref<!tpu.dma_semaphore, #tpu.memory_space<semaphore_mem>>) attributes {dimension_semantics = [#tpu.dimension_semantics<core_parallel>, #tpu.dimension_semantics<subcore_parallel>], iteration_bounds = array<i64: 2, 16>, scalar_prefetch = 0 : i64, scratch_operands = 5 : i64, tpu.core_type = #tpu.core_type<sc_vector_subcore>, window_params = [{transform_indices = #map}, {transform_indices = #map1}]} {
    %mul3A = arith.constant 16 : i32
    %mul3A_0 = arith.muli %arg0, %mul3A : i32
    %add3A = arith.addi %mul3A_0, %arg1 : i32
    %mul3A_1 = arith.constant 640 : i32
    %mul3A_2 = arith.muli %arg1, %mul3A_1 : i32
    %scan3A = arith.constant 0 : i32
    %scan3A_3 = arith.constant 0 : i32
    %scan3A_4 = arith.constant 8 : i32
    %scan3A_5 = arith.addi %scan3A_3, %scan3A_4 : i32
    %scan3A_6 = arith.constant 1 : i32
    scf.for %scan3A_26 = %scan3A_3 to %scan3A_5 step %scan3A_6  : i32 {
      %broadcast_in_dim3A = arith.constant 1.000000e+00 : f32
      %broadcast_in_dim3A_27 = vector.broadcast %broadcast_in_dim3A : f32 to vector<16xf32>
      %mul3A_28 = arith.constant 16 : i32
      %mul3A_29 = arith.muli %scan3A_26, %mul3A_28 : i32
      %swap3A = arith.index_cast %mul3A_29 : i32 to index
      %swap3A_30 = tpu.vector_load %arg5[%swap3A] {strides = array<i32>} : memref<128xf32, #tpu.memory_space<vmem>>, vector<16xf32>,
      %swap3A_31 = vector.shape_cast %swap3A_30 : vector<16xf32> to vector<16xf32>
      %swap3A_32 = vector.shape_cast %broadcast_in_dim3A_27 : vector<16xf32> to vector<16xf32>
      tpu.vector_store %arg5[%swap3A], %swap3A_32 {strides = array<i32>} : memref<128xf32, #tpu.memory_space<vmem>>, vector<16xf32>,
    }
    %scan3A_7 = arith.constant 8 : i32
    %scan3A_8 = arith.constant 0 : i32
    %scan3A_9 = arith.constant 0 : i32
    %scan3A_10 = arith.constant 40 : i32
    %scan3A_11 = arith.addi %scan3A_9, %scan3A_10 : i32
    %scan3A_12 = arith.constant 1 : i32
    scf.for %scan3A_26 = %scan3A_9 to %scan3A_11 step %scan3A_12  : i32 {
      %broadcast_in_dim3A = arith.constant 0.000000e+00 : f32
      %broadcast_in_dim3A_27 = vector.broadcast %broadcast_in_dim3A : f32 to vector<16xf32>
      %mul3A_28 = arith.constant 16 : i32
      %mul3A_29 = arith.muli %scan3A_26, %mul3A_28 : i32
      %swap3A = arith.index_cast %mul3A_29 : i32 to index
      %swap3A_30 = tpu.vector_load %arg6[%swap3A] {strides = array<i32>} : memref<640xf32, #tpu.memory_space<vmem>>, vector<16xf32>,
      %swap3A_31 = vector.shape_cast %swap3A_30 : vector<16xf32> to vector<16xf32>
      %swap3A_32 = vector.shape_cast %broadcast_in_dim3A_27 : vector<16xf32> to vector<16xf32>
      tpu.vector_store %arg6[%swap3A], %swap3A_32 {strides = array<i32>} : memref<640xf32, #tpu.memory_space<vmem>>, vector<16xf32>,
    }
    %scan3A_13 = arith.constant 40 : i32
    "tpu.region"() ({
      %run_scoped3A = tpu.sem_alloc : memref<!tpu.dma_semaphore, #tpu.memory_space<semaphore_mem>>
      %dma_start3A = tpu.memref_slice %arg7[%mul3A_2] : memref<10240xf32, #tpu.memory_space<vmem_shared>> -> memref<640xf32, #tpu.memory_space<vmem_shared>>
      %dma_start3A_26 = tpu.memref_slice %arg7[%mul3A_2] : memref<10240xf32, #tpu.memory_space<vmem_shared>> -> memref<640xf32, #tpu.memory_space<vmem_shared>>
      tpu.enqueue_dma source(%arg6 : memref<640xf32, #tpu.memory_space<vmem>>) target(%dma_start3A_26 : memref<640xf32, #tpu.memory_space<vmem_shared>>) target_semaphore(%run_scoped3A : memref<!tpu.dma_semaphore, #tpu.memory_space<semaphore_mem>>)
      %dma_wait3A = tpu.memref_slice %arg7[%mul3A_2] : memref<10240xf32, #tpu.memory_space<vmem_shared>> -> memref<640xf32, #tpu.memory_space<vmem_shared>>
      %dma_wait3A_27 = tpu.memref_slice %arg7[%mul3A_2] : memref<10240xf32, #tpu.memory_space<vmem_shared>> -> memref<640xf32, #tpu.memory_space<vmem_shared>>
      tpu.wait_dma2 semaphore(%run_scoped3A : memref<!tpu.dma_semaphore, #tpu.memory_space<semaphore_mem>>) src(%arg6 : memref<640xf32, #tpu.memory_space<vmem>>) dst(%dma_wait3A_27 : memref<640xf32, #tpu.memory_space<vmem_shared>>)
      tpu.yield
    }) : () -> ()
    %mul3A_14 = arith.constant 80 : i32
    %mul3A_15 = arith.muli %add3A, %mul3A_14 : i32
    "tpu.region"() ({
      %run_scoped3A = tpu.sem_alloc : memref<!tpu.dma_semaphore, #tpu.memory_space<semaphore_mem>>
      %dma_start3A = arith.constant 0 : i32
      %dma_start3A_26 = tpu.memref_slice %arg2[%mul3A_15, %dma_start3A] : memref<2560x128xi32, #tpu.memory_space<hbm>> -> memref<80x128xi32, #tpu.memory_space<hbm>>
      %dma_start3A_27 = arith.constant 0 : i32
      %dma_start3A_28 = tpu.memref_slice %arg2[%mul3A_15, %dma_start3A_27] : memref<2560x128xi32, #tpu.memory_space<hbm>> -> memref<80x128xi32, #tpu.memory_space<hbm>>
      tpu.enqueue_dma source(%dma_start3A_28 : memref<80x128xi32, #tpu.memory_space<hbm>>) target(%arg4 : memref<80x128xi32, #tpu.memory_space<vmem>>) target_semaphore(%run_scoped3A : memref<!tpu.dma_semaphore, #tpu.memory_space<semaphore_mem>>)
      %dma_wait3A = arith.constant 0 : i32
      %dma_wait3A_29 = tpu.memref_slice %arg2[%mul3A_15, %dma_wait3A] : memref<2560x128xi32, #tpu.memory_space<hbm>> -> memref<80x128xi32, #tpu.memory_space<hbm>>
      %dma_wait3A_30 = arith.constant 0 : i32
      %dma_wait3A_31 = tpu.memref_slice %arg2[%mul3A_15, %dma_wait3A_30] : memref<2560x128xi32, #tpu.memory_space<hbm>> -> memref<80x128xi32, #tpu.memory_space<hbm>>
      tpu.wait_dma2 semaphore(%run_scoped3A : memref<!tpu.dma_semaphore, #tpu.memory_space<semaphore_mem>>) src(%dma_wait3A_31 : memref<80x128xi32, #tpu.memory_space<hbm>>) dst(%arg4 : memref<80x128xi32, #tpu.memory_space<vmem>>)
      tpu.yield
    }) : () -> ()
    %barrier3A = arith.constant 0 : index
    tpu.barrier barrier_id(%barrier3A)
    %scan3A_16 = arith.constant 0 : i32
    %scan3A_17 = arith.constant 0 : i32
    %scan3A_18 = arith.constant 80 : i32
    %scan3A_19 = arith.addi %scan3A_17, %scan3A_18 : i32
    %scan3A_20 = arith.constant 1 : i32
    scf.for %scan3A_26 = %scan3A_17 to %scan3A_19 step %scan3A_20  : i32 {
      "tpu.region"() ({
        %run_scoped3A = tpu.sem_alloc : memref<!tpu.dma_semaphore, #tpu.memory_space<semaphore_mem>>
        %dma_start3A = arith.constant 0 : i32
        %dma_start3A_27 = tpu.memref_slice %arg4[%scan3A_26, %dma_start3A] : memref<80x128xi32, #tpu.memory_space<vmem>> -> memref<1x128xi32, #tpu.memory_space<vmem>>
        %dma_start3A_28 = tpu.memref_squeeze %dma_start3A_27 : memref<1x128xi32, #tpu.memory_space<vmem>> -> memref<128xi32, #tpu.memory_space<vmem>>
        %dma_start3A_29 = arith.constant 0 : i32
        %dma_start3A_30 = tpu.memref_slice %arg7[%dma_start3A_29] : memref<10240xf32, #tpu.memory_space<vmem_shared>> -> memref<10240xf32, #tpu.memory_space<vmem_shared>>
        tpu.enqueue_indirect_dma source(%arg5 : memref<128xf32, #tpu.memory_space<vmem>>) target(%dma_start3A_30 : memref<10240xf32, #tpu.memory_space<vmem_shared>>) offsets(%dma_start3A_28 : memref<128xi32, #tpu.memory_space<vmem>>) semaphore(%run_scoped3A : memref<!tpu.dma_semaphore, #tpu.memory_space<semaphore_mem>>) {add = true}
        %dma_wait3A = arith.constant 0 : i32
        %dma_wait3A_31 = tpu.memref_slice %arg4[%scan3A_26, %dma_wait3A] : memref<80x128xi32, #tpu.memory_space<vmem>> -> memref<1x128xi32, #tpu.memory_space<vmem>>
        %dma_wait3A_32 = tpu.memref_squeeze %dma_wait3A_31 : memref<1x128xi32, #tpu.memory_space<vmem>> -> memref<128xi32, #tpu.memory_space<vmem>>
        %dma_wait3A_33 = arith.constant 0 : i32
        %dma_wait3A_34 = tpu.memref_slice %arg7[%dma_wait3A_33] : memref<10240xf32, #tpu.memory_space<vmem_shared>> -> memref<10240xf32, #tpu.memory_space<vmem_shared>>
        tpu.wait_indirect_dma semaphore(%run_scoped3A : memref<!tpu.dma_semaphore, #tpu.memory_space<semaphore_mem>>) src(%arg5 : memref<128xf32, #tpu.memory_space<vmem>>) dst(%dma_wait3A_34 : memref<10240xf32, #tpu.memory_space<vmem_shared>>)
        tpu.yield
      }) : () -> ()
    }
    %scan3A_21 = arith.constant 80 : i32
    %barrier3A_22 = arith.constant 0 : index
    tpu.barrier barrier_id(%barrier3A_22)
    %mul3A_23 = arith.constant 10240 : i32
    %mul3A_24 = arith.muli %arg0, %mul3A_23 : i32
    %add3A_25 = arith.addi %mul3A_24, %mul3A_2 : i32
    "tpu.region"() ({
      %run_scoped3A = tpu.sem_alloc : memref<!tpu.dma_semaphore, #tpu.memory_space<semaphore_mem>>
      %dma_start3A = tpu.memref_slice %arg3[%add3A_25] : memref<20480xf32, #tpu.memory_space<hbm>> -> memref<640xf32, #tpu.memory_space<hbm>>
      %dma_start3A_26 = tpu.memref_slice %arg7[%mul3A_2] : memref<10240xf32, #tpu.memory_space<vmem_shared>> -> memref<640xf32, #tpu.memory_space<vmem_shared>>
      tpu.enqueue_dma source(%dma_start3A_26 : memref<640xf32, #tpu.memory_space<vmem_shared>>) target(%dma_start3A : memref<640xf32, #tpu.memory_space<hbm>>) target_semaphore(%run_scoped3A : memref<!tpu.dma_semaphore, #tpu.memory_space<semaphore_mem>>)
      %dma_wait3A = tpu.memref_slice %arg3[%add3A_25] : memref<20480xf32, #tpu.memory_space<hbm>> -> memref<640xf32, #tpu.memory_space<hbm>>
      %dma_wait3A_27 = tpu.memref_slice %arg7[%mul3A_2] : memref<10240xf32, #tpu.memory_space<vmem_shared>> -> memref<640xf32, #tpu.memory_space<vmem_shared>>
      tpu.wait_dma2 semaphore(%run_scoped3A : memref<!tpu.dma_semaphore, #tpu.memory_space<semaphore_mem>>) src(%dma_wait3A_27 : memref<640xf32, #tpu.memory_space<vmem_shared>>) dst(%dma_wait3A : memref<640xf32, #tpu.memory_space<hbm>>)
      tpu.yield
    }) : () -> ()
    return
  }
}

#map = affine_map<(d0, d1) -> (0, 0)>
#map1 = affine_map<(d0, d1) -> (0)>
module attributes {stable_mosaic.version = 14 : i64} {
  func.func @k(%arg0: i32, %arg1: i32, %arg2: memref<10000x128xf32, #tpu.memory_space<hbm>>, %arg3: memref<327680xi32, #tpu.memory_space<hbm>>, %arg4: memref<327680xi32, #tpu.memory_space<hbm>>, %arg5: memref<20480x128xf32, #tpu.memory_space<hbm>>, %arg6: memref<128xi32, #tpu.memory_space<vmem>>, %arg7: memref<128xi32, #tpu.memory_space<vmem>>, %arg8: memref<128xi32, #tpu.memory_space<vmem>>, %arg9: memref<128xi32, #tpu.memory_space<vmem>>, %arg10: memref<128xi32, #tpu.memory_space<vmem>>, %arg11: memref<128xi32, #tpu.memory_space<vmem>>, %arg12: memref<128xi32, #tpu.memory_space<vmem>>, %arg13: memref<128xi32, #tpu.memory_space<vmem>>, %arg14: memref<128x128xf32, #tpu.memory_space<vmem>>, %arg15: memref<128x128xf32, #tpu.memory_space<vmem>>, %arg16: memref<10240x128xf32, #tpu.memory_space<vmem_shared>>, %arg17: memref<!tpu.dma_semaphore, #tpu.memory_space<semaphore_mem>>, %arg18: memref<!tpu.dma_semaphore, #tpu.memory_space<semaphore_mem>>, %arg19: memref<!tpu.dma_semaphore, #tpu.memory_space<semaphore_mem>>, %arg20: memref<!tpu.dma_semaphore, #tpu.memory_space<semaphore_mem>>, %arg21: memref<!tpu.dma_semaphore, #tpu.memory_space<semaphore_mem>>, %arg22: memref<!tpu.dma_semaphore, #tpu.memory_space<semaphore_mem>>) attributes {dimension_semantics = [#tpu.dimension_semantics<core_parallel>, #tpu.dimension_semantics<subcore_parallel>], iteration_bounds = array<i64: 2, 16>, scalar_prefetch = 0 : i64, scratch_operands = 17 : i64, tpu.core_type = #tpu.core_type<sc_vector_subcore>, window_params = [{transform_indices = #map}, {transform_indices = #map1}, {transform_indices = #map1}, {transform_indices = #map}]} {
    %mul3A = arith.constant 16 : i32
    %mul3A_0 = arith.muli %arg0, %mul3A : i32
    %add3A = arith.addi %mul3A_0, %arg1 : i32
    %mul3A_1 = arith.constant 640 : i32
    %mul3A_2 = arith.muli %arg1, %mul3A_1 : i32
    %mul3A_3 = arith.constant 10240 : i32
    %mul3A_4 = arith.muli %add3A, %mul3A_3 : i32
    %add3A_5 = arith.constant 0 : i32
    %add3A_6 = arith.addi %mul3A_4, %add3A_5 : i32
    %dma_start3A = tpu.memref_slice %arg3[%add3A_6] : memref<327680xi32, #tpu.memory_space<hbm>> -> memref<128xi32, #tpu.memory_space<hbm>>
    %dma_start3A_7 = tpu.memref_slice %arg3[%add3A_6] : memref<327680xi32, #tpu.memory_space<hbm>> -> memref<128xi32, #tpu.memory_space<hbm>>
    tpu.enqueue_dma source(%dma_start3A_7 : memref<128xi32, #tpu.memory_space<hbm>>) target(%arg6 : memref<128xi32, #tpu.memory_space<vmem>>) target_semaphore(%arg19 : memref<!tpu.dma_semaphore, #tpu.memory_space<semaphore_mem>>)
    %dma_start3A_8 = tpu.memref_slice %arg4[%add3A_6] : memref<327680xi32, #tpu.memory_space<hbm>> -> memref<128xi32, #tpu.memory_space<hbm>>
    %dma_start3A_9 = tpu.memref_slice %arg4[%add3A_6] : memref<327680xi32, #tpu.memory_space<hbm>> -> memref<128xi32, #tpu.memory_space<hbm>>
    tpu.enqueue_dma source(%dma_start3A_9 : memref<128xi32, #tpu.memory_space<hbm>>) target(%arg10 : memref<128xi32, #tpu.memory_space<vmem>>) target_semaphore(%arg19 : memref<!tpu.dma_semaphore, #tpu.memory_space<semaphore_mem>>)
    %add3A_10 = arith.constant 128 : i32
    %add3A_11 = arith.addi %mul3A_4, %add3A_10 : i32
    %dma_start3A_12 = tpu.memref_slice %arg3[%add3A_11] : memref<327680xi32, #tpu.memory_space<hbm>> -> memref<128xi32, #tpu.memory_space<hbm>>
    %dma_start3A_13 = tpu.memref_slice %arg3[%add3A_11] : memref<327680xi32, #tpu.memory_space<hbm>> -> memref<128xi32, #tpu.memory_space<hbm>>
    tpu.enqueue_dma source(%dma_start3A_13 : memref<128xi32, #tpu.memory_space<hbm>>) target(%arg7 : memref<128xi32, #tpu.memory_space<vmem>>) target_semaphore(%arg20 : memref<!tpu.dma_semaphore, #tpu.memory_space<semaphore_mem>>)
    %dma_start3A_14 = tpu.memref_slice %arg4[%add3A_11] : memref<327680xi32, #tpu.memory_space<hbm>> -> memref<128xi32, #tpu.memory_space<hbm>>
    %dma_start3A_15 = tpu.memref_slice %arg4[%add3A_11] : memref<327680xi32, #tpu.memory_space<hbm>> -> memref<128xi32, #tpu.memory_space<hbm>>
    tpu.enqueue_dma source(%dma_start3A_15 : memref<128xi32, #tpu.memory_space<hbm>>) target(%arg11 : memref<128xi32, #tpu.memory_space<vmem>>) target_semaphore(%arg20 : memref<!tpu.dma_semaphore, #tpu.memory_space<semaphore_mem>>)
    %add3A_16 = arith.constant 256 : i32
    %add3A_17 = arith.addi %mul3A_4, %add3A_16 : i32
    %dma_start3A_18 = tpu.memref_slice %arg3[%add3A_17] : memref<327680xi32, #tpu.memory_space<hbm>> -> memref<128xi32, #tpu.memory_space<hbm>>
    %dma_start3A_19 = tpu.memref_slice %arg3[%add3A_17] : memref<327680xi32, #tpu.memory_space<hbm>> -> memref<128xi32, #tpu.memory_space<hbm>>
    tpu.enqueue_dma source(%dma_start3A_19 : memref<128xi32, #tpu.memory_space<hbm>>) target(%arg8 : memref<128xi32, #tpu.memory_space<vmem>>) target_semaphore(%arg21 : memref<!tpu.dma_semaphore, #tpu.memory_space<semaphore_mem>>)
    %dma_start3A_20 = tpu.memref_slice %arg4[%add3A_17] : memref<327680xi32, #tpu.memory_space<hbm>> -> memref<128xi32, #tpu.memory_space<hbm>>
    %dma_start3A_21 = tpu.memref_slice %arg4[%add3A_17] : memref<327680xi32, #tpu.memory_space<hbm>> -> memref<128xi32, #tpu.memory_space<hbm>>
    tpu.enqueue_dma source(%dma_start3A_21 : memref<128xi32, #tpu.memory_space<hbm>>) target(%arg12 : memref<128xi32, #tpu.memory_space<vmem>>) target_semaphore(%arg21 : memref<!tpu.dma_semaphore, #tpu.memory_space<semaphore_mem>>)
    %add3A_22 = arith.constant 384 : i32
    %add3A_23 = arith.addi %mul3A_4, %add3A_22 : i32
    %dma_start3A_24 = tpu.memref_slice %arg3[%add3A_23] : memref<327680xi32, #tpu.memory_space<hbm>> -> memref<128xi32, #tpu.memory_space<hbm>>
    %dma_start3A_25 = tpu.memref_slice %arg3[%add3A_23] : memref<327680xi32, #tpu.memory_space<hbm>> -> memref<128xi32, #tpu.memory_space<hbm>>
    tpu.enqueue_dma source(%dma_start3A_25 : memref<128xi32, #tpu.memory_space<hbm>>) target(%arg9 : memref<128xi32, #tpu.memory_space<vmem>>) target_semaphore(%arg22 : memref<!tpu.dma_semaphore, #tpu.memory_space<semaphore_mem>>)
    %dma_start3A_26 = tpu.memref_slice %arg4[%add3A_23] : memref<327680xi32, #tpu.memory_space<hbm>> -> memref<128xi32, #tpu.memory_space<hbm>>
    %dma_start3A_27 = tpu.memref_slice %arg4[%add3A_23] : memref<327680xi32, #tpu.memory_space<hbm>> -> memref<128xi32, #tpu.memory_space<hbm>>
    tpu.enqueue_dma source(%dma_start3A_27 : memref<128xi32, #tpu.memory_space<hbm>>) target(%arg13 : memref<128xi32, #tpu.memory_space<vmem>>) target_semaphore(%arg22 : memref<!tpu.dma_semaphore, #tpu.memory_space<semaphore_mem>>)
    %scan3A = arith.constant 0 : i32
    %scan3A_28 = arith.constant 0 : i32
    %scan3A_29 = arith.constant 128 : i32
    %scan3A_30 = arith.addi %scan3A_28, %scan3A_29 : i32
    %scan3A_31 = arith.constant 1 : i32
    scf.for %scan3A_96 = %scan3A_28 to %scan3A_30 step %scan3A_31  : i32 {
      %broadcast_in_dim3A = arith.constant 0.000000e+00 : f32
      %broadcast_in_dim3A_97 = vector.broadcast %broadcast_in_dim3A : f32 to vector<16xf32>
      %swap3A = arith.index_cast %scan3A_96 : i32 to index
      %swap3A_98 = arith.constant 0 : index
      %swap3A_99 = tpu.vector_load %arg15[%swap3A, %swap3A_98] {strides = array<i32>} : memref<128x128xf32, #tpu.memory_space<vmem>>, vector<1x16xf32>,
      %swap3A_100 = vector.shape_cast %swap3A_99 : vector<1x16xf32> to vector<16xf32>
      %swap3A_101 = vector.shape_cast %broadcast_in_dim3A_97 : vector<16xf32> to vector<1x16xf32>
      tpu.vector_store %arg15[%swap3A, %swap3A_98], %swap3A_101 {strides = array<i32>} : memref<128x128xf32, #tpu.memory_space<vmem>>, vector<1x16xf32>,
      %broadcast_in_dim3A_102 = arith.constant 0.000000e+00 : f32
      %broadcast_in_dim3A_103 = vector.broadcast %broadcast_in_dim3A_102 : f32 to vector<16xf32>
      %swap3A_104 = arith.index_cast %scan3A_96 : i32 to index
      %swap3A_105 = arith.constant 16 : index
      %swap3A_106 = tpu.vector_load %arg15[%swap3A_104, %swap3A_105] {strides = array<i32>} : memref<128x128xf32, #tpu.memory_space<vmem>>, vector<1x16xf32>,
      %swap3A_107 = vector.shape_cast %swap3A_106 : vector<1x16xf32> to vector<16xf32>
      %swap3A_108 = vector.shape_cast %broadcast_in_dim3A_103 : vector<16xf32> to vector<1x16xf32>
      tpu.vector_store %arg15[%swap3A_104, %swap3A_105], %swap3A_108 {strides = array<i32>} : memref<128x128xf32, #tpu.memory_space<vmem>>, vector<1x16xf32>,
      %broadcast_in_dim3A_109 = arith.constant 0.000000e+00 : f32
      %broadcast_in_dim3A_110 = vector.broadcast %broadcast_in_dim3A_109 : f32 to vector<16xf32>
      %swap3A_111 = arith.index_cast %scan3A_96 : i32 to index
      %swap3A_112 = arith.constant 32 : index
      %swap3A_113 = tpu.vector_load %arg15[%swap3A_111, %swap3A_112] {strides = array<i32>} : memref<128x128xf32, #tpu.memory_space<vmem>>, vector<1x16xf32>,
      %swap3A_114 = vector.shape_cast %swap3A_113 : vector<1x16xf32> to vector<16xf32>
      %swap3A_115 = vector.shape_cast %broadcast_in_dim3A_110 : vector<16xf32> to vector<1x16xf32>
      tpu.vector_store %arg15[%swap3A_111, %swap3A_112], %swap3A_115 {strides = array<i32>} : memref<128x128xf32, #tpu.memory_space<vmem>>, vector<1x16xf32>,
      %broadcast_in_dim3A_116 = arith.constant 0.000000e+00 : f32
      %broadcast_in_dim3A_117 = vector.broadcast %broadcast_in_dim3A_116 : f32 to vector<16xf32>
      %swap3A_118 = arith.index_cast %scan3A_96 : i32 to index
      %swap3A_119 = arith.constant 48 : index
      %swap3A_120 = tpu.vector_load %arg15[%swap3A_118, %swap3A_119] {strides = array<i32>} : memref<128x128xf32, #tpu.memory_space<vmem>>, vector<1x16xf32>,
      %swap3A_121 = vector.shape_cast %swap3A_120 : vector<1x16xf32> to vector<16xf32>
      %swap3A_122 = vector.shape_cast %broadcast_in_dim3A_117 : vector<16xf32> to vector<1x16xf32>
      tpu.vector_store %arg15[%swap3A_118, %swap3A_119], %swap3A_122 {strides = array<i32>} : memref<128x128xf32, #tpu.memory_space<vmem>>, vector<1x16xf32>,
      %broadcast_in_dim3A_123 = arith.constant 0.000000e+00 : f32
      %broadcast_in_dim3A_124 = vector.broadcast %broadcast_in_dim3A_123 : f32 to vector<16xf32>
      %swap3A_125 = arith.index_cast %scan3A_96 : i32 to index
      %swap3A_126 = arith.constant 64 : index
      %swap3A_127 = tpu.vector_load %arg15[%swap3A_125, %swap3A_126] {strides = array<i32>} : memref<128x128xf32, #tpu.memory_space<vmem>>, vector<1x16xf32>,
      %swap3A_128 = vector.shape_cast %swap3A_127 : vector<1x16xf32> to vector<16xf32>
      %swap3A_129 = vector.shape_cast %broadcast_in_dim3A_124 : vector<16xf32> to vector<1x16xf32>
      tpu.vector_store %arg15[%swap3A_125, %swap3A_126], %swap3A_129 {strides = array<i32>} : memref<128x128xf32, #tpu.memory_space<vmem>>, vector<1x16xf32>,
      %broadcast_in_dim3A_130 = arith.constant 0.000000e+00 : f32
      %broadcast_in_dim3A_131 = vector.broadcast %broadcast_in_dim3A_130 : f32 to vector<16xf32>
      %swap3A_132 = arith.index_cast %scan3A_96 : i32 to index
      %swap3A_133 = arith.constant 80 : index
      %swap3A_134 = tpu.vector_load %arg15[%swap3A_132, %swap3A_133] {strides = array<i32>} : memref<128x128xf32, #tpu.memory_space<vmem>>, vector<1x16xf32>,
      %swap3A_135 = vector.shape_cast %swap3A_134 : vector<1x16xf32> to vector<16xf32>
      %swap3A_136 = vector.shape_cast %broadcast_in_dim3A_131 : vector<16xf32> to vector<1x16xf32>
      tpu.vector_store %arg15[%swap3A_132, %swap3A_133], %swap3A_136 {strides = array<i32>} : memref<128x128xf32, #tpu.memory_space<vmem>>, vector<1x16xf32>,
      %broadcast_in_dim3A_137 = arith.constant 0.000000e+00 : f32
      %broadcast_in_dim3A_138 = vector.broadcast %broadcast_in_dim3A_137 : f32 to vector<16xf32>
      %swap3A_139 = arith.index_cast %scan3A_96 : i32 to index
      %swap3A_140 = arith.constant 96 : index
      %swap3A_141 = tpu.vector_load %arg15[%swap3A_139, %swap3A_140] {strides = array<i32>} : memref<128x128xf32, #tpu.memory_space<vmem>>, vector<1x16xf32>,
      %swap3A_142 = vector.shape_cast %swap3A_141 : vector<1x16xf32> to vector<16xf32>
      %swap3A_143 = vector.shape_cast %broadcast_in_dim3A_138 : vector<16xf32> to vector<1x16xf32>
      tpu.vector_store %arg15[%swap3A_139, %swap3A_140], %swap3A_143 {strides = array<i32>} : memref<128x128xf32, #tpu.memory_space<vmem>>, vector<1x16xf32>,
      %broadcast_in_dim3A_144 = arith.constant 0.000000e+00 : f32
      %broadcast_in_dim3A_145 = vector.broadcast %broadcast_in_dim3A_144 : f32 to vector<16xf32>
      %swap3A_146 = arith.index_cast %scan3A_96 : i32 to index
      %swap3A_147 = arith.constant 112 : index
      %swap3A_148 = tpu.vector_load %arg15[%swap3A_146, %swap3A_147] {strides = array<i32>} : memref<128x128xf32, #tpu.memory_space<vmem>>, vector<1x16xf32>,
      %swap3A_149 = vector.shape_cast %swap3A_148 : vector<1x16xf32> to vector<16xf32>
      %swap3A_150 = vector.shape_cast %broadcast_in_dim3A_145 : vector<16xf32> to vector<1x16xf32>
      tpu.vector_store %arg15[%swap3A_146, %swap3A_147], %swap3A_150 {strides = array<i32>} : memref<128x128xf32, #tpu.memory_space<vmem>>, vector<1x16xf32>,
    }
    %scan3A_32 = arith.constant 128 : i32
    %add3A_33 = arith.constant 0 : i32
    %add3A_34 = arith.addi %mul3A_2, %add3A_33 : i32
    "tpu.region"() ({
      %run_scoped3A = tpu.sem_alloc : memref<!tpu.dma_semaphore, #tpu.memory_space<semaphore_mem>>
      %dma_start3A_96 = arith.constant 0 : i32
      %dma_start3A_97 = tpu.memref_slice %arg16[%add3A_34, %dma_start3A_96] : memref<10240x128xf32, #tpu.memory_space<vmem_shared>> -> memref<128x128xf32, #tpu.memory_space<vmem_shared>>
      %dma_start3A_98 = arith.constant 0 : i32
      %dma_start3A_99 = tpu.memref_slice %arg16[%add3A_34, %dma_start3A_98] : memref<10240x128xf32, #tpu.memory_space<vmem_shared>> -> memref<128x128xf32, #tpu.memory_space<vmem_shared>>
      tpu.enqueue_dma source(%arg15 : memref<128x128xf32, #tpu.memory_space<vmem>>) target(%dma_start3A_99 : memref<128x128xf32, #tpu.memory_space<vmem_shared>>) target_semaphore(%run_scoped3A : memref<!tpu.dma_semaphore, #tpu.memory_space<semaphore_mem>>)
      %dma_wait3A_100 = arith.constant 0 : i32
      %dma_wait3A_101 = tpu.memref_slice %arg16[%add3A_34, %dma_wait3A_100] : memref<10240x128xf32, #tpu.memory_space<vmem_shared>> -> memref<128x128xf32, #tpu.memory_space<vmem_shared>>
      %dma_wait3A_102 = arith.constant 0 : i32
      %dma_wait3A_103 = tpu.memref_slice %arg16[%add3A_34, %dma_wait3A_102] : memref<10240x128xf32, #tpu.memory_space<vmem_shared>> -> memref<128x128xf32, #tpu.memory_space<vmem_shared>>
      tpu.wait_dma2 semaphore(%run_scoped3A : memref<!tpu.dma_semaphore, #tpu.memory_space<semaphore_mem>>) src(%arg15 : memref<128x128xf32, #tpu.memory_space<vmem>>) dst(%dma_wait3A_103 : memref<128x128xf32, #tpu.memory_space<vmem_shared>>)
      tpu.yield
    }) : () -> ()
    %add3A_35 = arith.constant 128 : i32
    %add3A_36 = arith.addi %mul3A_2, %add3A_35 : i32
    "tpu.region"() ({
      %run_scoped3A = tpu.sem_alloc : memref<!tpu.dma_semaphore, #tpu.memory_space<semaphore_mem>>
      %dma_start3A_96 = arith.constant 0 : i32
      %dma_start3A_97 = tpu.memref_slice %arg16[%add3A_36, %dma_start3A_96] : memref<10240x128xf32, #tpu.memory_space<vmem_shared>> -> memref<128x128xf32, #tpu.memory_space<vmem_shared>>
      %dma_start3A_98 = arith.constant 0 : i32
      %dma_start3A_99 = tpu.memref_slice %arg16[%add3A_36, %dma_start3A_98] : memref<10240x128xf32, #tpu.memory_space<vmem_shared>> -> memref<128x128xf32, #tpu.memory_space<vmem_shared>>
      tpu.enqueue_dma source(%arg15 : memref<128x128xf32, #tpu.memory_space<vmem>>) target(%dma_start3A_99 : memref<128x128xf32, #tpu.memory_space<vmem_shared>>) target_semaphore(%run_scoped3A : memref<!tpu.dma_semaphore, #tpu.memory_space<semaphore_mem>>)
      %dma_wait3A_100 = arith.constant 0 : i32
      %dma_wait3A_101 = tpu.memref_slice %arg16[%add3A_36, %dma_wait3A_100] : memref<10240x128xf32, #tpu.memory_space<vmem_shared>> -> memref<128x128xf32, #tpu.memory_space<vmem_shared>>
      %dma_wait3A_102 = arith.constant 0 : i32
      %dma_wait3A_103 = tpu.memref_slice %arg16[%add3A_36, %dma_wait3A_102] : memref<10240x128xf32, #tpu.memory_space<vmem_shared>> -> memref<128x128xf32, #tpu.memory_space<vmem_shared>>
      tpu.wait_dma2 semaphore(%run_scoped3A : memref<!tpu.dma_semaphore, #tpu.memory_space<semaphore_mem>>) src(%arg15 : memref<128x128xf32, #tpu.memory_space<vmem>>) dst(%dma_wait3A_103 : memref<128x128xf32, #tpu.memory_space<vmem_shared>>)
      tpu.yield
    }) : () -> ()
    %add3A_37 = arith.constant 256 : i32
    %add3A_38 = arith.addi %mul3A_2, %add3A_37 : i32
    "tpu.region"() ({
      %run_scoped3A = tpu.sem_alloc : memref<!tpu.dma_semaphore, #tpu.memory_space<semaphore_mem>>
      %dma_start3A_96 = arith.constant 0 : i32
      %dma_start3A_97 = tpu.memref_slice %arg16[%add3A_38, %dma_start3A_96] : memref<10240x128xf32, #tpu.memory_space<vmem_shared>> -> memref<128x128xf32, #tpu.memory_space<vmem_shared>>
      %dma_start3A_98 = arith.constant 0 : i32
      %dma_start3A_99 = tpu.memref_slice %arg16[%add3A_38, %dma_start3A_98] : memref<10240x128xf32, #tpu.memory_space<vmem_shared>> -> memref<128x128xf32, #tpu.memory_space<vmem_shared>>
      tpu.enqueue_dma source(%arg15 : memref<128x128xf32, #tpu.memory_space<vmem>>) target(%dma_start3A_99 : memref<128x128xf32, #tpu.memory_space<vmem_shared>>) target_semaphore(%run_scoped3A : memref<!tpu.dma_semaphore, #tpu.memory_space<semaphore_mem>>)
      %dma_wait3A_100 = arith.constant 0 : i32
      %dma_wait3A_101 = tpu.memref_slice %arg16[%add3A_38, %dma_wait3A_100] : memref<10240x128xf32, #tpu.memory_space<vmem_shared>> -> memref<128x128xf32, #tpu.memory_space<vmem_shared>>
      %dma_wait3A_102 = arith.constant 0 : i32
      %dma_wait3A_103 = tpu.memref_slice %arg16[%add3A_38, %dma_wait3A_102] : memref<10240x128xf32, #tpu.memory_space<vmem_shared>> -> memref<128x128xf32, #tpu.memory_space<vmem_shared>>
      tpu.wait_dma2 semaphore(%run_scoped3A : memref<!tpu.dma_semaphore, #tpu.memory_space<semaphore_mem>>) src(%arg15 : memref<128x128xf32, #tpu.memory_space<vmem>>) dst(%dma_wait3A_103 : memref<128x128xf32, #tpu.memory_space<vmem_shared>>)
      tpu.yield
    }) : () -> ()
    %add3A_39 = arith.constant 384 : i32
    %add3A_40 = arith.addi %mul3A_2, %add3A_39 : i32
    "tpu.region"() ({
      %run_scoped3A = tpu.sem_alloc : memref<!tpu.dma_semaphore, #tpu.memory_space<semaphore_mem>>
      %dma_start3A_96 = arith.constant 0 : i32
      %dma_start3A_97 = tpu.memref_slice %arg16[%add3A_40, %dma_start3A_96] : memref<10240x128xf32, #tpu.memory_space<vmem_shared>> -> memref<128x128xf32, #tpu.memory_space<vmem_shared>>
      %dma_start3A_98 = arith.constant 0 : i32
      %dma_start3A_99 = tpu.memref_slice %arg16[%add3A_40, %dma_start3A_98] : memref<10240x128xf32, #tpu.memory_space<vmem_shared>> -> memref<128x128xf32, #tpu.memory_space<vmem_shared>>
      tpu.enqueue_dma source(%arg15 : memref<128x128xf32, #tpu.memory_space<vmem>>) target(%dma_start3A_99 : memref<128x128xf32, #tpu.memory_space<vmem_shared>>) target_semaphore(%run_scoped3A : memref<!tpu.dma_semaphore, #tpu.memory_space<semaphore_mem>>)
      %dma_wait3A_100 = arith.constant 0 : i32
      %dma_wait3A_101 = tpu.memref_slice %arg16[%add3A_40, %dma_wait3A_100] : memref<10240x128xf32, #tpu.memory_space<vmem_shared>> -> memref<128x128xf32, #tpu.memory_space<vmem_shared>>
      %dma_wait3A_102 = arith.constant 0 : i32
      %dma_wait3A_103 = tpu.memref_slice %arg16[%add3A_40, %dma_wait3A_102] : memref<10240x128xf32, #tpu.memory_space<vmem_shared>> -> memref<128x128xf32, #tpu.memory_space<vmem_shared>>
      tpu.wait_dma2 semaphore(%run_scoped3A : memref<!tpu.dma_semaphore, #tpu.memory_space<semaphore_mem>>) src(%arg15 : memref<128x128xf32, #tpu.memory_space<vmem>>) dst(%dma_wait3A_103 : memref<128x128xf32, #tpu.memory_space<vmem_shared>>)
      tpu.yield
    }) : () -> ()
    %add3A_41 = arith.constant 512 : i32
    %add3A_42 = arith.addi %mul3A_2, %add3A_41 : i32
    "tpu.region"() ({
      %run_scoped3A = tpu.sem_alloc : memref<!tpu.dma_semaphore, #tpu.memory_space<semaphore_mem>>
      %dma_start3A_96 = arith.constant 0 : i32
      %dma_start3A_97 = tpu.memref_slice %arg16[%add3A_42, %dma_start3A_96] : memref<10240x128xf32, #tpu.memory_space<vmem_shared>> -> memref<128x128xf32, #tpu.memory_space<vmem_shared>>
      %dma_start3A_98 = arith.constant 0 : i32
      %dma_start3A_99 = tpu.memref_slice %arg16[%add3A_42, %dma_start3A_98] : memref<10240x128xf32, #tpu.memory_space<vmem_shared>> -> memref<128x128xf32, #tpu.memory_space<vmem_shared>>
      tpu.enqueue_dma source(%arg15 : memref<128x128xf32, #tpu.memory_space<vmem>>) target(%dma_start3A_99 : memref<128x128xf32, #tpu.memory_space<vmem_shared>>) target_semaphore(%run_scoped3A : memref<!tpu.dma_semaphore, #tpu.memory_space<semaphore_mem>>)
      %dma_wait3A_100 = arith.constant 0 : i32
      %dma_wait3A_101 = tpu.memref_slice %arg16[%add3A_42, %dma_wait3A_100] : memref<10240x128xf32, #tpu.memory_space<vmem_shared>> -> memref<128x128xf32, #tpu.memory_space<vmem_shared>>
      %dma_wait3A_102 = arith.constant 0 : i32
      %dma_wait3A_103 = tpu.memref_slice %arg16[%add3A_42, %dma_wait3A_102] : memref<10240x128xf32, #tpu.memory_space<vmem_shared>> -> memref<128x128xf32, #tpu.memory_space<vmem_shared>>
      tpu.wait_dma2 semaphore(%run_scoped3A : memref<!tpu.dma_semaphore, #tpu.memory_space<semaphore_mem>>) src(%arg15 : memref<128x128xf32, #tpu.memory_space<vmem>>) dst(%dma_wait3A_103 : memref<128x128xf32, #tpu.memory_space<vmem_shared>>)
      tpu.yield
    }) : () -> ()
    %dma_wait3A = arith.constant 0 : i32
    %dma_wait3A_43 = tpu.memref_slice %arg3[%dma_wait3A] : memref<327680xi32, #tpu.memory_space<hbm>> -> memref<128xi32, #tpu.memory_space<hbm>>
    %dma_wait3A_44 = arith.constant 0 : i32
    %dma_wait3A_45 = tpu.memref_slice %arg3[%dma_wait3A_44] : memref<327680xi32, #tpu.memory_space<hbm>> -> memref<128xi32, #tpu.memory_space<hbm>>
    tpu.wait_dma2 semaphore(%arg19 : memref<!tpu.dma_semaphore, #tpu.memory_space<semaphore_mem>>) src(%dma_wait3A_45 : memref<128xi32, #tpu.memory_space<hbm>>) dst(%arg6 : memref<128xi32, #tpu.memory_space<vmem>>)
    %dma_wait3A_46 = arith.constant 0 : i32
    %dma_wait3A_47 = tpu.memref_slice %arg4[%dma_wait3A_46] : memref<327680xi32, #tpu.memory_space<hbm>> -> memref<128xi32, #tpu.memory_space<hbm>>
    %dma_wait3A_48 = arith.constant 0 : i32
    %dma_wait3A_49 = tpu.memref_slice %arg4[%dma_wait3A_48] : memref<327680xi32, #tpu.memory_space<hbm>> -> memref<128xi32, #tpu.memory_space<hbm>>
    tpu.wait_dma2 semaphore(%arg19 : memref<!tpu.dma_semaphore, #tpu.memory_space<semaphore_mem>>) src(%dma_wait3A_49 : memref<128xi32, #tpu.memory_space<hbm>>) dst(%arg10 : memref<128xi32, #tpu.memory_space<vmem>>)
    %dma_start3A_50 = arith.constant 0 : i32
    %dma_start3A_51 = arith.constant 0 : i32
    %dma_start3A_52 = tpu.memref_slice %arg2[%dma_start3A_50, %dma_start3A_51] : memref<10000x128xf32, #tpu.memory_space<hbm>> -> memref<10000x128xf32, #tpu.memory_space<hbm>>
    tpu.enqueue_indirect_dma source(%dma_start3A_52 : memref<10000x128xf32, #tpu.memory_space<hbm>>) target(%arg14 : memref<128x128xf32, #tpu.memory_space<vmem>>) offsets(%arg6 : memref<128xi32, #tpu.memory_space<vmem>>) semaphore(%arg17 : memref<!tpu.dma_semaphore, #tpu.memory_space<semaphore_mem>>)
    %dma_wait3A_53 = arith.constant 0 : i32
    %dma_wait3A_54 = tpu.memref_slice %arg3[%dma_wait3A_53] : memref<327680xi32, #tpu.memory_space<hbm>> -> memref<128xi32, #tpu.memory_space<hbm>>
    %dma_wait3A_55 = arith.constant 0 : i32
    %dma_wait3A_56 = tpu.memref_slice %arg3[%dma_wait3A_55] : memref<327680xi32, #tpu.memory_space<hbm>> -> memref<128xi32, #tpu.memory_space<hbm>>
    tpu.wait_dma2 semaphore(%arg20 : memref<!tpu.dma_semaphore, #tpu.memory_space<semaphore_mem>>) src(%dma_wait3A_56 : memref<128xi32, #tpu.memory_space<hbm>>) dst(%arg7 : memref<128xi32, #tpu.memory_space<vmem>>)
    %dma_wait3A_57 = arith.constant 0 : i32
    %dma_wait3A_58 = tpu.memref_slice %arg4[%dma_wait3A_57] : memref<327680xi32, #tpu.memory_space<hbm>> -> memref<128xi32, #tpu.memory_space<hbm>>
    %dma_wait3A_59 = arith.constant 0 : i32
    %dma_wait3A_60 = tpu.memref_slice %arg4[%dma_wait3A_59] : memref<327680xi32, #tpu.memory_space<hbm>> -> memref<128xi32, #tpu.memory_space<hbm>>
    tpu.wait_dma2 semaphore(%arg20 : memref<!tpu.dma_semaphore, #tpu.memory_space<semaphore_mem>>) src(%dma_wait3A_60 : memref<128xi32, #tpu.memory_space<hbm>>) dst(%arg11 : memref<128xi32, #tpu.memory_space<vmem>>)
    %dma_start3A_61 = arith.constant 0 : i32
    %dma_start3A_62 = arith.constant 0 : i32
    %dma_start3A_63 = tpu.memref_slice %arg2[%dma_start3A_61, %dma_start3A_62] : memref<10000x128xf32, #tpu.memory_space<hbm>> -> memref<10000x128xf32, #tpu.memory_space<hbm>>
    tpu.enqueue_indirect_dma source(%dma_start3A_63 : memref<10000x128xf32, #tpu.memory_space<hbm>>) target(%arg15 : memref<128x128xf32, #tpu.memory_space<vmem>>) offsets(%arg7 : memref<128xi32, #tpu.memory_space<vmem>>) semaphore(%arg18 : memref<!tpu.dma_semaphore, #tpu.memory_space<semaphore_mem>>)
    %barrier3A = arith.constant 0 : index
    tpu.barrier barrier_id(%barrier3A)
    %scan3A_64 = arith.constant 0 : i32
    %scan3A_65 = arith.constant 0 : i32
    %scan3A_66 = arith.constant 20 : i32
    %scan3A_67 = arith.addi %scan3A_65, %scan3A_66 : i32
    %scan3A_68 = arith.constant 1 : i32
    scf.for %scan3A_96 = %scan3A_65 to %scan3A_67 step %scan3A_68  : i32 {
      %mul3A_97 = arith.constant 4 : i32
      %mul3A_98 = arith.muli %mul3A_97, %scan3A_96 : i32
      %add3A_99 = arith.constant 0 : i32
      %add3A_100 = arith.addi %mul3A_98, %add3A_99 : i32
      %dma_wait3A_101 = arith.constant 0 : i32
      %dma_wait3A_102 = arith.constant 0 : i32
      %dma_wait3A_103 = tpu.memref_slice %arg2[%dma_wait3A_101, %dma_wait3A_102] : memref<10000x128xf32, #tpu.memory_space<hbm>> -> memref<10000x128xf32, #tpu.memory_space<hbm>>
      tpu.wait_indirect_dma semaphore(%arg17 : memref<!tpu.dma_semaphore, #tpu.memory_space<semaphore_mem>>) src(%dma_wait3A_103 : memref<10000x128xf32, #tpu.memory_space<hbm>>) dst(%arg14 : memref<128x128xf32, #tpu.memory_space<vmem>>)
      %dma_wait3A_104 = arith.constant 0 : i32
      %dma_wait3A_105 = tpu.memref_slice %arg3[%dma_wait3A_104] : memref<327680xi32, #tpu.memory_space<hbm>> -> memref<128xi32, #tpu.memory_space<hbm>>
      %dma_wait3A_106 = arith.constant 0 : i32
      %dma_wait3A_107 = tpu.memref_slice %arg3[%dma_wait3A_106] : memref<327680xi32, #tpu.memory_space<hbm>> -> memref<128xi32, #tpu.memory_space<hbm>>
      tpu.wait_dma2 semaphore(%arg21 : memref<!tpu.dma_semaphore, #tpu.memory_space<semaphore_mem>>) src(%dma_wait3A_107 : memref<128xi32, #tpu.memory_space<hbm>>) dst(%arg8 : memref<128xi32, #tpu.memory_space<vmem>>)
      %dma_wait3A_108 = arith.constant 0 : i32
      %dma_wait3A_109 = tpu.memref_slice %arg4[%dma_wait3A_108] : memref<327680xi32, #tpu.memory_space<hbm>> -> memref<128xi32, #tpu.memory_space<hbm>>
      %dma_wait3A_110 = arith.constant 0 : i32
      %dma_wait3A_111 = tpu.memref_slice %arg4[%dma_wait3A_110] : memref<327680xi32, #tpu.memory_space<hbm>> -> memref<128xi32, #tpu.memory_space<hbm>>
      tpu.wait_dma2 semaphore(%arg21 : memref<!tpu.dma_semaphore, #tpu.memory_space<semaphore_mem>>) src(%dma_wait3A_111 : memref<128xi32, #tpu.memory_space<hbm>>) dst(%arg12 : memref<128xi32, #tpu.memory_space<vmem>>)
      "tpu.region"() ({
        %run_scoped3A = tpu.sem_alloc : memref<!tpu.dma_semaphore, #tpu.memory_space<semaphore_mem>>
        %dma_start3A_226 = arith.constant 0 : i32
        %dma_start3A_227 = arith.constant 0 : i32
        %dma_start3A_228 = tpu.memref_slice %arg16[%dma_start3A_226, %dma_start3A_227] : memref<10240x128xf32, #tpu.memory_space<vmem_shared>> -> memref<10240x128xf32, #tpu.memory_space<vmem_shared>>
        tpu.enqueue_indirect_dma source(%arg14 : memref<128x128xf32, #tpu.memory_space<vmem>>) target(%dma_start3A_228 : memref<10240x128xf32, #tpu.memory_space<vmem_shared>>) offsets(%arg10 : memref<128xi32, #tpu.memory_space<vmem>>) semaphore(%run_scoped3A : memref<!tpu.dma_semaphore, #tpu.memory_space<semaphore_mem>>) {add = true}
        %dma_wait3A_229 = arith.constant 0 : i32
        %dma_wait3A_230 = arith.constant 0 : i32
        %dma_wait3A_231 = tpu.memref_slice %arg16[%dma_wait3A_229, %dma_wait3A_230] : memref<10240x128xf32, #tpu.memory_space<vmem_shared>> -> memref<10240x128xf32, #tpu.memory_space<vmem_shared>>
        tpu.wait_indirect_dma semaphore(%run_scoped3A : memref<!tpu.dma_semaphore, #tpu.memory_space<semaphore_mem>>) src(%arg14 : memref<128x128xf32, #tpu.memory_space<vmem>>) dst(%dma_wait3A_231 : memref<10240x128xf32, #tpu.memory_space<vmem_shared>>)
        tpu.yield
      }) : () -> ()
      %add3A_112 = arith.constant 4 : i32
      %add3A_113 = arith.addi %add3A_100, %add3A_112 : i32
      %lt3A = arith.constant 80 : i32
      %lt3A_114 = arith.cmpi slt, %add3A_113, %lt3A : i32
      %add3A_115 = arith.constant 4 : i32
      %add3A_116 = arith.addi %add3A_100, %add3A_115 : i32
      %jit3A = arith.constant 0 : i32
      %select_n3A = arith.select %lt3A_114, %add3A_116, %jit3A : i32
      %mul3A_117 = arith.constant 128 : i32
      %mul3A_118 = arith.muli %select_n3A, %mul3A_117 : i32
      %add3A_119 = arith.addi %mul3A_4, %mul3A_118 : i32
      %dma_start3A_120 = tpu.memref_slice %arg3[%add3A_119] : memref<327680xi32, #tpu.memory_space<hbm>> -> memref<128xi32, #tpu.memory_space<hbm>>
      %dma_start3A_121 = tpu.memref_slice %arg3[%add3A_119] : memref<327680xi32, #tpu.memory_space<hbm>> -> memref<128xi32, #tpu.memory_space<hbm>>
      tpu.enqueue_dma source(%dma_start3A_121 : memref<128xi32, #tpu.memory_space<hbm>>) target(%arg6 : memref<128xi32, #tpu.memory_space<vmem>>) target_semaphore(%arg19 : memref<!tpu.dma_semaphore, #tpu.memory_space<semaphore_mem>>)
      %dma_start3A_122 = tpu.memref_slice %arg4[%add3A_119] : memref<327680xi32, #tpu.memory_space<hbm>> -> memref<128xi32, #tpu.memory_space<hbm>>
      %dma_start3A_123 = tpu.memref_slice %arg4[%add3A_119] : memref<327680xi32, #tpu.memory_space<hbm>> -> memref<128xi32, #tpu.memory_space<hbm>>
      tpu.enqueue_dma source(%dma_start3A_123 : memref<128xi32, #tpu.memory_space<hbm>>) target(%arg10 : memref<128xi32, #tpu.memory_space<vmem>>) target_semaphore(%arg19 : memref<!tpu.dma_semaphore, #tpu.memory_space<semaphore_mem>>)
      %dma_start3A_124 = arith.constant 0 : i32
      %dma_start3A_125 = arith.constant 0 : i32
      %dma_start3A_126 = tpu.memref_slice %arg2[%dma_start3A_124, %dma_start3A_125] : memref<10000x128xf32, #tpu.memory_space<hbm>> -> memref<10000x128xf32, #tpu.memory_space<hbm>>
      tpu.enqueue_indirect_dma source(%dma_start3A_126 : memref<10000x128xf32, #tpu.memory_space<hbm>>) target(%arg14 : memref<128x128xf32, #tpu.memory_space<vmem>>) offsets(%arg8 : memref<128xi32, #tpu.memory_space<vmem>>) semaphore(%arg17 : memref<!tpu.dma_semaphore, #tpu.memory_space<semaphore_mem>>)
      %mul3A_127 = arith.constant 4 : i32
      %mul3A_128 = arith.muli %mul3A_127, %scan3A_96 : i32
      %add3A_129 = arith.constant 1 : i32
      %add3A_130 = arith.addi %mul3A_128, %add3A_129 : i32
      %dma_wait3A_131 = arith.constant 0 : i32
      %dma_wait3A_132 = arith.constant 0 : i32
      %dma_wait3A_133 = tpu.memref_slice %arg2[%dma_wait3A_131, %dma_wait3A_132] : memref<10000x128xf32, #tpu.memory_space<hbm>> -> memref<10000x128xf32, #tpu.memory_space<hbm>>
      tpu.wait_indirect_dma semaphore(%arg18 : memref<!tpu.dma_semaphore, #tpu.memory_space<semaphore_mem>>) src(%dma_wait3A_133 : memref<10000x128xf32, #tpu.memory_space<hbm>>) dst(%arg15 : memref<128x128xf32, #tpu.memory_space<vmem>>)
      %dma_wait3A_134 = arith.constant 0 : i32
      %dma_wait3A_135 = tpu.memref_slice %arg3[%dma_wait3A_134] : memref<327680xi32, #tpu.memory_space<hbm>> -> memref<128xi32, #tpu.memory_space<hbm>>
      %dma_wait3A_136 = arith.constant 0 : i32
      %dma_wait3A_137 = tpu.memref_slice %arg3[%dma_wait3A_136] : memref<327680xi32, #tpu.memory_space<hbm>> -> memref<128xi32, #tpu.memory_space<hbm>>
      tpu.wait_dma2 semaphore(%arg22 : memref<!tpu.dma_semaphore, #tpu.memory_space<semaphore_mem>>) src(%dma_wait3A_137 : memref<128xi32, #tpu.memory_space<hbm>>) dst(%arg9 : memref<128xi32, #tpu.memory_space<vmem>>)
      %dma_wait3A_138 = arith.constant 0 : i32
      %dma_wait3A_139 = tpu.memref_slice %arg4[%dma_wait3A_138] : memref<327680xi32, #tpu.memory_space<hbm>> -> memref<128xi32, #tpu.memory_space<hbm>>
      %dma_wait3A_140 = arith.constant 0 : i32
      %dma_wait3A_141 = tpu.memref_slice %arg4[%dma_wait3A_140] : memref<327680xi32, #tpu.memory_space<hbm>> -> memref<128xi32, #tpu.memory_space<hbm>>
      tpu.wait_dma2 semaphore(%arg22 : memref<!tpu.dma_semaphore, #tpu.memory_space<semaphore_mem>>) src(%dma_wait3A_141 : memref<128xi32, #tpu.memory_space<hbm>>) dst(%arg13 : memref<128xi32, #tpu.memory_space<vmem>>)
      "tpu.region"() ({
        %run_scoped3A = tpu.sem_alloc : memref<!tpu.dma_semaphore, #tpu.memory_space<semaphore_mem>>
        %dma_start3A_226 = arith.constant 0 : i32
        %dma_start3A_227 = arith.constant 0 : i32
        %dma_start3A_228 = tpu.memref_slice %arg16[%dma_start3A_226, %dma_start3A_227] : memref<10240x128xf32, #tpu.memory_space<vmem_shared>> -> memref<10240x128xf32, #tpu.memory_space<vmem_shared>>
        tpu.enqueue_indirect_dma source(%arg15 : memref<128x128xf32, #tpu.memory_space<vmem>>) target(%dma_start3A_228 : memref<10240x128xf32, #tpu.memory_space<vmem_shared>>) offsets(%arg11 : memref<128xi32, #tpu.memory_space<vmem>>) semaphore(%run_scoped3A : memref<!tpu.dma_semaphore, #tpu.memory_space<semaphore_mem>>) {add = true}
        %dma_wait3A_229 = arith.constant 0 : i32
        %dma_wait3A_230 = arith.constant 0 : i32
        %dma_wait3A_231 = tpu.memref_slice %arg16[%dma_wait3A_229, %dma_wait3A_230] : memref<10240x128xf32, #tpu.memory_space<vmem_shared>> -> memref<10240x128xf32, #tpu.memory_space<vmem_shared>>
        tpu.wait_indirect_dma semaphore(%run_scoped3A : memref<!tpu.dma_semaphore, #tpu.memory_space<semaphore_mem>>) src(%arg15 : memref<128x128xf32, #tpu.memory_space<vmem>>) dst(%dma_wait3A_231 : memref<10240x128xf32, #tpu.memory_space<vmem_shared>>)
        tpu.yield
      }) : () -> ()
      %add3A_142 = arith.constant 4 : i32
      %add3A_143 = arith.addi %add3A_130, %add3A_142 : i32
      %lt3A_144 = arith.constant 80 : i32
      %lt3A_145 = arith.cmpi slt, %add3A_143, %lt3A_144 : i32
      %add3A_146 = arith.constant 4 : i32
      %add3A_147 = arith.addi %add3A_130, %add3A_146 : i32
      %jit3A_148 = arith.constant 0 : i32
      %select_n3A_149 = arith.select %lt3A_145, %add3A_147, %jit3A_148 : i32
      %mul3A_150 = arith.constant 128 : i32
      %mul3A_151 = arith.muli %select_n3A_149, %mul3A_150 : i32
      %add3A_152 = arith.addi %mul3A_4, %mul3A_151 : i32
      %dma_start3A_153 = tpu.memref_slice %arg3[%add3A_152] : memref<327680xi32, #tpu.memory_space<hbm>> -> memref<128xi32, #tpu.memory_space<hbm>>
      %dma_start3A_154 = tpu.memref_slice %arg3[%add3A_152] : memref<327680xi32, #tpu.memory_space<hbm>> -> memref<128xi32, #tpu.memory_space<hbm>>
      tpu.enqueue_dma source(%dma_start3A_154 : memref<128xi32, #tpu.memory_space<hbm>>) target(%arg7 : memref<128xi32, #tpu.memory_space<vmem>>) target_semaphore(%arg20 : memref<!tpu.dma_semaphore, #tpu.memory_space<semaphore_mem>>)
      %dma_start3A_155 = tpu.memref_slice %arg4[%add3A_152] : memref<327680xi32, #tpu.memory_space<hbm>> -> memref<128xi32, #tpu.memory_space<hbm>>
      %dma_start3A_156 = tpu.memref_slice %arg4[%add3A_152] : memref<327680xi32, #tpu.memory_space<hbm>> -> memref<128xi32, #tpu.memory_space<hbm>>
      tpu.enqueue_dma source(%dma_start3A_156 : memref<128xi32, #tpu.memory_space<hbm>>) target(%arg11 : memref<128xi32, #tpu.memory_space<vmem>>) target_semaphore(%arg20 : memref<!tpu.dma_semaphore, #tpu.memory_space<semaphore_mem>>)
      %dma_start3A_157 = arith.constant 0 : i32
      %dma_start3A_158 = arith.constant 0 : i32
      %dma_start3A_159 = tpu.memref_slice %arg2[%dma_start3A_157, %dma_start3A_158] : memref<10000x128xf32, #tpu.memory_space<hbm>> -> memref<10000x128xf32, #tpu.memory_space<hbm>>
      tpu.enqueue_indirect_dma source(%dma_start3A_159 : memref<10000x128xf32, #tpu.memory_space<hbm>>) target(%arg15 : memref<128x128xf32, #tpu.memory_space<vmem>>) offsets(%arg9 : memref<128xi32, #tpu.memory_space<vmem>>) semaphore(%arg18 : memref<!tpu.dma_semaphore, #tpu.memory_space<semaphore_mem>>)
      %mul3A_160 = arith.constant 4 : i32
      %mul3A_161 = arith.muli %mul3A_160, %scan3A_96 : i32
      %add3A_162 = arith.constant 2 : i32
      %add3A_163 = arith.addi %mul3A_161, %add3A_162 : i32
      %dma_wait3A_164 = arith.constant 0 : i32
      %dma_wait3A_165 = arith.constant 0 : i32
      %dma_wait3A_166 = tpu.memref_slice %arg2[%dma_wait3A_164, %dma_wait3A_165] : memref<10000x128xf32, #tpu.memory_space<hbm>> -> memref<10000x128xf32, #tpu.memory_space<hbm>>
      tpu.wait_indirect_dma semaphore(%arg17 : memref<!tpu.dma_semaphore, #tpu.memory_space<semaphore_mem>>) src(%dma_wait3A_166 : memref<10000x128xf32, #tpu.memory_space<hbm>>) dst(%arg14 : memref<128x128xf32, #tpu.memory_space<vmem>>)
      %dma_wait3A_167 = arith.constant 0 : i32
      %dma_wait3A_168 = tpu.memref_slice %arg3[%dma_wait3A_167] : memref<327680xi32, #tpu.memory_space<hbm>> -> memref<128xi32, #tpu.memory_space<hbm>>
      %dma_wait3A_169 = arith.constant 0 : i32
      %dma_wait3A_170 = tpu.memref_slice %arg3[%dma_wait3A_169] : memref<327680xi32, #tpu.memory_space<hbm>> -> memref<128xi32, #tpu.memory_space<hbm>>
      tpu.wait_dma2 semaphore(%arg19 : memref<!tpu.dma_semaphore, #tpu.memory_space<semaphore_mem>>) src(%dma_wait3A_170 : memref<128xi32, #tpu.memory_space<hbm>>) dst(%arg6 : memref<128xi32, #tpu.memory_space<vmem>>)
      %dma_wait3A_171 = arith.constant 0 : i32
      %dma_wait3A_172 = tpu.memref_slice %arg4[%dma_wait3A_171] : memref<327680xi32, #tpu.memory_space<hbm>> -> memref<128xi32, #tpu.memory_space<hbm>>
      %dma_wait3A_173 = arith.constant 0 : i32
      %dma_wait3A_174 = tpu.memref_slice %arg4[%dma_wait3A_173] : memref<327680xi32, #tpu.memory_space<hbm>> -> memref<128xi32, #tpu.memory_space<hbm>>
      tpu.wait_dma2 semaphore(%arg19 : memref<!tpu.dma_semaphore, #tpu.memory_space<semaphore_mem>>) src(%dma_wait3A_174 : memref<128xi32, #tpu.memory_space<hbm>>) dst(%arg10 : memref<128xi32, #tpu.memory_space<vmem>>)
      "tpu.region"() ({
        %run_scoped3A = tpu.sem_alloc : memref<!tpu.dma_semaphore, #tpu.memory_space<semaphore_mem>>
        %dma_start3A_226 = arith.constant 0 : i32
        %dma_start3A_227 = arith.constant 0 : i32
        %dma_start3A_228 = tpu.memref_slice %arg16[%dma_start3A_226, %dma_start3A_227] : memref<10240x128xf32, #tpu.memory_space<vmem_shared>> -> memref<10240x128xf32, #tpu.memory_space<vmem_shared>>
        tpu.enqueue_indirect_dma source(%arg14 : memref<128x128xf32, #tpu.memory_space<vmem>>) target(%dma_start3A_228 : memref<10240x128xf32, #tpu.memory_space<vmem_shared>>) offsets(%arg12 : memref<128xi32, #tpu.memory_space<vmem>>) semaphore(%run_scoped3A : memref<!tpu.dma_semaphore, #tpu.memory_space<semaphore_mem>>) {add = true}
        %dma_wait3A_229 = arith.constant 0 : i32
        %dma_wait3A_230 = arith.constant 0 : i32
        %dma_wait3A_231 = tpu.memref_slice %arg16[%dma_wait3A_229, %dma_wait3A_230] : memref<10240x128xf32, #tpu.memory_space<vmem_shared>> -> memref<10240x128xf32, #tpu.memory_space<vmem_shared>>
        tpu.wait_indirect_dma semaphore(%run_scoped3A : memref<!tpu.dma_semaphore, #tpu.memory_space<semaphore_mem>>) src(%arg14 : memref<128x128xf32, #tpu.memory_space<vmem>>) dst(%dma_wait3A_231 : memref<10240x128xf32, #tpu.memory_space<vmem_shared>>)
        tpu.yield
      }) : () -> ()
      %add3A_175 = arith.constant 4 : i32
      %add3A_176 = arith.addi %add3A_163, %add3A_175 : i32
      %lt3A_177 = arith.constant 80 : i32
      %lt3A_178 = arith.cmpi slt, %add3A_176, %lt3A_177 : i32
      %add3A_179 = arith.constant 4 : i32
      %add3A_180 = arith.addi %add3A_163, %add3A_179 : i32
      %jit3A_181 = arith.constant 0 : i32
      %select_n3A_182 = arith.select %lt3A_178, %add3A_180, %jit3A_181 : i32
      %mul3A_183 = arith.constant 128 : i32
      %mul3A_184 = arith.muli %select_n3A_182, %mul3A_183 : i32
      %add3A_185 = arith.addi %mul3A_4, %mul3A_184 : i32
      %dma_start3A_186 = tpu.memref_slice %arg3[%add3A_185] : memref<327680xi32, #tpu.memory_space<hbm>> -> memref<128xi32, #tpu.memory_space<hbm>>
      %dma_start3A_187 = tpu.memref_slice %arg3[%add3A_185] : memref<327680xi32, #tpu.memory_space<hbm>> -> memref<128xi32, #tpu.memory_space<hbm>>
      tpu.enqueue_dma source(%dma_start3A_187 : memref<128xi32, #tpu.memory_space<hbm>>) target(%arg8 : memref<128xi32, #tpu.memory_space<vmem>>) target_semaphore(%arg21 : memref<!tpu.dma_semaphore, #tpu.memory_space<semaphore_mem>>)
      %dma_start3A_188 = tpu.memref_slice %arg4[%add3A_185] : memref<327680xi32, #tpu.memory_space<hbm>> -> memref<128xi32, #tpu.memory_space<hbm>>
      %dma_start3A_189 = tpu.memref_slice %arg4[%add3A_185] : memref<327680xi32, #tpu.memory_space<hbm>> -> memref<128xi32, #tpu.memory_space<hbm>>
      tpu.enqueue_dma source(%dma_start3A_189 : memref<128xi32, #tpu.memory_space<hbm>>) target(%arg12 : memref<128xi32, #tpu.memory_space<vmem>>) target_semaphore(%arg21 : memref<!tpu.dma_semaphore, #tpu.memory_space<semaphore_mem>>)
      %dma_start3A_190 = arith.constant 0 : i32
      %dma_start3A_191 = arith.constant 0 : i32
      %dma_start3A_192 = tpu.memref_slice %arg2[%dma_start3A_190, %dma_start3A_191] : memref<10000x128xf32, #tpu.memory_space<hbm>> -> memref<10000x128xf32, #tpu.memory_space<hbm>>
      tpu.enqueue_indirect_dma source(%dma_start3A_192 : memref<10000x128xf32, #tpu.memory_space<hbm>>) target(%arg14 : memref<128x128xf32, #tpu.memory_space<vmem>>) offsets(%arg6 : memref<128xi32, #tpu.memory_space<vmem>>) semaphore(%arg17 : memref<!tpu.dma_semaphore, #tpu.memory_space<semaphore_mem>>)
      %mul3A_193 = arith.constant 4 : i32
      %mul3A_194 = arith.muli %mul3A_193, %scan3A_96 : i32
      %add3A_195 = arith.constant 3 : i32
      %add3A_196 = arith.addi %mul3A_194, %add3A_195 : i32
      %dma_wait3A_197 = arith.constant 0 : i32
      %dma_wait3A_198 = arith.constant 0 : i32
      %dma_wait3A_199 = tpu.memref_slice %arg2[%dma_wait3A_197, %dma_wait3A_198] : memref<10000x128xf32, #tpu.memory_space<hbm>> -> memref<10000x128xf32, #tpu.memory_space<hbm>>
      tpu.wait_indirect_dma semaphore(%arg18 : memref<!tpu.dma_semaphore, #tpu.memory_space<semaphore_mem>>) src(%dma_wait3A_199 : memref<10000x128xf32, #tpu.memory_space<hbm>>) dst(%arg15 : memref<128x128xf32, #tpu.memory_space<vmem>>)
      %dma_wait3A_200 = arith.constant 0 : i32
      %dma_wait3A_201 = tpu.memref_slice %arg3[%dma_wait3A_200] : memref<327680xi32, #tpu.memory_space<hbm>> -> memref<128xi32, #tpu.memory_space<hbm>>
      %dma_wait3A_202 = arith.constant 0 : i32
      %dma_wait3A_203 = tpu.memref_slice %arg3[%dma_wait3A_202] : memref<327680xi32, #tpu.memory_space<hbm>> -> memref<128xi32, #tpu.memory_space<hbm>>
      tpu.wait_dma2 semaphore(%arg20 : memref<!tpu.dma_semaphore, #tpu.memory_space<semaphore_mem>>) src(%dma_wait3A_203 : memref<128xi32, #tpu.memory_space<hbm>>) dst(%arg7 : memref<128xi32, #tpu.memory_space<vmem>>)
      %dma_wait3A_204 = arith.constant 0 : i32
      %dma_wait3A_205 = tpu.memref_slice %arg4[%dma_wait3A_204] : memref<327680xi32, #tpu.memory_space<hbm>> -> memref<128xi32, #tpu.memory_space<hbm>>
      %dma_wait3A_206 = arith.constant 0 : i32
      %dma_wait3A_207 = tpu.memref_slice %arg4[%dma_wait3A_206] : memref<327680xi32, #tpu.memory_space<hbm>> -> memref<128xi32, #tpu.memory_space<hbm>>
      tpu.wait_dma2 semaphore(%arg20 : memref<!tpu.dma_semaphore, #tpu.memory_space<semaphore_mem>>) src(%dma_wait3A_207 : memref<128xi32, #tpu.memory_space<hbm>>) dst(%arg11 : memref<128xi32, #tpu.memory_space<vmem>>)
      "tpu.region"() ({
        %run_scoped3A = tpu.sem_alloc : memref<!tpu.dma_semaphore, #tpu.memory_space<semaphore_mem>>
        %dma_start3A_226 = arith.constant 0 : i32
        %dma_start3A_227 = arith.constant 0 : i32
        %dma_start3A_228 = tpu.memref_slice %arg16[%dma_start3A_226, %dma_start3A_227] : memref<10240x128xf32, #tpu.memory_space<vmem_shared>> -> memref<10240x128xf32, #tpu.memory_space<vmem_shared>>
        tpu.enqueue_indirect_dma source(%arg15 : memref<128x128xf32, #tpu.memory_space<vmem>>) target(%dma_start3A_228 : memref<10240x128xf32, #tpu.memory_space<vmem_shared>>) offsets(%arg13 : memref<128xi32, #tpu.memory_space<vmem>>) semaphore(%run_scoped3A : memref<!tpu.dma_semaphore, #tpu.memory_space<semaphore_mem>>) {add = true}
        %dma_wait3A_229 = arith.constant 0 : i32
        %dma_wait3A_230 = arith.constant 0 : i32
        %dma_wait3A_231 = tpu.memref_slice %arg16[%dma_wait3A_229, %dma_wait3A_230] : memref<10240x128xf32, #tpu.memory_space<vmem_shared>> -> memref<10240x128xf32, #tpu.memory_space<vmem_shared>>
        tpu.wait_indirect_dma semaphore(%run_scoped3A : memref<!tpu.dma_semaphore, #tpu.memory_space<semaphore_mem>>) src(%arg15 : memref<128x128xf32, #tpu.memory_space<vmem>>) dst(%dma_wait3A_231 : memref<10240x128xf32, #tpu.memory_space<vmem_shared>>)
        tpu.yield
      }) : () -> ()
      %add3A_208 = arith.constant 4 : i32
      %add3A_209 = arith.addi %add3A_196, %add3A_208 : i32
      %lt3A_210 = arith.constant 80 : i32
      %lt3A_211 = arith.cmpi slt, %add3A_209, %lt3A_210 : i32
      %add3A_212 = arith.constant 4 : i32
      %add3A_213 = arith.addi %add3A_196, %add3A_212 : i32
      %jit3A_214 = arith.constant 0 : i32
      %select_n3A_215 = arith.select %lt3A_211, %add3A_213, %jit3A_214 : i32
      %mul3A_216 = arith.constant 128 : i32
      %mul3A_217 = arith.muli %select_n3A_215, %mul3A_216 : i32
      %add3A_218 = arith.addi %mul3A_4, %mul3A_217 : i32
      %dma_start3A_219 = tpu.memref_slice %arg3[%add3A_218] : memref<327680xi32, #tpu.memory_space<hbm>> -> memref<128xi32, #tpu.memory_space<hbm>>
      %dma_start3A_220 = tpu.memref_slice %arg3[%add3A_218] : memref<327680xi32, #tpu.memory_space<hbm>> -> memref<128xi32, #tpu.memory_space<hbm>>
      tpu.enqueue_dma source(%dma_start3A_220 : memref<128xi32, #tpu.memory_space<hbm>>) target(%arg9 : memref<128xi32, #tpu.memory_space<vmem>>) target_semaphore(%arg22 : memref<!tpu.dma_semaphore, #tpu.memory_space<semaphore_mem>>)
      %dma_start3A_221 = tpu.memref_slice %arg4[%add3A_218] : memref<327680xi32, #tpu.memory_space<hbm>> -> memref<128xi32, #tpu.memory_space<hbm>>
      %dma_start3A_222 = tpu.memref_slice %arg4[%add3A_218] : memref<327680xi32, #tpu.memory_space<hbm>> -> memref<128xi32, #tpu.memory_space<hbm>>
      tpu.enqueue_dma source(%dma_start3A_222 : memref<128xi32, #tpu.memory_space<hbm>>) target(%arg13 : memref<128xi32, #tpu.memory_space<vmem>>) target_semaphore(%arg22 : memref<!tpu.dma_semaphore, #tpu.memory_space<semaphore_mem>>)
      %dma_start3A_223 = arith.constant 0 : i32
      %dma_start3A_224 = arith.constant 0 : i32
      %dma_start3A_225 = tpu.memref_slice %arg2[%dma_start3A_223, %dma_start3A_224] : memref<10000x128xf32, #tpu.memory_space<hbm>> -> memref<10000x128xf32, #tpu.memory_space<hbm>>
      tpu.enqueue_indirect_dma source(%dma_start3A_225 : memref<10000x128xf32, #tpu.memory_space<hbm>>) target(%arg15 : memref<128x128xf32, #tpu.memory_space<vmem>>) offsets(%arg7 : memref<128xi32, #tpu.memory_space<vmem>>) semaphore(%arg18 : memref<!tpu.dma_semaphore, #tpu.memory_space<semaphore_mem>>)
    }
    %scan3A_69 = arith.constant 20 : i32
    %dma_wait3A_70 = arith.constant 0 : i32
    %dma_wait3A_71 = arith.constant 0 : i32
    %dma_wait3A_72 = tpu.memref_slice %arg2[%dma_wait3A_70, %dma_wait3A_71] : memref<10000x128xf32, #tpu.memory_space<hbm>> -> memref<10000x128xf32, #tpu.memory_space<hbm>>
    tpu.wait_indirect_dma semaphore(%arg17 : memref<!tpu.dma_semaphore, #tpu.memory_space<semaphore_mem>>) src(%dma_wait3A_72 : memref<10000x128xf32, #tpu.memory_space<hbm>>) dst(%arg14 : memref<128x128xf32, #tpu.memory_space<vmem>>)
    %dma_wait3A_73 = arith.constant 0 : i32
    %dma_wait3A_74 = arith.constant 0 : i32
    %dma_wait3A_75 = tpu.memref_slice %arg2[%dma_wait3A_73, %dma_wait3A_74] : memref<10000x128xf32, #tpu.memory_space<hbm>> -> memref<10000x128xf32, #tpu.memory_space<hbm>>
    tpu.wait_indirect_dma semaphore(%arg18 : memref<!tpu.dma_semaphore, #tpu.memory_space<semaphore_mem>>) src(%dma_wait3A_75 : memref<10000x128xf32, #tpu.memory_space<hbm>>) dst(%arg15 : memref<128x128xf32, #tpu.memory_space<vmem>>)
    %dma_wait3A_76 = arith.constant 0 : i32
    %dma_wait3A_77 = tpu.memref_slice %arg3[%dma_wait3A_76] : memref<327680xi32, #tpu.memory_space<hbm>> -> memref<128xi32, #tpu.memory_space<hbm>>
    %dma_wait3A_78 = arith.constant 0 : i32
    %dma_wait3A_79 = tpu.memref_slice %arg3[%dma_wait3A_78] : memref<327680xi32, #tpu.memory_space<hbm>> -> memref<128xi32, #tpu.memory_space<hbm>>
    tpu.wait_dma2 semaphore(%arg21 : memref<!tpu.dma_semaphore, #tpu.memory_space<semaphore_mem>>) src(%dma_wait3A_79 : memref<128xi32, #tpu.memory_space<hbm>>) dst(%arg8 : memref<128xi32, #tpu.memory_space<vmem>>)
    %dma_wait3A_80 = arith.constant 0 : i32
    %dma_wait3A_81 = tpu.memref_slice %arg4[%dma_wait3A_80] : memref<327680xi32, #tpu.memory_space<hbm>> -> memref<128xi32, #tpu.memory_space<hbm>>
    %dma_wait3A_82 = arith.constant 0 : i32
    %dma_wait3A_83 = tpu.memref_slice %arg4[%dma_wait3A_82] : memref<327680xi32, #tpu.memory_space<hbm>> -> memref<128xi32, #tpu.memory_space<hbm>>
    tpu.wait_dma2 semaphore(%arg21 : memref<!tpu.dma_semaphore, #tpu.memory_space<semaphore_mem>>) src(%dma_wait3A_83 : memref<128xi32, #tpu.memory_space<hbm>>) dst(%arg12 : memref<128xi32, #tpu.memory_space<vmem>>)
    %dma_wait3A_84 = arith.constant 0 : i32
    %dma_wait3A_85 = tpu.memref_slice %arg3[%dma_wait3A_84] : memref<327680xi32, #tpu.memory_space<hbm>> -> memref<128xi32, #tpu.memory_space<hbm>>
    %dma_wait3A_86 = arith.constant 0 : i32
    %dma_wait3A_87 = tpu.memref_slice %arg3[%dma_wait3A_86] : memref<327680xi32, #tpu.memory_space<hbm>> -> memref<128xi32, #tpu.memory_space<hbm>>
    tpu.wait_dma2 semaphore(%arg22 : memref<!tpu.dma_semaphore, #tpu.memory_space<semaphore_mem>>) src(%dma_wait3A_87 : memref<128xi32, #tpu.memory_space<hbm>>) dst(%arg9 : memref<128xi32, #tpu.memory_space<vmem>>)
    %dma_wait3A_88 = arith.constant 0 : i32
    %dma_wait3A_89 = tpu.memref_slice %arg4[%dma_wait3A_88] : memref<327680xi32, #tpu.memory_space<hbm>> -> memref<128xi32, #tpu.memory_space<hbm>>
    %dma_wait3A_90 = arith.constant 0 : i32
    %dma_wait3A_91 = tpu.memref_slice %arg4[%dma_wait3A_90] : memref<327680xi32, #tpu.memory_space<hbm>> -> memref<128xi32, #tpu.memory_space<hbm>>
    tpu.wait_dma2 semaphore(%arg22 : memref<!tpu.dma_semaphore, #tpu.memory_space<semaphore_mem>>) src(%dma_wait3A_91 : memref<128xi32, #tpu.memory_space<hbm>>) dst(%arg13 : memref<128xi32, #tpu.memory_space<vmem>>)
    %barrier3A_92 = arith.constant 0 : index
    tpu.barrier barrier_id(%barrier3A_92)
    %mul3A_93 = arith.constant 10240 : i32
    %mul3A_94 = arith.muli %arg0, %mul3A_93 : i32
    %add3A_95 = arith.addi %mul3A_94, %mul3A_2 : i32
    "tpu.region"() ({
      %run_scoped3A = tpu.sem_alloc : memref<!tpu.dma_semaphore, #tpu.memory_space<semaphore_mem>>
      %dma_start3A_96 = arith.constant 0 : i32
      %dma_start3A_97 = tpu.memref_slice %arg5[%add3A_95, %dma_start3A_96] : memref<20480x128xf32, #tpu.memory_space<hbm>> -> memref<640x128xf32, #tpu.memory_space<hbm>>
      %dma_start3A_98 = arith.constant 0 : i32
      %dma_start3A_99 = tpu.memref_slice %arg16[%mul3A_2, %dma_start3A_98] : memref<10240x128xf32, #tpu.memory_space<vmem_shared>> -> memref<640x128xf32, #tpu.memory_space<vmem_shared>>
      tpu.enqueue_dma source(%dma_start3A_99 : memref<640x128xf32, #tpu.memory_space<vmem_shared>>) target(%dma_start3A_97 : memref<640x128xf32, #tpu.memory_space<hbm>>) target_semaphore(%run_scoped3A : memref<!tpu.dma_semaphore, #tpu.memory_space<semaphore_mem>>)
      %dma_wait3A_100 = arith.constant 0 : i32
      %dma_wait3A_101 = tpu.memref_slice %arg5[%add3A_95, %dma_wait3A_100] : memref<20480x128xf32, #tpu.memory_space<hbm>> -> memref<640x128xf32, #tpu.memory_space<hbm>>
      %dma_wait3A_102 = arith.constant 0 : i32
      %dma_wait3A_103 = tpu.memref_slice %arg16[%mul3A_2, %dma_wait3A_102] : memref<10240x128xf32, #tpu.memory_space<vmem_shared>> -> memref<640x128xf32, #tpu.memory_space<vmem_shared>>
      tpu.wait_dma2 semaphore(%run_scoped3A : memref<!tpu.dma_semaphore, #tpu.memory_space<semaphore_mem>>) src(%dma_wait3A_103 : memref<640x128xf32, #tpu.memory_space<vmem_shared>>) dst(%dma_wait3A_101 : memref<640x128xf32, #tpu.memory_space<hbm>>)
      tpu.yield
    }) : () -> ()
    return
  }
}

#map = affine_map<(d0, d1) -> (0, 0)>
#map1 = affine_map<(d0, d1) -> (0)>
module attributes {stable_mosaic.version = 14 : i64} {
  func.func @k(%arg0: i32, %arg1: i32, %arg2: memref<10000x128xf32, #tpu.memory_space<hbm>>, %arg3: memref<327680xi32, #tpu.memory_space<hbm>>, %arg4: memref<327680xi32, #tpu.memory_space<hbm>>, %arg5: memref<20480x128xf32, #tpu.memory_space<hbm>>, %arg6: memref<128xi32, #tpu.memory_space<vmem>>, %arg7: memref<128xi32, #tpu.memory_space<vmem>>, %arg8: memref<128xi32, #tpu.memory_space<vmem>>, %arg9: memref<128xi32, #tpu.memory_space<vmem>>, %arg10: memref<128xi32, #tpu.memory_space<vmem>>, %arg11: memref<128xi32, #tpu.memory_space<vmem>>, %arg12: memref<128xi32, #tpu.memory_space<vmem>>, %arg13: memref<128xi32, #tpu.memory_space<vmem>>, %arg14: memref<128x128xf32, #tpu.memory_space<vmem>>, %arg15: memref<128x128xf32, #tpu.memory_space<vmem>>, %arg16: memref<10240x128xf32, #tpu.memory_space<vmem_shared>>, %arg17: memref<!tpu.dma_semaphore, #tpu.memory_space<semaphore_mem>>, %arg18: memref<!tpu.dma_semaphore, #tpu.memory_space<semaphore_mem>>, %arg19: memref<!tpu.dma_semaphore, #tpu.memory_space<semaphore_mem>>, %arg20: memref<!tpu.dma_semaphore, #tpu.memory_space<semaphore_mem>>, %arg21: memref<!tpu.dma_semaphore, #tpu.memory_space<semaphore_mem>>, %arg22: memref<!tpu.dma_semaphore, #tpu.memory_space<semaphore_mem>>) attributes {dimension_semantics = [#tpu.dimension_semantics<core_parallel>, #tpu.dimension_semantics<subcore_parallel>], iteration_bounds = array<i64: 2, 16>, scalar_prefetch = 0 : i64, scratch_operands = 17 : i64, tpu.core_type = #tpu.core_type<sc_vector_subcore>, window_params = [{transform_indices = #map}, {transform_indices = #map1}, {transform_indices = #map1}, {transform_indices = #map}]} {
    %mul3A = arith.constant 16 : i32
    %mul3A_0 = arith.muli %arg0, %mul3A : i32
    %add3A = arith.addi %mul3A_0, %arg1 : i32
    %mul3A_1 = arith.constant 640 : i32
    %mul3A_2 = arith.muli %arg1, %mul3A_1 : i32
    %mul3A_3 = arith.constant 10240 : i32
    %mul3A_4 = arith.muli %add3A, %mul3A_3 : i32
    %add3A_5 = arith.constant 0 : i32
    %add3A_6 = arith.addi %mul3A_4, %add3A_5 : i32
    %dma_start3A = tpu.memref_slice %arg3[%add3A_6] : memref<327680xi32, #tpu.memory_space<hbm>> -> memref<128xi32, #tpu.memory_space<hbm>>
    %dma_start3A_7 = tpu.memref_slice %arg3[%add3A_6] : memref<327680xi32, #tpu.memory_space<hbm>> -> memref<128xi32, #tpu.memory_space<hbm>>
    tpu.enqueue_dma source(%dma_start3A_7 : memref<128xi32, #tpu.memory_space<hbm>>) target(%arg6 : memref<128xi32, #tpu.memory_space<vmem>>) target_semaphore(%arg19 : memref<!tpu.dma_semaphore, #tpu.memory_space<semaphore_mem>>)
    %dma_start3A_8 = tpu.memref_slice %arg4[%add3A_6] : memref<327680xi32, #tpu.memory_space<hbm>> -> memref<128xi32, #tpu.memory_space<hbm>>
    %dma_start3A_9 = tpu.memref_slice %arg4[%add3A_6] : memref<327680xi32, #tpu.memory_space<hbm>> -> memref<128xi32, #tpu.memory_space<hbm>>
    tpu.enqueue_dma source(%dma_start3A_9 : memref<128xi32, #tpu.memory_space<hbm>>) target(%arg10 : memref<128xi32, #tpu.memory_space<vmem>>) target_semaphore(%arg19 : memref<!tpu.dma_semaphore, #tpu.memory_space<semaphore_mem>>)
    %add3A_10 = arith.constant 128 : i32
    %add3A_11 = arith.addi %mul3A_4, %add3A_10 : i32
    %dma_start3A_12 = tpu.memref_slice %arg3[%add3A_11] : memref<327680xi32, #tpu.memory_space<hbm>> -> memref<128xi32, #tpu.memory_space<hbm>>
    %dma_start3A_13 = tpu.memref_slice %arg3[%add3A_11] : memref<327680xi32, #tpu.memory_space<hbm>> -> memref<128xi32, #tpu.memory_space<hbm>>
    tpu.enqueue_dma source(%dma_start3A_13 : memref<128xi32, #tpu.memory_space<hbm>>) target(%arg7 : memref<128xi32, #tpu.memory_space<vmem>>) target_semaphore(%arg20 : memref<!tpu.dma_semaphore, #tpu.memory_space<semaphore_mem>>)
    %dma_start3A_14 = tpu.memref_slice %arg4[%add3A_11] : memref<327680xi32, #tpu.memory_space<hbm>> -> memref<128xi32, #tpu.memory_space<hbm>>
    %dma_start3A_15 = tpu.memref_slice %arg4[%add3A_11] : memref<327680xi32, #tpu.memory_space<hbm>> -> memref<128xi32, #tpu.memory_space<hbm>>
    tpu.enqueue_dma source(%dma_start3A_15 : memref<128xi32, #tpu.memory_space<hbm>>) target(%arg11 : memref<128xi32, #tpu.memory_space<vmem>>) target_semaphore(%arg20 : memref<!tpu.dma_semaphore, #tpu.memory_space<semaphore_mem>>)
    %add3A_16 = arith.constant 256 : i32
    %add3A_17 = arith.addi %mul3A_4, %add3A_16 : i32
    %dma_start3A_18 = tpu.memref_slice %arg3[%add3A_17] : memref<327680xi32, #tpu.memory_space<hbm>> -> memref<128xi32, #tpu.memory_space<hbm>>
    %dma_start3A_19 = tpu.memref_slice %arg3[%add3A_17] : memref<327680xi32, #tpu.memory_space<hbm>> -> memref<128xi32, #tpu.memory_space<hbm>>
    tpu.enqueue_dma source(%dma_start3A_19 : memref<128xi32, #tpu.memory_space<hbm>>) target(%arg8 : memref<128xi32, #tpu.memory_space<vmem>>) target_semaphore(%arg21 : memref<!tpu.dma_semaphore, #tpu.memory_space<semaphore_mem>>)
    %dma_start3A_20 = tpu.memref_slice %arg4[%add3A_17] : memref<327680xi32, #tpu.memory_space<hbm>> -> memref<128xi32, #tpu.memory_space<hbm>>
    %dma_start3A_21 = tpu.memref_slice %arg4[%add3A_17] : memref<327680xi32, #tpu.memory_space<hbm>> -> memref<128xi32, #tpu.memory_space<hbm>>
    tpu.enqueue_dma source(%dma_start3A_21 : memref<128xi32, #tpu.memory_space<hbm>>) target(%arg12 : memref<128xi32, #tpu.memory_space<vmem>>) target_semaphore(%arg21 : memref<!tpu.dma_semaphore, #tpu.memory_space<semaphore_mem>>)
    %add3A_22 = arith.constant 384 : i32
    %add3A_23 = arith.addi %mul3A_4, %add3A_22 : i32
    %dma_start3A_24 = tpu.memref_slice %arg3[%add3A_23] : memref<327680xi32, #tpu.memory_space<hbm>> -> memref<128xi32, #tpu.memory_space<hbm>>
    %dma_start3A_25 = tpu.memref_slice %arg3[%add3A_23] : memref<327680xi32, #tpu.memory_space<hbm>> -> memref<128xi32, #tpu.memory_space<hbm>>
    tpu.enqueue_dma source(%dma_start3A_25 : memref<128xi32, #tpu.memory_space<hbm>>) target(%arg9 : memref<128xi32, #tpu.memory_space<vmem>>) target_semaphore(%arg22 : memref<!tpu.dma_semaphore, #tpu.memory_space<semaphore_mem>>)
    %dma_start3A_26 = tpu.memref_slice %arg4[%add3A_23] : memref<327680xi32, #tpu.memory_space<hbm>> -> memref<128xi32, #tpu.memory_space<hbm>>
    %dma_start3A_27 = tpu.memref_slice %arg4[%add3A_23] : memref<327680xi32, #tpu.memory_space<hbm>> -> memref<128xi32, #tpu.memory_space<hbm>>
    tpu.enqueue_dma source(%dma_start3A_27 : memref<128xi32, #tpu.memory_space<hbm>>) target(%arg13 : memref<128xi32, #tpu.memory_space<vmem>>) target_semaphore(%arg22 : memref<!tpu.dma_semaphore, #tpu.memory_space<semaphore_mem>>)
    %scan3A = arith.constant 0 : i32
    %scan3A_28 = arith.constant 0 : i32
    %scan3A_29 = arith.constant 128 : i32
    %scan3A_30 = arith.addi %scan3A_28, %scan3A_29 : i32
    %scan3A_31 = arith.constant 1 : i32
    scf.for %scan3A_96 = %scan3A_28 to %scan3A_30 step %scan3A_31  : i32 {
      %broadcast_in_dim3A = arith.constant 0.000000e+00 : f32
      %broadcast_in_dim3A_97 = vector.broadcast %broadcast_in_dim3A : f32 to vector<16xf32>
      %swap3A = arith.index_cast %scan3A_96 : i32 to index
      %swap3A_98 = arith.constant 0 : index
      %swap3A_99 = tpu.vector_load %arg15[%swap3A, %swap3A_98] {strides = array<i32>} : memref<128x128xf32, #tpu.memory_space<vmem>>, vector<1x16xf32>,
      %swap3A_100 = vector.shape_cast %swap3A_99 : vector<1x16xf32> to vector<16xf32>
      %swap3A_101 = vector.shape_cast %broadcast_in_dim3A_97 : vector<16xf32> to vector<1x16xf32>
      tpu.vector_store %arg15[%swap3A, %swap3A_98], %swap3A_101 {strides = array<i32>} : memref<128x128xf32, #tpu.memory_space<vmem>>, vector<1x16xf32>,
      %broadcast_in_dim3A_102 = arith.constant 0.000000e+00 : f32
      %broadcast_in_dim3A_103 = vector.broadcast %broadcast_in_dim3A_102 : f32 to vector<16xf32>
      %swap3A_104 = arith.index_cast %scan3A_96 : i32 to index
      %swap3A_105 = arith.constant 16 : index
      %swap3A_106 = tpu.vector_load %arg15[%swap3A_104, %swap3A_105] {strides = array<i32>} : memref<128x128xf32, #tpu.memory_space<vmem>>, vector<1x16xf32>,
      %swap3A_107 = vector.shape_cast %swap3A_106 : vector<1x16xf32> to vector<16xf32>
      %swap3A_108 = vector.shape_cast %broadcast_in_dim3A_103 : vector<16xf32> to vector<1x16xf32>
      tpu.vector_store %arg15[%swap3A_104, %swap3A_105], %swap3A_108 {strides = array<i32>} : memref<128x128xf32, #tpu.memory_space<vmem>>, vector<1x16xf32>,
      %broadcast_in_dim3A_109 = arith.constant 0.000000e+00 : f32
      %broadcast_in_dim3A_110 = vector.broadcast %broadcast_in_dim3A_109 : f32 to vector<16xf32>
      %swap3A_111 = arith.index_cast %scan3A_96 : i32 to index
      %swap3A_112 = arith.constant 32 : index
      %swap3A_113 = tpu.vector_load %arg15[%swap3A_111, %swap3A_112] {strides = array<i32>} : memref<128x128xf32, #tpu.memory_space<vmem>>, vector<1x16xf32>,
      %swap3A_114 = vector.shape_cast %swap3A_113 : vector<1x16xf32> to vector<16xf32>
      %swap3A_115 = vector.shape_cast %broadcast_in_dim3A_110 : vector<16xf32> to vector<1x16xf32>
      tpu.vector_store %arg15[%swap3A_111, %swap3A_112], %swap3A_115 {strides = array<i32>} : memref<128x128xf32, #tpu.memory_space<vmem>>, vector<1x16xf32>,
      %broadcast_in_dim3A_116 = arith.constant 0.000000e+00 : f32
      %broadcast_in_dim3A_117 = vector.broadcast %broadcast_in_dim3A_116 : f32 to vector<16xf32>
      %swap3A_118 = arith.index_cast %scan3A_96 : i32 to index
      %swap3A_119 = arith.constant 48 : index
      %swap3A_120 = tpu.vector_load %arg15[%swap3A_118, %swap3A_119] {strides = array<i32>} : memref<128x128xf32, #tpu.memory_space<vmem>>, vector<1x16xf32>,
      %swap3A_121 = vector.shape_cast %swap3A_120 : vector<1x16xf32> to vector<16xf32>
      %swap3A_122 = vector.shape_cast %broadcast_in_dim3A_117 : vector<16xf32> to vector<1x16xf32>
      tpu.vector_store %arg15[%swap3A_118, %swap3A_119], %swap3A_122 {strides = array<i32>} : memref<128x128xf32, #tpu.memory_space<vmem>>, vector<1x16xf32>,
      %broadcast_in_dim3A_123 = arith.constant 0.000000e+00 : f32
      %broadcast_in_dim3A_124 = vector.broadcast %broadcast_in_dim3A_123 : f32 to vector<16xf32>
      %swap3A_125 = arith.index_cast %scan3A_96 : i32 to index
      %swap3A_126 = arith.constant 64 : index
      %swap3A_127 = tpu.vector_load %arg15[%swap3A_125, %swap3A_126] {strides = array<i32>} : memref<128x128xf32, #tpu.memory_space<vmem>>, vector<1x16xf32>,
      %swap3A_128 = vector.shape_cast %swap3A_127 : vector<1x16xf32> to vector<16xf32>
      %swap3A_129 = vector.shape_cast %broadcast_in_dim3A_124 : vector<16xf32> to vector<1x16xf32>
      tpu.vector_store %arg15[%swap3A_125, %swap3A_126], %swap3A_129 {strides = array<i32>} : memref<128x128xf32, #tpu.memory_space<vmem>>, vector<1x16xf32>,
      %broadcast_in_dim3A_130 = arith.constant 0.000000e+00 : f32
      %broadcast_in_dim3A_131 = vector.broadcast %broadcast_in_dim3A_130 : f32 to vector<16xf32>
      %swap3A_132 = arith.index_cast %scan3A_96 : i32 to index
      %swap3A_133 = arith.constant 80 : index
      %swap3A_134 = tpu.vector_load %arg15[%swap3A_132, %swap3A_133] {strides = array<i32>} : memref<128x128xf32, #tpu.memory_space<vmem>>, vector<1x16xf32>,
      %swap3A_135 = vector.shape_cast %swap3A_134 : vector<1x16xf32> to vector<16xf32>
      %swap3A_136 = vector.shape_cast %broadcast_in_dim3A_131 : vector<16xf32> to vector<1x16xf32>
      tpu.vector_store %arg15[%swap3A_132, %swap3A_133], %swap3A_136 {strides = array<i32>} : memref<128x128xf32, #tpu.memory_space<vmem>>, vector<1x16xf32>,
      %broadcast_in_dim3A_137 = arith.constant 0.000000e+00 : f32
      %broadcast_in_dim3A_138 = vector.broadcast %broadcast_in_dim3A_137 : f32 to vector<16xf32>
      %swap3A_139 = arith.index_cast %scan3A_96 : i32 to index
      %swap3A_140 = arith.constant 96 : index
      %swap3A_141 = tpu.vector_load %arg15[%swap3A_139, %swap3A_140] {strides = array<i32>} : memref<128x128xf32, #tpu.memory_space<vmem>>, vector<1x16xf32>,
      %swap3A_142 = vector.shape_cast %swap3A_141 : vector<1x16xf32> to vector<16xf32>
      %swap3A_143 = vector.shape_cast %broadcast_in_dim3A_138 : vector<16xf32> to vector<1x16xf32>
      tpu.vector_store %arg15[%swap3A_139, %swap3A_140], %swap3A_143 {strides = array<i32>} : memref<128x128xf32, #tpu.memory_space<vmem>>, vector<1x16xf32>,
      %broadcast_in_dim3A_144 = arith.constant 0.000000e+00 : f32
      %broadcast_in_dim3A_145 = vector.broadcast %broadcast_in_dim3A_144 : f32 to vector<16xf32>
      %swap3A_146 = arith.index_cast %scan3A_96 : i32 to index
      %swap3A_147 = arith.constant 112 : index
      %swap3A_148 = tpu.vector_load %arg15[%swap3A_146, %swap3A_147] {strides = array<i32>} : memref<128x128xf32, #tpu.memory_space<vmem>>, vector<1x16xf32>,
      %swap3A_149 = vector.shape_cast %swap3A_148 : vector<1x16xf32> to vector<16xf32>
      %swap3A_150 = vector.shape_cast %broadcast_in_dim3A_145 : vector<16xf32> to vector<1x16xf32>
      tpu.vector_store %arg15[%swap3A_146, %swap3A_147], %swap3A_150 {strides = array<i32>} : memref<128x128xf32, #tpu.memory_space<vmem>>, vector<1x16xf32>,
    }
    %scan3A_32 = arith.constant 128 : i32
    %add3A_33 = arith.constant 0 : i32
    %add3A_34 = arith.addi %mul3A_2, %add3A_33 : i32
    "tpu.region"() ({
      %run_scoped3A = tpu.sem_alloc : memref<!tpu.dma_semaphore, #tpu.memory_space<semaphore_mem>>
      %dma_start3A_96 = arith.constant 0 : i32
      %dma_start3A_97 = tpu.memref_slice %arg16[%add3A_34, %dma_start3A_96] : memref<10240x128xf32, #tpu.memory_space<vmem_shared>> -> memref<128x128xf32, #tpu.memory_space<vmem_shared>>
      %dma_start3A_98 = arith.constant 0 : i32
      %dma_start3A_99 = tpu.memref_slice %arg16[%add3A_34, %dma_start3A_98] : memref<10240x128xf32, #tpu.memory_space<vmem_shared>> -> memref<128x128xf32, #tpu.memory_space<vmem_shared>>
      tpu.enqueue_dma source(%arg15 : memref<128x128xf32, #tpu.memory_space<vmem>>) target(%dma_start3A_99 : memref<128x128xf32, #tpu.memory_space<vmem_shared>>) target_semaphore(%run_scoped3A : memref<!tpu.dma_semaphore, #tpu.memory_space<semaphore_mem>>)
      %dma_wait3A_100 = arith.constant 0 : i32
      %dma_wait3A_101 = tpu.memref_slice %arg16[%add3A_34, %dma_wait3A_100] : memref<10240x128xf32, #tpu.memory_space<vmem_shared>> -> memref<128x128xf32, #tpu.memory_space<vmem_shared>>
      %dma_wait3A_102 = arith.constant 0 : i32
      %dma_wait3A_103 = tpu.memref_slice %arg16[%add3A_34, %dma_wait3A_102] : memref<10240x128xf32, #tpu.memory_space<vmem_shared>> -> memref<128x128xf32, #tpu.memory_space<vmem_shared>>
      tpu.wait_dma2 semaphore(%run_scoped3A : memref<!tpu.dma_semaphore, #tpu.memory_space<semaphore_mem>>) src(%arg15 : memref<128x128xf32, #tpu.memory_space<vmem>>) dst(%dma_wait3A_103 : memref<128x128xf32, #tpu.memory_space<vmem_shared>>)
      tpu.yield
    }) : () -> ()
    %add3A_35 = arith.constant 128 : i32
    %add3A_36 = arith.addi %mul3A_2, %add3A_35 : i32
    "tpu.region"() ({
      %run_scoped3A = tpu.sem_alloc : memref<!tpu.dma_semaphore, #tpu.memory_space<semaphore_mem>>
      %dma_start3A_96 = arith.constant 0 : i32
      %dma_start3A_97 = tpu.memref_slice %arg16[%add3A_36, %dma_start3A_96] : memref<10240x128xf32, #tpu.memory_space<vmem_shared>> -> memref<128x128xf32, #tpu.memory_space<vmem_shared>>
      %dma_start3A_98 = arith.constant 0 : i32
      %dma_start3A_99 = tpu.memref_slice %arg16[%add3A_36, %dma_start3A_98] : memref<10240x128xf32, #tpu.memory_space<vmem_shared>> -> memref<128x128xf32, #tpu.memory_space<vmem_shared>>
      tpu.enqueue_dma source(%arg15 : memref<128x128xf32, #tpu.memory_space<vmem>>) target(%dma_start3A_99 : memref<128x128xf32, #tpu.memory_space<vmem_shared>>) target_semaphore(%run_scoped3A : memref<!tpu.dma_semaphore, #tpu.memory_space<semaphore_mem>>)
      %dma_wait3A_100 = arith.constant 0 : i32
      %dma_wait3A_101 = tpu.memref_slice %arg16[%add3A_36, %dma_wait3A_100] : memref<10240x128xf32, #tpu.memory_space<vmem_shared>> -> memref<128x128xf32, #tpu.memory_space<vmem_shared>>
      %dma_wait3A_102 = arith.constant 0 : i32
      %dma_wait3A_103 = tpu.memref_slice %arg16[%add3A_36, %dma_wait3A_102] : memref<10240x128xf32, #tpu.memory_space<vmem_shared>> -> memref<128x128xf32, #tpu.memory_space<vmem_shared>>
      tpu.wait_dma2 semaphore(%run_scoped3A : memref<!tpu.dma_semaphore, #tpu.memory_space<semaphore_mem>>) src(%arg15 : memref<128x128xf32, #tpu.memory_space<vmem>>) dst(%dma_wait3A_103 : memref<128x128xf32, #tpu.memory_space<vmem_shared>>)
      tpu.yield
    }) : () -> ()
    %add3A_37 = arith.constant 256 : i32
    %add3A_38 = arith.addi %mul3A_2, %add3A_37 : i32
    "tpu.region"() ({
      %run_scoped3A = tpu.sem_alloc : memref<!tpu.dma_semaphore, #tpu.memory_space<semaphore_mem>>
      %dma_start3A_96 = arith.constant 0 : i32
      %dma_start3A_97 = tpu.memref_slice %arg16[%add3A_38, %dma_start3A_96] : memref<10240x128xf32, #tpu.memory_space<vmem_shared>> -> memref<128x128xf32, #tpu.memory_space<vmem_shared>>
      %dma_start3A_98 = arith.constant 0 : i32
      %dma_start3A_99 = tpu.memref_slice %arg16[%add3A_38, %dma_start3A_98] : memref<10240x128xf32, #tpu.memory_space<vmem_shared>> -> memref<128x128xf32, #tpu.memory_space<vmem_shared>>
      tpu.enqueue_dma source(%arg15 : memref<128x128xf32, #tpu.memory_space<vmem>>) target(%dma_start3A_99 : memref<128x128xf32, #tpu.memory_space<vmem_shared>>) target_semaphore(%run_scoped3A : memref<!tpu.dma_semaphore, #tpu.memory_space<semaphore_mem>>)
      %dma_wait3A_100 = arith.constant 0 : i32
      %dma_wait3A_101 = tpu.memref_slice %arg16[%add3A_38, %dma_wait3A_100] : memref<10240x128xf32, #tpu.memory_space<vmem_shared>> -> memref<128x128xf32, #tpu.memory_space<vmem_shared>>
      %dma_wait3A_102 = arith.constant 0 : i32
      %dma_wait3A_103 = tpu.memref_slice %arg16[%add3A_38, %dma_wait3A_102] : memref<10240x128xf32, #tpu.memory_space<vmem_shared>> -> memref<128x128xf32, #tpu.memory_space<vmem_shared>>
      tpu.wait_dma2 semaphore(%run_scoped3A : memref<!tpu.dma_semaphore, #tpu.memory_space<semaphore_mem>>) src(%arg15 : memref<128x128xf32, #tpu.memory_space<vmem>>) dst(%dma_wait3A_103 : memref<128x128xf32, #tpu.memory_space<vmem_shared>>)
      tpu.yield
    }) : () -> ()
    %add3A_39 = arith.constant 384 : i32
    %add3A_40 = arith.addi %mul3A_2, %add3A_39 : i32
    "tpu.region"() ({
      %run_scoped3A = tpu.sem_alloc : memref<!tpu.dma_semaphore, #tpu.memory_space<semaphore_mem>>
      %dma_start3A_96 = arith.constant 0 : i32
      %dma_start3A_97 = tpu.memref_slice %arg16[%add3A_40, %dma_start3A_96] : memref<10240x128xf32, #tpu.memory_space<vmem_shared>> -> memref<128x128xf32, #tpu.memory_space<vmem_shared>>
      %dma_start3A_98 = arith.constant 0 : i32
      %dma_start3A_99 = tpu.memref_slice %arg16[%add3A_40, %dma_start3A_98] : memref<10240x128xf32, #tpu.memory_space<vmem_shared>> -> memref<128x128xf32, #tpu.memory_space<vmem_shared>>
      tpu.enqueue_dma source(%arg15 : memref<128x128xf32, #tpu.memory_space<vmem>>) target(%dma_start3A_99 : memref<128x128xf32, #tpu.memory_space<vmem_shared>>) target_semaphore(%run_scoped3A : memref<!tpu.dma_semaphore, #tpu.memory_space<semaphore_mem>>)
      %dma_wait3A_100 = arith.constant 0 : i32
      %dma_wait3A_101 = tpu.memref_slice %arg16[%add3A_40, %dma_wait3A_100] : memref<10240x128xf32, #tpu.memory_space<vmem_shared>> -> memref<128x128xf32, #tpu.memory_space<vmem_shared>>
      %dma_wait3A_102 = arith.constant 0 : i32
      %dma_wait3A_103 = tpu.memref_slice %arg16[%add3A_40, %dma_wait3A_102] : memref<10240x128xf32, #tpu.memory_space<vmem_shared>> -> memref<128x128xf32, #tpu.memory_space<vmem_shared>>
      tpu.wait_dma2 semaphore(%run_scoped3A : memref<!tpu.dma_semaphore, #tpu.memory_space<semaphore_mem>>) src(%arg15 : memref<128x128xf32, #tpu.memory_space<vmem>>) dst(%dma_wait3A_103 : memref<128x128xf32, #tpu.memory_space<vmem_shared>>)
      tpu.yield
    }) : () -> ()
    %add3A_41 = arith.constant 512 : i32
    %add3A_42 = arith.addi %mul3A_2, %add3A_41 : i32
    "tpu.region"() ({
      %run_scoped3A = tpu.sem_alloc : memref<!tpu.dma_semaphore, #tpu.memory_space<semaphore_mem>>
      %dma_start3A_96 = arith.constant 0 : i32
      %dma_start3A_97 = tpu.memref_slice %arg16[%add3A_42, %dma_start3A_96] : memref<10240x128xf32, #tpu.memory_space<vmem_shared>> -> memref<128x128xf32, #tpu.memory_space<vmem_shared>>
      %dma_start3A_98 = arith.constant 0 : i32
      %dma_start3A_99 = tpu.memref_slice %arg16[%add3A_42, %dma_start3A_98] : memref<10240x128xf32, #tpu.memory_space<vmem_shared>> -> memref<128x128xf32, #tpu.memory_space<vmem_shared>>
      tpu.enqueue_dma source(%arg15 : memref<128x128xf32, #tpu.memory_space<vmem>>) target(%dma_start3A_99 : memref<128x128xf32, #tpu.memory_space<vmem_shared>>) target_semaphore(%run_scoped3A : memref<!tpu.dma_semaphore, #tpu.memory_space<semaphore_mem>>)
      %dma_wait3A_100 = arith.constant 0 : i32
      %dma_wait3A_101 = tpu.memref_slice %arg16[%add3A_42, %dma_wait3A_100] : memref<10240x128xf32, #tpu.memory_space<vmem_shared>> -> memref<128x128xf32, #tpu.memory_space<vmem_shared>>
      %dma_wait3A_102 = arith.constant 0 : i32
      %dma_wait3A_103 = tpu.memref_slice %arg16[%add3A_42, %dma_wait3A_102] : memref<10240x128xf32, #tpu.memory_space<vmem_shared>> -> memref<128x128xf32, #tpu.memory_space<vmem_shared>>
      tpu.wait_dma2 semaphore(%run_scoped3A : memref<!tpu.dma_semaphore, #tpu.memory_space<semaphore_mem>>) src(%arg15 : memref<128x128xf32, #tpu.memory_space<vmem>>) dst(%dma_wait3A_103 : memref<128x128xf32, #tpu.memory_space<vmem_shared>>)
      tpu.yield
    }) : () -> ()
    %dma_wait3A = arith.constant 0 : i32
    %dma_wait3A_43 = tpu.memref_slice %arg3[%dma_wait3A] : memref<327680xi32, #tpu.memory_space<hbm>> -> memref<128xi32, #tpu.memory_space<hbm>>
    %dma_wait3A_44 = arith.constant 0 : i32
    %dma_wait3A_45 = tpu.memref_slice %arg3[%dma_wait3A_44] : memref<327680xi32, #tpu.memory_space<hbm>> -> memref<128xi32, #tpu.memory_space<hbm>>
    tpu.wait_dma2 semaphore(%arg19 : memref<!tpu.dma_semaphore, #tpu.memory_space<semaphore_mem>>) src(%dma_wait3A_45 : memref<128xi32, #tpu.memory_space<hbm>>) dst(%arg6 : memref<128xi32, #tpu.memory_space<vmem>>)
    %dma_wait3A_46 = arith.constant 0 : i32
    %dma_wait3A_47 = tpu.memref_slice %arg4[%dma_wait3A_46] : memref<327680xi32, #tpu.memory_space<hbm>> -> memref<128xi32, #tpu.memory_space<hbm>>
    %dma_wait3A_48 = arith.constant 0 : i32
    %dma_wait3A_49 = tpu.memref_slice %arg4[%dma_wait3A_48] : memref<327680xi32, #tpu.memory_space<hbm>> -> memref<128xi32, #tpu.memory_space<hbm>>
    tpu.wait_dma2 semaphore(%arg19 : memref<!tpu.dma_semaphore, #tpu.memory_space<semaphore_mem>>) src(%dma_wait3A_49 : memref<128xi32, #tpu.memory_space<hbm>>) dst(%arg10 : memref<128xi32, #tpu.memory_space<vmem>>)
    %dma_start3A_50 = arith.constant 0 : i32
    %dma_start3A_51 = arith.constant 0 : i32
    %dma_start3A_52 = tpu.memref_slice %arg2[%dma_start3A_50, %dma_start3A_51] : memref<10000x128xf32, #tpu.memory_space<hbm>> -> memref<10000x128xf32, #tpu.memory_space<hbm>>
    tpu.enqueue_indirect_dma source(%dma_start3A_52 : memref<10000x128xf32, #tpu.memory_space<hbm>>) target(%arg14 : memref<128x128xf32, #tpu.memory_space<vmem>>) offsets(%arg6 : memref<128xi32, #tpu.memory_space<vmem>>) semaphore(%arg17 : memref<!tpu.dma_semaphore, #tpu.memory_space<semaphore_mem>>)
    %dma_wait3A_53 = arith.constant 0 : i32
    %dma_wait3A_54 = tpu.memref_slice %arg3[%dma_wait3A_53] : memref<327680xi32, #tpu.memory_space<hbm>> -> memref<128xi32, #tpu.memory_space<hbm>>
    %dma_wait3A_55 = arith.constant 0 : i32
    %dma_wait3A_56 = tpu.memref_slice %arg3[%dma_wait3A_55] : memref<327680xi32, #tpu.memory_space<hbm>> -> memref<128xi32, #tpu.memory_space<hbm>>
    tpu.wait_dma2 semaphore(%arg20 : memref<!tpu.dma_semaphore, #tpu.memory_space<semaphore_mem>>) src(%dma_wait3A_56 : memref<128xi32, #tpu.memory_space<hbm>>) dst(%arg7 : memref<128xi32, #tpu.memory_space<vmem>>)
    %dma_wait3A_57 = arith.constant 0 : i32
    %dma_wait3A_58 = tpu.memref_slice %arg4[%dma_wait3A_57] : memref<327680xi32, #tpu.memory_space<hbm>> -> memref<128xi32, #tpu.memory_space<hbm>>
    %dma_wait3A_59 = arith.constant 0 : i32
    %dma_wait3A_60 = tpu.memref_slice %arg4[%dma_wait3A_59] : memref<327680xi32, #tpu.memory_space<hbm>> -> memref<128xi32, #tpu.memory_space<hbm>>
    tpu.wait_dma2 semaphore(%arg20 : memref<!tpu.dma_semaphore, #tpu.memory_space<semaphore_mem>>) src(%dma_wait3A_60 : memref<128xi32, #tpu.memory_space<hbm>>) dst(%arg11 : memref<128xi32, #tpu.memory_space<vmem>>)
    %dma_start3A_61 = arith.constant 0 : i32
    %dma_start3A_62 = arith.constant 0 : i32
    %dma_start3A_63 = tpu.memref_slice %arg2[%dma_start3A_61, %dma_start3A_62] : memref<10000x128xf32, #tpu.memory_space<hbm>> -> memref<10000x128xf32, #tpu.memory_space<hbm>>
    tpu.enqueue_indirect_dma source(%dma_start3A_63 : memref<10000x128xf32, #tpu.memory_space<hbm>>) target(%arg15 : memref<128x128xf32, #tpu.memory_space<vmem>>) offsets(%arg7 : memref<128xi32, #tpu.memory_space<vmem>>) semaphore(%arg18 : memref<!tpu.dma_semaphore, #tpu.memory_space<semaphore_mem>>)
    %barrier3A = arith.constant 0 : index
    tpu.barrier barrier_id(%barrier3A)
    %scan3A_64 = arith.constant 0 : i32
    %scan3A_65 = arith.constant 0 : i32
    %scan3A_66 = arith.constant 20 : i32
    %scan3A_67 = arith.addi %scan3A_65, %scan3A_66 : i32
    %scan3A_68 = arith.constant 1 : i32
    scf.for %scan3A_96 = %scan3A_65 to %scan3A_67 step %scan3A_68  : i32 {
      %mul3A_97 = arith.constant 4 : i32
      %mul3A_98 = arith.muli %mul3A_97, %scan3A_96 : i32
      %add3A_99 = arith.constant 0 : i32
      %add3A_100 = arith.addi %mul3A_98, %add3A_99 : i32
      %dma_wait3A_101 = arith.constant 0 : i32
      %dma_wait3A_102 = arith.constant 0 : i32
      %dma_wait3A_103 = tpu.memref_slice %arg2[%dma_wait3A_101, %dma_wait3A_102] : memref<10000x128xf32, #tpu.memory_space<hbm>> -> memref<10000x128xf32, #tpu.memory_space<hbm>>
      tpu.wait_indirect_dma semaphore(%arg17 : memref<!tpu.dma_semaphore, #tpu.memory_space<semaphore_mem>>) src(%dma_wait3A_103 : memref<10000x128xf32, #tpu.memory_space<hbm>>) dst(%arg14 : memref<128x128xf32, #tpu.memory_space<vmem>>)
      %dma_wait3A_104 = arith.constant 0 : i32
      %dma_wait3A_105 = tpu.memref_slice %arg3[%dma_wait3A_104] : memref<327680xi32, #tpu.memory_space<hbm>> -> memref<128xi32, #tpu.memory_space<hbm>>
      %dma_wait3A_106 = arith.constant 0 : i32
      %dma_wait3A_107 = tpu.memref_slice %arg3[%dma_wait3A_106] : memref<327680xi32, #tpu.memory_space<hbm>> -> memref<128xi32, #tpu.memory_space<hbm>>
      tpu.wait_dma2 semaphore(%arg21 : memref<!tpu.dma_semaphore, #tpu.memory_space<semaphore_mem>>) src(%dma_wait3A_107 : memref<128xi32, #tpu.memory_space<hbm>>) dst(%arg8 : memref<128xi32, #tpu.memory_space<vmem>>)
      %dma_wait3A_108 = arith.constant 0 : i32
      %dma_wait3A_109 = tpu.memref_slice %arg4[%dma_wait3A_108] : memref<327680xi32, #tpu.memory_space<hbm>> -> memref<128xi32, #tpu.memory_space<hbm>>
      %dma_wait3A_110 = arith.constant 0 : i32
      %dma_wait3A_111 = tpu.memref_slice %arg4[%dma_wait3A_110] : memref<327680xi32, #tpu.memory_space<hbm>> -> memref<128xi32, #tpu.memory_space<hbm>>
      tpu.wait_dma2 semaphore(%arg21 : memref<!tpu.dma_semaphore, #tpu.memory_space<semaphore_mem>>) src(%dma_wait3A_111 : memref<128xi32, #tpu.memory_space<hbm>>) dst(%arg12 : memref<128xi32, #tpu.memory_space<vmem>>)
      "tpu.region"() ({
        %run_scoped3A = tpu.sem_alloc : memref<!tpu.dma_semaphore, #tpu.memory_space<semaphore_mem>>
        %dma_start3A_226 = arith.constant 0 : i32
        %dma_start3A_227 = arith.constant 0 : i32
        %dma_start3A_228 = tpu.memref_slice %arg16[%dma_start3A_226, %dma_start3A_227] : memref<10240x128xf32, #tpu.memory_space<vmem_shared>> -> memref<10240x128xf32, #tpu.memory_space<vmem_shared>>
        tpu.enqueue_indirect_dma source(%arg14 : memref<128x128xf32, #tpu.memory_space<vmem>>) target(%dma_start3A_228 : memref<10240x128xf32, #tpu.memory_space<vmem_shared>>) offsets(%arg10 : memref<128xi32, #tpu.memory_space<vmem>>) semaphore(%run_scoped3A : memref<!tpu.dma_semaphore, #tpu.memory_space<semaphore_mem>>) {add = true}
        %dma_wait3A_229 = arith.constant 0 : i32
        %dma_wait3A_230 = arith.constant 0 : i32
        %dma_wait3A_231 = tpu.memref_slice %arg16[%dma_wait3A_229, %dma_wait3A_230] : memref<10240x128xf32, #tpu.memory_space<vmem_shared>> -> memref<10240x128xf32, #tpu.memory_space<vmem_shared>>
        tpu.wait_indirect_dma semaphore(%run_scoped3A : memref<!tpu.dma_semaphore, #tpu.memory_space<semaphore_mem>>) src(%arg14 : memref<128x128xf32, #tpu.memory_space<vmem>>) dst(%dma_wait3A_231 : memref<10240x128xf32, #tpu.memory_space<vmem_shared>>)
        tpu.yield
      }) : () -> ()
      %add3A_112 = arith.constant 4 : i32
      %add3A_113 = arith.addi %add3A_100, %add3A_112 : i32
      %lt3A = arith.constant 80 : i32
      %lt3A_114 = arith.cmpi slt, %add3A_113, %lt3A : i32
      %add3A_115 = arith.constant 4 : i32
      %add3A_116 = arith.addi %add3A_100, %add3A_115 : i32
      %jit3A = arith.constant 0 : i32
      %select_n3A = arith.select %lt3A_114, %add3A_116, %jit3A : i32
      %mul3A_117 = arith.constant 128 : i32
      %mul3A_118 = arith.muli %select_n3A, %mul3A_117 : i32
      %add3A_119 = arith.addi %mul3A_4, %mul3A_118 : i32
      %dma_start3A_120 = tpu.memref_slice %arg3[%add3A_119] : memref<327680xi32, #tpu.memory_space<hbm>> -> memref<128xi32, #tpu.memory_space<hbm>>
      %dma_start3A_121 = tpu.memref_slice %arg3[%add3A_119] : memref<327680xi32, #tpu.memory_space<hbm>> -> memref<128xi32, #tpu.memory_space<hbm>>
      tpu.enqueue_dma source(%dma_start3A_121 : memref<128xi32, #tpu.memory_space<hbm>>) target(%arg6 : memref<128xi32, #tpu.memory_space<vmem>>) target_semaphore(%arg19 : memref<!tpu.dma_semaphore, #tpu.memory_space<semaphore_mem>>)
      %dma_start3A_122 = tpu.memref_slice %arg4[%add3A_119] : memref<327680xi32, #tpu.memory_space<hbm>> -> memref<128xi32, #tpu.memory_space<hbm>>
      %dma_start3A_123 = tpu.memref_slice %arg4[%add3A_119] : memref<327680xi32, #tpu.memory_space<hbm>> -> memref<128xi32, #tpu.memory_space<hbm>>
      tpu.enqueue_dma source(%dma_start3A_123 : memref<128xi32, #tpu.memory_space<hbm>>) target(%arg10 : memref<128xi32, #tpu.memory_space<vmem>>) target_semaphore(%arg19 : memref<!tpu.dma_semaphore, #tpu.memory_space<semaphore_mem>>)
      %dma_start3A_124 = arith.constant 0 : i32
      %dma_start3A_125 = arith.constant 0 : i32
      %dma_start3A_126 = tpu.memref_slice %arg2[%dma_start3A_124, %dma_start3A_125] : memref<10000x128xf32, #tpu.memory_space<hbm>> -> memref<10000x128xf32, #tpu.memory_space<hbm>>
      tpu.enqueue_indirect_dma source(%dma_start3A_126 : memref<10000x128xf32, #tpu.memory_space<hbm>>) target(%arg14 : memref<128x128xf32, #tpu.memory_space<vmem>>) offsets(%arg8 : memref<128xi32, #tpu.memory_space<vmem>>) semaphore(%arg17 : memref<!tpu.dma_semaphore, #tpu.memory_space<semaphore_mem>>)
      %mul3A_127 = arith.constant 4 : i32
      %mul3A_128 = arith.muli %mul3A_127, %scan3A_96 : i32
      %add3A_129 = arith.constant 1 : i32
      %add3A_130 = arith.addi %mul3A_128, %add3A_129 : i32
      %dma_wait3A_131 = arith.constant 0 : i32
      %dma_wait3A_132 = arith.constant 0 : i32
      %dma_wait3A_133 = tpu.memref_slice %arg2[%dma_wait3A_131, %dma_wait3A_132] : memref<10000x128xf32, #tpu.memory_space<hbm>> -> memref<10000x128xf32, #tpu.memory_space<hbm>>
      tpu.wait_indirect_dma semaphore(%arg18 : memref<!tpu.dma_semaphore, #tpu.memory_space<semaphore_mem>>) src(%dma_wait3A_133 : memref<10000x128xf32, #tpu.memory_space<hbm>>) dst(%arg15 : memref<128x128xf32, #tpu.memory_space<vmem>>)
      %dma_wait3A_134 = arith.constant 0 : i32
      %dma_wait3A_135 = tpu.memref_slice %arg3[%dma_wait3A_134] : memref<327680xi32, #tpu.memory_space<hbm>> -> memref<128xi32, #tpu.memory_space<hbm>>
      %dma_wait3A_136 = arith.constant 0 : i32
      %dma_wait3A_137 = tpu.memref_slice %arg3[%dma_wait3A_136] : memref<327680xi32, #tpu.memory_space<hbm>> -> memref<128xi32, #tpu.memory_space<hbm>>
      tpu.wait_dma2 semaphore(%arg22 : memref<!tpu.dma_semaphore, #tpu.memory_space<semaphore_mem>>) src(%dma_wait3A_137 : memref<128xi32, #tpu.memory_space<hbm>>) dst(%arg9 : memref<128xi32, #tpu.memory_space<vmem>>)
      %dma_wait3A_138 = arith.constant 0 : i32
      %dma_wait3A_139 = tpu.memref_slice %arg4[%dma_wait3A_138] : memref<327680xi32, #tpu.memory_space<hbm>> -> memref<128xi32, #tpu.memory_space<hbm>>
      %dma_wait3A_140 = arith.constant 0 : i32
      %dma_wait3A_141 = tpu.memref_slice %arg4[%dma_wait3A_140] : memref<327680xi32, #tpu.memory_space<hbm>> -> memref<128xi32, #tpu.memory_space<hbm>>
      tpu.wait_dma2 semaphore(%arg22 : memref<!tpu.dma_semaphore, #tpu.memory_space<semaphore_mem>>) src(%dma_wait3A_141 : memref<128xi32, #tpu.memory_space<hbm>>) dst(%arg13 : memref<128xi32, #tpu.memory_space<vmem>>)
      "tpu.region"() ({
        %run_scoped3A = tpu.sem_alloc : memref<!tpu.dma_semaphore, #tpu.memory_space<semaphore_mem>>
        %dma_start3A_226 = arith.constant 0 : i32
        %dma_start3A_227 = arith.constant 0 : i32
        %dma_start3A_228 = tpu.memref_slice %arg16[%dma_start3A_226, %dma_start3A_227] : memref<10240x128xf32, #tpu.memory_space<vmem_shared>> -> memref<10240x128xf32, #tpu.memory_space<vmem_shared>>
        tpu.enqueue_indirect_dma source(%arg15 : memref<128x128xf32, #tpu.memory_space<vmem>>) target(%dma_start3A_228 : memref<10240x128xf32, #tpu.memory_space<vmem_shared>>) offsets(%arg11 : memref<128xi32, #tpu.memory_space<vmem>>) semaphore(%run_scoped3A : memref<!tpu.dma_semaphore, #tpu.memory_space<semaphore_mem>>) {add = true}
        %dma_wait3A_229 = arith.constant 0 : i32
        %dma_wait3A_230 = arith.constant 0 : i32
        %dma_wait3A_231 = tpu.memref_slice %arg16[%dma_wait3A_229, %dma_wait3A_230] : memref<10240x128xf32, #tpu.memory_space<vmem_shared>> -> memref<10240x128xf32, #tpu.memory_space<vmem_shared>>
        tpu.wait_indirect_dma semaphore(%run_scoped3A : memref<!tpu.dma_semaphore, #tpu.memory_space<semaphore_mem>>) src(%arg15 : memref<128x128xf32, #tpu.memory_space<vmem>>) dst(%dma_wait3A_231 : memref<10240x128xf32, #tpu.memory_space<vmem_shared>>)
        tpu.yield
      }) : () -> ()
      %add3A_142 = arith.constant 4 : i32
      %add3A_143 = arith.addi %add3A_130, %add3A_142 : i32
      %lt3A_144 = arith.constant 80 : i32
      %lt3A_145 = arith.cmpi slt, %add3A_143, %lt3A_144 : i32
      %add3A_146 = arith.constant 4 : i32
      %add3A_147 = arith.addi %add3A_130, %add3A_146 : i32
      %jit3A_148 = arith.constant 0 : i32
      %select_n3A_149 = arith.select %lt3A_145, %add3A_147, %jit3A_148 : i32
      %mul3A_150 = arith.constant 128 : i32
      %mul3A_151 = arith.muli %select_n3A_149, %mul3A_150 : i32
      %add3A_152 = arith.addi %mul3A_4, %mul3A_151 : i32
      %dma_start3A_153 = tpu.memref_slice %arg3[%add3A_152] : memref<327680xi32, #tpu.memory_space<hbm>> -> memref<128xi32, #tpu.memory_space<hbm>>
      %dma_start3A_154 = tpu.memref_slice %arg3[%add3A_152] : memref<327680xi32, #tpu.memory_space<hbm>> -> memref<128xi32, #tpu.memory_space<hbm>>
      tpu.enqueue_dma source(%dma_start3A_154 : memref<128xi32, #tpu.memory_space<hbm>>) target(%arg7 : memref<128xi32, #tpu.memory_space<vmem>>) target_semaphore(%arg20 : memref<!tpu.dma_semaphore, #tpu.memory_space<semaphore_mem>>)
      %dma_start3A_155 = tpu.memref_slice %arg4[%add3A_152] : memref<327680xi32, #tpu.memory_space<hbm>> -> memref<128xi32, #tpu.memory_space<hbm>>
      %dma_start3A_156 = tpu.memref_slice %arg4[%add3A_152] : memref<327680xi32, #tpu.memory_space<hbm>> -> memref<128xi32, #tpu.memory_space<hbm>>
      tpu.enqueue_dma source(%dma_start3A_156 : memref<128xi32, #tpu.memory_space<hbm>>) target(%arg11 : memref<128xi32, #tpu.memory_space<vmem>>) target_semaphore(%arg20 : memref<!tpu.dma_semaphore, #tpu.memory_space<semaphore_mem>>)
      %dma_start3A_157 = arith.constant 0 : i32
      %dma_start3A_158 = arith.constant 0 : i32
      %dma_start3A_159 = tpu.memref_slice %arg2[%dma_start3A_157, %dma_start3A_158] : memref<10000x128xf32, #tpu.memory_space<hbm>> -> memref<10000x128xf32, #tpu.memory_space<hbm>>
      tpu.enqueue_indirect_dma source(%dma_start3A_159 : memref<10000x128xf32, #tpu.memory_space<hbm>>) target(%arg15 : memref<128x128xf32, #tpu.memory_space<vmem>>) offsets(%arg9 : memref<128xi32, #tpu.memory_space<vmem>>) semaphore(%arg18 : memref<!tpu.dma_semaphore, #tpu.memory_space<semaphore_mem>>)
      %mul3A_160 = arith.constant 4 : i32
      %mul3A_161 = arith.muli %mul3A_160, %scan3A_96 : i32
      %add3A_162 = arith.constant 2 : i32
      %add3A_163 = arith.addi %mul3A_161, %add3A_162 : i32
      %dma_wait3A_164 = arith.constant 0 : i32
      %dma_wait3A_165 = arith.constant 0 : i32
      %dma_wait3A_166 = tpu.memref_slice %arg2[%dma_wait3A_164, %dma_wait3A_165] : memref<10000x128xf32, #tpu.memory_space<hbm>> -> memref<10000x128xf32, #tpu.memory_space<hbm>>
      tpu.wait_indirect_dma semaphore(%arg17 : memref<!tpu.dma_semaphore, #tpu.memory_space<semaphore_mem>>) src(%dma_wait3A_166 : memref<10000x128xf32, #tpu.memory_space<hbm>>) dst(%arg14 : memref<128x128xf32, #tpu.memory_space<vmem>>)
      %dma_wait3A_167 = arith.constant 0 : i32
      %dma_wait3A_168 = tpu.memref_slice %arg3[%dma_wait3A_167] : memref<327680xi32, #tpu.memory_space<hbm>> -> memref<128xi32, #tpu.memory_space<hbm>>
      %dma_wait3A_169 = arith.constant 0 : i32
      %dma_wait3A_170 = tpu.memref_slice %arg3[%dma_wait3A_169] : memref<327680xi32, #tpu.memory_space<hbm>> -> memref<128xi32, #tpu.memory_space<hbm>>
      tpu.wait_dma2 semaphore(%arg19 : memref<!tpu.dma_semaphore, #tpu.memory_space<semaphore_mem>>) src(%dma_wait3A_170 : memref<128xi32, #tpu.memory_space<hbm>>) dst(%arg6 : memref<128xi32, #tpu.memory_space<vmem>>)
      %dma_wait3A_171 = arith.constant 0 : i32
      %dma_wait3A_172 = tpu.memref_slice %arg4[%dma_wait3A_171] : memref<327680xi32, #tpu.memory_space<hbm>> -> memref<128xi32, #tpu.memory_space<hbm>>
      %dma_wait3A_173 = arith.constant 0 : i32
      %dma_wait3A_174 = tpu.memref_slice %arg4[%dma_wait3A_173] : memref<327680xi32, #tpu.memory_space<hbm>> -> memref<128xi32, #tpu.memory_space<hbm>>
      tpu.wait_dma2 semaphore(%arg19 : memref<!tpu.dma_semaphore, #tpu.memory_space<semaphore_mem>>) src(%dma_wait3A_174 : memref<128xi32, #tpu.memory_space<hbm>>) dst(%arg10 : memref<128xi32, #tpu.memory_space<vmem>>)
      "tpu.region"() ({
        %run_scoped3A = tpu.sem_alloc : memref<!tpu.dma_semaphore, #tpu.memory_space<semaphore_mem>>
        %dma_start3A_226 = arith.constant 0 : i32
        %dma_start3A_227 = arith.constant 0 : i32
        %dma_start3A_228 = tpu.memref_slice %arg16[%dma_start3A_226, %dma_start3A_227] : memref<10240x128xf32, #tpu.memory_space<vmem_shared>> -> memref<10240x128xf32, #tpu.memory_space<vmem_shared>>
        tpu.enqueue_indirect_dma source(%arg14 : memref<128x128xf32, #tpu.memory_space<vmem>>) target(%dma_start3A_228 : memref<10240x128xf32, #tpu.memory_space<vmem_shared>>) offsets(%arg12 : memref<128xi32, #tpu.memory_space<vmem>>) semaphore(%run_scoped3A : memref<!tpu.dma_semaphore, #tpu.memory_space<semaphore_mem>>) {add = true}
        %dma_wait3A_229 = arith.constant 0 : i32
        %dma_wait3A_230 = arith.constant 0 : i32
        %dma_wait3A_231 = tpu.memref_slice %arg16[%dma_wait3A_229, %dma_wait3A_230] : memref<10240x128xf32, #tpu.memory_space<vmem_shared>> -> memref<10240x128xf32, #tpu.memory_space<vmem_shared>>
        tpu.wait_indirect_dma semaphore(%run_scoped3A : memref<!tpu.dma_semaphore, #tpu.memory_space<semaphore_mem>>) src(%arg14 : memref<128x128xf32, #tpu.memory_space<vmem>>) dst(%dma_wait3A_231 : memref<10240x128xf32, #tpu.memory_space<vmem_shared>>)
        tpu.yield
      }) : () -> ()
      %add3A_175 = arith.constant 4 : i32
      %add3A_176 = arith.addi %add3A_163, %add3A_175 : i32
      %lt3A_177 = arith.constant 80 : i32
      %lt3A_178 = arith.cmpi slt, %add3A_176, %lt3A_177 : i32
      %add3A_179 = arith.constant 4 : i32
      %add3A_180 = arith.addi %add3A_163, %add3A_179 : i32
      %jit3A_181 = arith.constant 0 : i32
      %select_n3A_182 = arith.select %lt3A_178, %add3A_180, %jit3A_181 : i32
      %mul3A_183 = arith.constant 128 : i32
      %mul3A_184 = arith.muli %select_n3A_182, %mul3A_183 : i32
      %add3A_185 = arith.addi %mul3A_4, %mul3A_184 : i32
      %dma_start3A_186 = tpu.memref_slice %arg3[%add3A_185] : memref<327680xi32, #tpu.memory_space<hbm>> -> memref<128xi32, #tpu.memory_space<hbm>>
      %dma_start3A_187 = tpu.memref_slice %arg3[%add3A_185] : memref<327680xi32, #tpu.memory_space<hbm>> -> memref<128xi32, #tpu.memory_space<hbm>>
      tpu.enqueue_dma source(%dma_start3A_187 : memref<128xi32, #tpu.memory_space<hbm>>) target(%arg8 : memref<128xi32, #tpu.memory_space<vmem>>) target_semaphore(%arg21 : memref<!tpu.dma_semaphore, #tpu.memory_space<semaphore_mem>>)
      %dma_start3A_188 = tpu.memref_slice %arg4[%add3A_185] : memref<327680xi32, #tpu.memory_space<hbm>> -> memref<128xi32, #tpu.memory_space<hbm>>
      %dma_start3A_189 = tpu.memref_slice %arg4[%add3A_185] : memref<327680xi32, #tpu.memory_space<hbm>> -> memref<128xi32, #tpu.memory_space<hbm>>
      tpu.enqueue_dma source(%dma_start3A_189 : memref<128xi32, #tpu.memory_space<hbm>>) target(%arg12 : memref<128xi32, #tpu.memory_space<vmem>>) target_semaphore(%arg21 : memref<!tpu.dma_semaphore, #tpu.memory_space<semaphore_mem>>)
      %dma_start3A_190 = arith.constant 0 : i32
      %dma_start3A_191 = arith.constant 0 : i32
      %dma_start3A_192 = tpu.memref_slice %arg2[%dma_start3A_190, %dma_start3A_191] : memref<10000x128xf32, #tpu.memory_space<hbm>> -> memref<10000x128xf32, #tpu.memory_space<hbm>>
      tpu.enqueue_indirect_dma source(%dma_start3A_192 : memref<10000x128xf32, #tpu.memory_space<hbm>>) target(%arg14 : memref<128x128xf32, #tpu.memory_space<vmem>>) offsets(%arg6 : memref<128xi32, #tpu.memory_space<vmem>>) semaphore(%arg17 : memref<!tpu.dma_semaphore, #tpu.memory_space<semaphore_mem>>)
      %mul3A_193 = arith.constant 4 : i32
      %mul3A_194 = arith.muli %mul3A_193, %scan3A_96 : i32
      %add3A_195 = arith.constant 3 : i32
      %add3A_196 = arith.addi %mul3A_194, %add3A_195 : i32
      %dma_wait3A_197 = arith.constant 0 : i32
      %dma_wait3A_198 = arith.constant 0 : i32
      %dma_wait3A_199 = tpu.memref_slice %arg2[%dma_wait3A_197, %dma_wait3A_198] : memref<10000x128xf32, #tpu.memory_space<hbm>> -> memref<10000x128xf32, #tpu.memory_space<hbm>>
      tpu.wait_indirect_dma semaphore(%arg18 : memref<!tpu.dma_semaphore, #tpu.memory_space<semaphore_mem>>) src(%dma_wait3A_199 : memref<10000x128xf32, #tpu.memory_space<hbm>>) dst(%arg15 : memref<128x128xf32, #tpu.memory_space<vmem>>)
      %dma_wait3A_200 = arith.constant 0 : i32
      %dma_wait3A_201 = tpu.memref_slice %arg3[%dma_wait3A_200] : memref<327680xi32, #tpu.memory_space<hbm>> -> memref<128xi32, #tpu.memory_space<hbm>>
      %dma_wait3A_202 = arith.constant 0 : i32
      %dma_wait3A_203 = tpu.memref_slice %arg3[%dma_wait3A_202] : memref<327680xi32, #tpu.memory_space<hbm>> -> memref<128xi32, #tpu.memory_space<hbm>>
      tpu.wait_dma2 semaphore(%arg20 : memref<!tpu.dma_semaphore, #tpu.memory_space<semaphore_mem>>) src(%dma_wait3A_203 : memref<128xi32, #tpu.memory_space<hbm>>) dst(%arg7 : memref<128xi32, #tpu.memory_space<vmem>>)
      %dma_wait3A_204 = arith.constant 0 : i32
      %dma_wait3A_205 = tpu.memref_slice %arg4[%dma_wait3A_204] : memref<327680xi32, #tpu.memory_space<hbm>> -> memref<128xi32, #tpu.memory_space<hbm>>
      %dma_wait3A_206 = arith.constant 0 : i32
      %dma_wait3A_207 = tpu.memref_slice %arg4[%dma_wait3A_206] : memref<327680xi32, #tpu.memory_space<hbm>> -> memref<128xi32, #tpu.memory_space<hbm>>
      tpu.wait_dma2 semaphore(%arg20 : memref<!tpu.dma_semaphore, #tpu.memory_space<semaphore_mem>>) src(%dma_wait3A_207 : memref<128xi32, #tpu.memory_space<hbm>>) dst(%arg11 : memref<128xi32, #tpu.memory_space<vmem>>)
      "tpu.region"() ({
        %run_scoped3A = tpu.sem_alloc : memref<!tpu.dma_semaphore, #tpu.memory_space<semaphore_mem>>
        %dma_start3A_226 = arith.constant 0 : i32
        %dma_start3A_227 = arith.constant 0 : i32
        %dma_start3A_228 = tpu.memref_slice %arg16[%dma_start3A_226, %dma_start3A_227] : memref<10240x128xf32, #tpu.memory_space<vmem_shared>> -> memref<10240x128xf32, #tpu.memory_space<vmem_shared>>
        tpu.enqueue_indirect_dma source(%arg15 : memref<128x128xf32, #tpu.memory_space<vmem>>) target(%dma_start3A_228 : memref<10240x128xf32, #tpu.memory_space<vmem_shared>>) offsets(%arg13 : memref<128xi32, #tpu.memory_space<vmem>>) semaphore(%run_scoped3A : memref<!tpu.dma_semaphore, #tpu.memory_space<semaphore_mem>>) {add = true}
        %dma_wait3A_229 = arith.constant 0 : i32
        %dma_wait3A_230 = arith.constant 0 : i32
        %dma_wait3A_231 = tpu.memref_slice %arg16[%dma_wait3A_229, %dma_wait3A_230] : memref<10240x128xf32, #tpu.memory_space<vmem_shared>> -> memref<10240x128xf32, #tpu.memory_space<vmem_shared>>
        tpu.wait_indirect_dma semaphore(%run_scoped3A : memref<!tpu.dma_semaphore, #tpu.memory_space<semaphore_mem>>) src(%arg15 : memref<128x128xf32, #tpu.memory_space<vmem>>) dst(%dma_wait3A_231 : memref<10240x128xf32, #tpu.memory_space<vmem_shared>>)
        tpu.yield
      }) : () -> ()
      %add3A_208 = arith.constant 4 : i32
      %add3A_209 = arith.addi %add3A_196, %add3A_208 : i32
      %lt3A_210 = arith.constant 80 : i32
      %lt3A_211 = arith.cmpi slt, %add3A_209, %lt3A_210 : i32
      %add3A_212 = arith.constant 4 : i32
      %add3A_213 = arith.addi %add3A_196, %add3A_212 : i32
      %jit3A_214 = arith.constant 0 : i32
      %select_n3A_215 = arith.select %lt3A_211, %add3A_213, %jit3A_214 : i32
      %mul3A_216 = arith.constant 128 : i32
      %mul3A_217 = arith.muli %select_n3A_215, %mul3A_216 : i32
      %add3A_218 = arith.addi %mul3A_4, %mul3A_217 : i32
      %dma_start3A_219 = tpu.memref_slice %arg3[%add3A_218] : memref<327680xi32, #tpu.memory_space<hbm>> -> memref<128xi32, #tpu.memory_space<hbm>>
      %dma_start3A_220 = tpu.memref_slice %arg3[%add3A_218] : memref<327680xi32, #tpu.memory_space<hbm>> -> memref<128xi32, #tpu.memory_space<hbm>>
      tpu.enqueue_dma source(%dma_start3A_220 : memref<128xi32, #tpu.memory_space<hbm>>) target(%arg9 : memref<128xi32, #tpu.memory_space<vmem>>) target_semaphore(%arg22 : memref<!tpu.dma_semaphore, #tpu.memory_space<semaphore_mem>>)
      %dma_start3A_221 = tpu.memref_slice %arg4[%add3A_218] : memref<327680xi32, #tpu.memory_space<hbm>> -> memref<128xi32, #tpu.memory_space<hbm>>
      %dma_start3A_222 = tpu.memref_slice %arg4[%add3A_218] : memref<327680xi32, #tpu.memory_space<hbm>> -> memref<128xi32, #tpu.memory_space<hbm>>
      tpu.enqueue_dma source(%dma_start3A_222 : memref<128xi32, #tpu.memory_space<hbm>>) target(%arg13 : memref<128xi32, #tpu.memory_space<vmem>>) target_semaphore(%arg22 : memref<!tpu.dma_semaphore, #tpu.memory_space<semaphore_mem>>)
      %dma_start3A_223 = arith.constant 0 : i32
      %dma_start3A_224 = arith.constant 0 : i32
      %dma_start3A_225 = tpu.memref_slice %arg2[%dma_start3A_223, %dma_start3A_224] : memref<10000x128xf32, #tpu.memory_space<hbm>> -> memref<10000x128xf32, #tpu.memory_space<hbm>>
      tpu.enqueue_indirect_dma source(%dma_start3A_225 : memref<10000x128xf32, #tpu.memory_space<hbm>>) target(%arg15 : memref<128x128xf32, #tpu.memory_space<vmem>>) offsets(%arg7 : memref<128xi32, #tpu.memory_space<vmem>>) semaphore(%arg18 : memref<!tpu.dma_semaphore, #tpu.memory_space<semaphore_mem>>)
    }
    %scan3A_69 = arith.constant 20 : i32
    %dma_wait3A_70 = arith.constant 0 : i32
    %dma_wait3A_71 = arith.constant 0 : i32
    %dma_wait3A_72 = tpu.memref_slice %arg2[%dma_wait3A_70, %dma_wait3A_71] : memref<10000x128xf32, #tpu.memory_space<hbm>> -> memref<10000x128xf32, #tpu.memory_space<hbm>>
    tpu.wait_indirect_dma semaphore(%arg17 : memref<!tpu.dma_semaphore, #tpu.memory_space<semaphore_mem>>) src(%dma_wait3A_72 : memref<10000x128xf32, #tpu.memory_space<hbm>>) dst(%arg14 : memref<128x128xf32, #tpu.memory_space<vmem>>)
    %dma_wait3A_73 = arith.constant 0 : i32
    %dma_wait3A_74 = arith.constant 0 : i32
    %dma_wait3A_75 = tpu.memref_slice %arg2[%dma_wait3A_73, %dma_wait3A_74] : memref<10000x128xf32, #tpu.memory_space<hbm>> -> memref<10000x128xf32, #tpu.memory_space<hbm>>
    tpu.wait_indirect_dma semaphore(%arg18 : memref<!tpu.dma_semaphore, #tpu.memory_space<semaphore_mem>>) src(%dma_wait3A_75 : memref<10000x128xf32, #tpu.memory_space<hbm>>) dst(%arg15 : memref<128x128xf32, #tpu.memory_space<vmem>>)
    %dma_wait3A_76 = arith.constant 0 : i32
    %dma_wait3A_77 = tpu.memref_slice %arg3[%dma_wait3A_76] : memref<327680xi32, #tpu.memory_space<hbm>> -> memref<128xi32, #tpu.memory_space<hbm>>
    %dma_wait3A_78 = arith.constant 0 : i32
    %dma_wait3A_79 = tpu.memref_slice %arg3[%dma_wait3A_78] : memref<327680xi32, #tpu.memory_space<hbm>> -> memref<128xi32, #tpu.memory_space<hbm>>
    tpu.wait_dma2 semaphore(%arg21 : memref<!tpu.dma_semaphore, #tpu.memory_space<semaphore_mem>>) src(%dma_wait3A_79 : memref<128xi32, #tpu.memory_space<hbm>>) dst(%arg8 : memref<128xi32, #tpu.memory_space<vmem>>)
    %dma_wait3A_80 = arith.constant 0 : i32
    %dma_wait3A_81 = tpu.memref_slice %arg4[%dma_wait3A_80] : memref<327680xi32, #tpu.memory_space<hbm>> -> memref<128xi32, #tpu.memory_space<hbm>>
    %dma_wait3A_82 = arith.constant 0 : i32
    %dma_wait3A_83 = tpu.memref_slice %arg4[%dma_wait3A_82] : memref<327680xi32, #tpu.memory_space<hbm>> -> memref<128xi32, #tpu.memory_space<hbm>>
    tpu.wait_dma2 semaphore(%arg21 : memref<!tpu.dma_semaphore, #tpu.memory_space<semaphore_mem>>) src(%dma_wait3A_83 : memref<128xi32, #tpu.memory_space<hbm>>) dst(%arg12 : memref<128xi32, #tpu.memory_space<vmem>>)
    %dma_wait3A_84 = arith.constant 0 : i32
    %dma_wait3A_85 = tpu.memref_slice %arg3[%dma_wait3A_84] : memref<327680xi32, #tpu.memory_space<hbm>> -> memref<128xi32, #tpu.memory_space<hbm>>
    %dma_wait3A_86 = arith.constant 0 : i32
    %dma_wait3A_87 = tpu.memref_slice %arg3[%dma_wait3A_86] : memref<327680xi32, #tpu.memory_space<hbm>> -> memref<128xi32, #tpu.memory_space<hbm>>
    tpu.wait_dma2 semaphore(%arg22 : memref<!tpu.dma_semaphore, #tpu.memory_space<semaphore_mem>>) src(%dma_wait3A_87 : memref<128xi32, #tpu.memory_space<hbm>>) dst(%arg9 : memref<128xi32, #tpu.memory_space<vmem>>)
    %dma_wait3A_88 = arith.constant 0 : i32
    %dma_wait3A_89 = tpu.memref_slice %arg4[%dma_wait3A_88] : memref<327680xi32, #tpu.memory_space<hbm>> -> memref<128xi32, #tpu.memory_space<hbm>>
    %dma_wait3A_90 = arith.constant 0 : i32
    %dma_wait3A_91 = tpu.memref_slice %arg4[%dma_wait3A_90] : memref<327680xi32, #tpu.memory_space<hbm>> -> memref<128xi32, #tpu.memory_space<hbm>>
    tpu.wait_dma2 semaphore(%arg22 : memref<!tpu.dma_semaphore, #tpu.memory_space<semaphore_mem>>) src(%dma_wait3A_91 : memref<128xi32, #tpu.memory_space<hbm>>) dst(%arg13 : memref<128xi32, #tpu.memory_space<vmem>>)
    %barrier3A_92 = arith.constant 0 : index
    tpu.barrier barrier_id(%barrier3A_92)
    %mul3A_93 = arith.constant 10240 : i32
    %mul3A_94 = arith.muli %arg0, %mul3A_93 : i32
    %add3A_95 = arith.addi %mul3A_94, %mul3A_2 : i32
    "tpu.region"() ({
      %run_scoped3A = tpu.sem_alloc : memref<!tpu.dma_semaphore, #tpu.memory_space<semaphore_mem>>
      %dma_start3A_96 = arith.constant 0 : i32
      %dma_start3A_97 = tpu.memref_slice %arg5[%add3A_95, %dma_start3A_96] : memref<20480x128xf32, #tpu.memory_space<hbm>> -> memref<640x128xf32, #tpu.memory_space<hbm>>
      %dma_start3A_98 = arith.constant 0 : i32
      %dma_start3A_99 = tpu.memref_slice %arg16[%mul3A_2, %dma_start3A_98] : memref<10240x128xf32, #tpu.memory_space<vmem_shared>> -> memref<640x128xf32, #tpu.memory_space<vmem_shared>>
      tpu.enqueue_dma source(%dma_start3A_99 : memref<640x128xf32, #tpu.memory_space<vmem_shared>>) target(%dma_start3A_97 : memref<640x128xf32, #tpu.memory_space<hbm>>) target_semaphore(%run_scoped3A : memref<!tpu.dma_semaphore, #tpu.memory_space<semaphore_mem>>)
      %dma_wait3A_100 = arith.constant 0 : i32
      %dma_wait3A_101 = tpu.memref_slice %arg5[%add3A_95, %dma_wait3A_100] : memref<20480x128xf32, #tpu.memory_space<hbm>> -> memref<640x128xf32, #tpu.memory_space<hbm>>
      %dma_wait3A_102 = arith.constant 0 : i32
      %dma_wait3A_103 = tpu.memref_slice %arg16[%mul3A_2, %dma_wait3A_102] : memref<10240x128xf32, #tpu.memory_space<vmem_shared>> -> memref<640x128xf32, #tpu.memory_space<vmem_shared>>
      tpu.wait_dma2 semaphore(%run_scoped3A : memref<!tpu.dma_semaphore, #tpu.memory_space<semaphore_mem>>) src(%dma_wait3A_103 : memref<640x128xf32, #tpu.memory_space<vmem_shared>>) dst(%dma_wait3A_101 : memref<640x128xf32, #tpu.memory_space<hbm>>)
      tpu.yield
    }) : () -> ()
    return
  }
}

module attributes {stable_mosaic.version = 14 : i64} {
  func.func @body(%arg0: i32, %arg1: memref<2000x128xf32, #tpu.memory_space<vmem>>, %arg2: memref<128x128xf32, #tpu.memory_space<vmem>>, %arg3: memref<2000x1xf32, #tpu.memory_space<vmem>>, %arg4: memref<2000x128xf32, #tpu.memory_space<vmem>>) attributes {dimension_semantics = [#tpu.dimension_semantics<arbitrary>], iteration_bounds = array<i64: 5>, scalar_prefetch = 0 : i64, scratch_operands = 0 : i64, tpu.core_type = #tpu.core_type<tc>, window_params = [{transform_indices = @transform_0, window_bounds = array<i64: 2000, 128>}, {pipeline_mode = #tpu.pipeline_mode<synchronous>, transform_indices = @transform_1, window_bounds = array<i64: 128, 128>}, {transform_indices = @transform_2, window_bounds = array<i64: 2000, 1>}, {transform_indices = @transform_3, window_bounds = array<i64: 2000, 128>}]} {
    %get3A = arith.constant 0 : index
    %get3A_0 = arith.constant 0 : index
    %get3A_1 = vector.load %arg3[%get3A, %get3A_0] : memref<2000x1xf32, #tpu.memory_space<vmem>>, vector<2000x1xf32>
    %add3A = arith.constant 1.000000e+00 : f32
    %add3A_2 = vector.broadcast %add3A : f32 to vector<2000x1xf32>
    %add3A_3 = arith.addf %get3A_1, %add3A_2 : vector<2000x1xf32>
    %rsqrt3A = math.rsqrt %add3A_3 : vector<2000x1xf32>
    %get3A_4 = arith.constant 0 : index
    %get3A_5 = arith.constant 0 : index
    %get3A_6 = vector.load %arg1[%get3A_4, %get3A_5] : memref<2000x128xf32, #tpu.memory_space<vmem>>, vector<2000x128xf32>
    %get3A_7 = arith.constant 0 : index
    %get3A_8 = arith.constant 0 : index
    %get3A_9 = vector.load %arg2[%get3A_7, %get3A_8] : memref<128x128xf32, #tpu.memory_space<vmem>>, vector<128x128xf32>
    %dot_general3A = arith.constant dense<0.000000e+00> : vector<2000x128xf32>
    %dot_general3A_10 = tpu.matmul %get3A_6, %get3A_9, %dot_general3A {dimension_numbers = #tpu.dot_dimension_numbers<[1], [0], [0], [1], [0, 0, 1, 1], [], []>, transpose_lhs_hint = false} : vector<2000x128xf32>, vector<128x128xf32>, vector<2000x128xf32> -> vector<2000x128xf32>
    %mul3A = vector.broadcast %rsqrt3A : vector<2000x1xf32> to vector<2000x128xf32>
    %mul3A_11 = arith.mulf %dot_general3A_10, %mul3A : vector<2000x128xf32>
    %swap3A = arith.constant 0 : index
    %swap3A_12 = arith.constant 0 : index
    %swap3A_13 = vector.load %arg4[%swap3A, %swap3A_12] : memref<2000x128xf32, #tpu.memory_space<vmem>>, vector<2000x128xf32>
    tpu.vector_store %arg4[%swap3A, %swap3A_12], %mul3A_11 {strides = array<i32>} : memref<2000x128xf32, #tpu.memory_space<vmem>>, vector<2000x128xf32>,
    return
  }
  func.func @transform_0(%arg0: i32) -> (i32, i32) {
    %c0_i32 = arith.constant 0 : i32
    %c0_i32_0 = arith.constant 0 : i32
    return %arg0, %c0_i32 : i32, i32
  }
  func.func @transform_1(%arg0: i32) -> (i32, i32) {
    %c0_i32 = arith.constant 0 : i32
    %c0_i32_0 = arith.constant 0 : i32
    %c0_i32_1 = arith.constant 0 : i32
    return %c0_i32, %c0_i32_0 : i32, i32
  }
  func.func @transform_2(%arg0: i32) -> (i32, i32) {
    %c0_i32 = arith.constant 0 : i32
    %c0_i32_0 = arith.constant 0 : i32
    return %arg0, %c0_i32 : i32, i32
  }
  func.func @transform_3(%arg0: i32) -> (i32, i32) {
    %c0_i32 = arith.constant 0 : i32
    %c0_i32_0 = arith.constant 0 : i32
    return %arg0, %c0_i32 : i32, i32
  }
}

module attributes {stable_mosaic.version = 14 : i64} {
  func.func @body(%arg0: i32, %arg1: memref<1x2000x128xf32, #tpu.memory_space<vmem>>, %arg2: memref<1x2000x128xf32, #tpu.memory_space<vmem>>, %arg3: memref<2000x128xf32, #tpu.memory_space<vmem>>, %arg4: memref<2000x1xf32, #tpu.memory_space<vmem>>, %arg5: memref<1x128xf32, #tpu.memory_space<vmem>>, %arg6: memref<128x128xf32, #tpu.memory_space<vmem>>, %arg7: memref<2000x128xf32, #tpu.memory_space<vmem>>) attributes {dimension_semantics = [#tpu.dimension_semantics<arbitrary>], iteration_bounds = array<i64: 5>, scalar_prefetch = 0 : i64, scratch_operands = 0 : i64, tpu.core_type = #tpu.core_type<tc>, window_params = [{transform_indices = @transform_0, window_bounds = array<i64: 1, 2000, 128>}, {transform_indices = @transform_1, window_bounds = array<i64: 1, 2000, 128>}, {transform_indices = @transform_2, window_bounds = array<i64: 2000, 128>}, {transform_indices = @transform_3, window_bounds = array<i64: 2000, 1>}, {pipeline_mode = #tpu.pipeline_mode<synchronous>, transform_indices = @transform_4, window_bounds = array<i64: 1, 128>}, {pipeline_mode = #tpu.pipeline_mode<synchronous>, transform_indices = @transform_5, window_bounds = array<i64: 128, 128>}, {transform_indices = @transform_6, window_bounds = array<i64: 2000, 128>}]} {
    %get3A = arith.constant 0 : index
    %get3A_0 = arith.constant 0 : index
    %get3A_1 = vector.load %arg4[%get3A, %get3A_0] : memref<2000x1xf32, #tpu.memory_space<vmem>>, vector<2000x1xf32>
    %add3A = arith.constant 1.000000e+00 : f32
    %add3A_2 = vector.broadcast %add3A : f32 to vector<2000x1xf32>
    %add3A_3 = arith.addf %get3A_1, %add3A_2 : vector<2000x1xf32>
    %rsqrt3A = math.rsqrt %add3A_3 : vector<2000x1xf32>
    %get3A_4 = arith.constant 0 : index
    %get3A_5 = arith.constant 0 : index
    %get3A_6 = arith.constant 0 : index
    %get3A_7 = vector.load %arg1[%get3A_4, %get3A_5, %get3A_6] : memref<1x2000x128xf32, #tpu.memory_space<vmem>>, vector<1x2000x128xf32>
    %get3A_8 = vector.shape_cast %get3A_7 : vector<1x2000x128xf32> to vector<2000x128xf32>
    %get3A_9 = arith.constant 0 : index
    %get3A_10 = arith.constant 0 : index
    %get3A_11 = arith.constant 0 : index
    %get3A_12 = vector.load %arg2[%get3A_9, %get3A_10, %get3A_11] : memref<1x2000x128xf32, #tpu.memory_space<vmem>>, vector<1x2000x128xf32>
    %get3A_13 = vector.shape_cast %get3A_12 : vector<1x2000x128xf32> to vector<2000x128xf32>
    %add3A_14 = arith.addf %get3A_8, %get3A_13 : vector<2000x128xf32>
    %get3A_15 = arith.constant 0 : index
    %get3A_16 = arith.constant 0 : index
    %get3A_17 = vector.load %arg3[%get3A_15, %get3A_16] : memref<2000x128xf32, #tpu.memory_space<vmem>>, vector<2000x128xf32>
    %add3A_18 = arith.addf %add3A_14, %get3A_17 : vector<2000x128xf32>
    %mul3A = vector.broadcast %rsqrt3A : vector<2000x1xf32> to vector<2000x128xf32>
    %mul3A_19 = arith.mulf %add3A_18, %mul3A : vector<2000x128xf32>
    %get3A_20 = arith.constant 0 : index
    %get3A_21 = arith.constant 0 : index
    %get3A_22 = vector.load %arg5[%get3A_20, %get3A_21] : memref<1x128xf32, #tpu.memory_space<vmem>>, vector<1x128xf32>
    %add3A_23 = vector.broadcast %get3A_22 : vector<1x128xf32> to vector<2000x128xf32>
    %add3A_24 = arith.addf %mul3A_19, %add3A_23 : vector<2000x128xf32>
    %max3A = arith.constant 0.000000e+00 : f32
    %max3A_25 = vector.broadcast %max3A : f32 to vector<2000x128xf32>
    %max3A_26 = arith.maximumf %add3A_24, %max3A_25 : vector<2000x128xf32>
    %get3A_27 = arith.constant 0 : index
    %get3A_28 = arith.constant 0 : index
    %get3A_29 = vector.load %arg6[%get3A_27, %get3A_28] : memref<128x128xf32, #tpu.memory_space<vmem>>, vector<128x128xf32>
    %dot_general3A = arith.constant dense<0.000000e+00> : vector<2000x128xf32>
    %dot_general3A_30 = tpu.matmul %max3A_26, %get3A_29, %dot_general3A {dimension_numbers = #tpu.dot_dimension_numbers<[1], [0], [0], [1], [0, 0, 1, 1], [], []>, transpose_lhs_hint = false} : vector<2000x128xf32>, vector<128x128xf32>, vector<2000x128xf32> -> vector<2000x128xf32>
    %mul3A_31 = vector.broadcast %rsqrt3A : vector<2000x1xf32> to vector<2000x128xf32>
    %mul3A_32 = arith.mulf %dot_general3A_30, %mul3A_31 : vector<2000x128xf32>
    %swap3A = arith.constant 0 : index
    %swap3A_33 = arith.constant 0 : index
    %swap3A_34 = vector.load %arg7[%swap3A, %swap3A_33] : memref<2000x128xf32, #tpu.memory_space<vmem>>, vector<2000x128xf32>
    tpu.vector_store %arg7[%swap3A, %swap3A_33], %mul3A_32 {strides = array<i32>} : memref<2000x128xf32, #tpu.memory_space<vmem>>, vector<2000x128xf32>,
    return
  }
  func.func @transform_0(%arg0: i32) -> (i32, i32, i32) {
    %c0_i32 = arith.constant 0 : i32
    %c0_i32_0 = arith.constant 0 : i32
    %c0_i32_1 = arith.constant 0 : i32
    return %c0_i32, %arg0, %c0_i32_0 : i32, i32, i32
  }
  func.func @transform_1(%arg0: i32) -> (i32, i32, i32) {
    %c1_i32 = arith.constant 1 : i32
    %c0_i32 = arith.constant 0 : i32
    %c0_i32_0 = arith.constant 0 : i32
    return %c1_i32, %arg0, %c0_i32 : i32, i32, i32
  }
  func.func @transform_2(%arg0: i32) -> (i32, i32) {
    %c0_i32 = arith.constant 0 : i32
    %c0_i32_0 = arith.constant 0 : i32
    return %arg0, %c0_i32 : i32, i32
  }
  func.func @transform_3(%arg0: i32) -> (i32, i32) {
    %c0_i32 = arith.constant 0 : i32
    %c0_i32_0 = arith.constant 0 : i32
    return %arg0, %c0_i32 : i32, i32
  }
  func.func @transform_4(%arg0: i32) -> (i32, i32) {
    %c0_i32 = arith.constant 0 : i32
    %c0_i32_0 = arith.constant 0 : i32
    %c0_i32_1 = arith.constant 0 : i32
    return %c0_i32, %c0_i32_0 : i32, i32
  }
  func.func @transform_5(%arg0: i32) -> (i32, i32) {
    %c0_i32 = arith.constant 0 : i32
    %c0_i32_0 = arith.constant 0 : i32
    %c0_i32_1 = arith.constant 0 : i32
    return %c0_i32, %c0_i32_0 : i32, i32
  }
  func.func @transform_6(%arg0: i32) -> (i32, i32) {
    %c0_i32 = arith.constant 0 : i32
    %c0_i32_0 = arith.constant 0 : i32
    return %arg0, %c0_i32 : i32, i32
  }
}

module attributes {stable_mosaic.version = 14 : i64} {
  func.func @body(%arg0: i32, %arg1: memref<1x2000x128xf32, #tpu.memory_space<vmem>>, %arg2: memref<1x2000x128xf32, #tpu.memory_space<vmem>>, %arg3: memref<2000x128xf32, #tpu.memory_space<vmem>>, %arg4: memref<2000x1xf32, #tpu.memory_space<vmem>>, %arg5: memref<1x128xf32, #tpu.memory_space<vmem>>, %arg6: memref<128x64xf32, #tpu.memory_space<vmem>>, %arg7: memref<1x64xf32, #tpu.memory_space<vmem>>, %arg8: memref<2000x64xf32, #tpu.memory_space<vmem>>) attributes {dimension_semantics = [#tpu.dimension_semantics<arbitrary>], iteration_bounds = array<i64: 5>, scalar_prefetch = 0 : i64, scratch_operands = 0 : i64, tpu.core_type = #tpu.core_type<tc>, window_params = [{transform_indices = @transform_0, window_bounds = array<i64: 1, 2000, 128>}, {transform_indices = @transform_1, window_bounds = array<i64: 1, 2000, 128>}, {transform_indices = @transform_2, window_bounds = array<i64: 2000, 128>}, {transform_indices = @transform_3, window_bounds = array<i64: 2000, 1>}, {pipeline_mode = #tpu.pipeline_mode<synchronous>, transform_indices = @transform_4, window_bounds = array<i64: 1, 128>}, {pipeline_mode = #tpu.pipeline_mode<synchronous>, transform_indices = @transform_5, window_bounds = array<i64: 128, 64>}, {pipeline_mode = #tpu.pipeline_mode<synchronous>, transform_indices = @transform_6, window_bounds = array<i64: 1, 64>}, {transform_indices = @transform_7, window_bounds = array<i64: 2000, 64>}]} {
    %get3A = arith.constant 0 : index
    %get3A_0 = arith.constant 0 : index
    %get3A_1 = vector.load %arg4[%get3A, %get3A_0] : memref<2000x1xf32, #tpu.memory_space<vmem>>, vector<2000x1xf32>
    %add3A = arith.constant 1.000000e+00 : f32
    %add3A_2 = vector.broadcast %add3A : f32 to vector<2000x1xf32>
    %add3A_3 = arith.addf %get3A_1, %add3A_2 : vector<2000x1xf32>
    %rsqrt3A = math.rsqrt %add3A_3 : vector<2000x1xf32>
    %get3A_4 = arith.constant 0 : index
    %get3A_5 = arith.constant 0 : index
    %get3A_6 = arith.constant 0 : index
    %get3A_7 = vector.load %arg1[%get3A_4, %get3A_5, %get3A_6] : memref<1x2000x128xf32, #tpu.memory_space<vmem>>, vector<1x2000x128xf32>
    %get3A_8 = vector.shape_cast %get3A_7 : vector<1x2000x128xf32> to vector<2000x128xf32>
    %get3A_9 = arith.constant 0 : index
    %get3A_10 = arith.constant 0 : index
    %get3A_11 = arith.constant 0 : index
    %get3A_12 = vector.load %arg2[%get3A_9, %get3A_10, %get3A_11] : memref<1x2000x128xf32, #tpu.memory_space<vmem>>, vector<1x2000x128xf32>
    %get3A_13 = vector.shape_cast %get3A_12 : vector<1x2000x128xf32> to vector<2000x128xf32>
    %add3A_14 = arith.addf %get3A_8, %get3A_13 : vector<2000x128xf32>
    %get3A_15 = arith.constant 0 : index
    %get3A_16 = arith.constant 0 : index
    %get3A_17 = vector.load %arg3[%get3A_15, %get3A_16] : memref<2000x128xf32, #tpu.memory_space<vmem>>, vector<2000x128xf32>
    %add3A_18 = arith.addf %add3A_14, %get3A_17 : vector<2000x128xf32>
    %mul3A = vector.broadcast %rsqrt3A : vector<2000x1xf32> to vector<2000x128xf32>
    %mul3A_19 = arith.mulf %add3A_18, %mul3A : vector<2000x128xf32>
    %get3A_20 = arith.constant 0 : index
    %get3A_21 = arith.constant 0 : index
    %get3A_22 = vector.load %arg5[%get3A_20, %get3A_21] : memref<1x128xf32, #tpu.memory_space<vmem>>, vector<1x128xf32>
    %add3A_23 = vector.broadcast %get3A_22 : vector<1x128xf32> to vector<2000x128xf32>
    %add3A_24 = arith.addf %mul3A_19, %add3A_23 : vector<2000x128xf32>
    %max3A = arith.constant 0.000000e+00 : f32
    %max3A_25 = vector.broadcast %max3A : f32 to vector<2000x128xf32>
    %max3A_26 = arith.maximumf %add3A_24, %max3A_25 : vector<2000x128xf32>
    %get3A_27 = arith.constant 0 : index
    %get3A_28 = arith.constant 0 : index
    %get3A_29 = vector.load %arg6[%get3A_27, %get3A_28] : memref<128x64xf32, #tpu.memory_space<vmem>>, vector<128x64xf32>
    %dot_general3A = arith.constant dense<0.000000e+00> : vector<2000x64xf32>
    %dot_general3A_30 = tpu.matmul %max3A_26, %get3A_29, %dot_general3A {dimension_numbers = #tpu.dot_dimension_numbers<[1], [0], [0], [1], [0, 0, 1, 1], [], []>, transpose_lhs_hint = false} : vector<2000x128xf32>, vector<128x64xf32>, vector<2000x64xf32> -> vector<2000x64xf32>
    %get3A_31 = arith.constant 0 : index
    %get3A_32 = arith.constant 0 : index
    %get3A_33 = vector.load %arg7[%get3A_31, %get3A_32] : memref<1x64xf32, #tpu.memory_space<vmem>>, vector<1x64xf32>
    %add3A_34 = vector.broadcast %get3A_33 : vector<1x64xf32> to vector<2000x64xf32>
    %add3A_35 = arith.addf %dot_general3A_30, %add3A_34 : vector<2000x64xf32>
    %swap3A = arith.constant 0 : index
    %swap3A_36 = arith.constant 0 : index
    %swap3A_37 = vector.load %arg8[%swap3A, %swap3A_36] : memref<2000x64xf32, #tpu.memory_space<vmem>>, vector<2000x64xf32>
    tpu.vector_store %arg8[%swap3A, %swap3A_36], %add3A_35 {strides = array<i32>} : memref<2000x64xf32, #tpu.memory_space<vmem>>, vector<2000x64xf32>,
    return
  }
  func.func @transform_0(%arg0: i32) -> (i32, i32, i32) {
    %c0_i32 = arith.constant 0 : i32
    %c0_i32_0 = arith.constant 0 : i32
    %c0_i32_1 = arith.constant 0 : i32
    return %c0_i32, %arg0, %c0_i32_0 : i32, i32, i32
  }
  func.func @transform_1(%arg0: i32) -> (i32, i32, i32) {
    %c1_i32 = arith.constant 1 : i32
    %c0_i32 = arith.constant 0 : i32
    %c0_i32_0 = arith.constant 0 : i32
    return %c1_i32, %arg0, %c0_i32 : i32, i32, i32
  }
  func.func @transform_2(%arg0: i32) -> (i32, i32) {
    %c0_i32 = arith.constant 0 : i32
    %c0_i32_0 = arith.constant 0 : i32
    return %arg0, %c0_i32 : i32, i32
  }
  func.func @transform_3(%arg0: i32) -> (i32, i32) {
    %c0_i32 = arith.constant 0 : i32
    %c0_i32_0 = arith.constant 0 : i32
    return %arg0, %c0_i32 : i32, i32
  }
  func.func @transform_4(%arg0: i32) -> (i32, i32) {
    %c0_i32 = arith.constant 0 : i32
    %c0_i32_0 = arith.constant 0 : i32
    %c0_i32_1 = arith.constant 0 : i32
    return %c0_i32, %c0_i32_0 : i32, i32
  }
  func.func @transform_5(%arg0: i32) -> (i32, i32) {
    %c0_i32 = arith.constant 0 : i32
    %c0_i32_0 = arith.constant 0 : i32
    %c0_i32_1 = arith.constant 0 : i32
    return %c0_i32, %c0_i32_0 : i32, i32
  }
  func.func @transform_6(%arg0: i32) -> (i32, i32) {
    %c0_i32 = arith.constant 0 : i32
    %c0_i32_0 = arith.constant 0 : i32
    %c0_i32_1 = arith.constant 0 : i32
    return %c0_i32, %c0_i32_0 : i32, i32
  }
  func.func @transform_7(%arg0: i32) -> (i32, i32) {
    %c0_i32 = arith.constant 0 : i32
    %c0_i32_0 = arith.constant 0 : i32
    return %arg0, %c0_i32 : i32, i32
  }
}

</mosaic_0001>

<sc_bundles>
// kernel: kernel.11.cloned.1.call-start
scs
__scs_entry_jumppad:
0x0: {  	(pc) =	sbr.rel $0x88, $3  }
0x1: {  	(tag) =	ssettag $0x0;
	lr =	simm.s32 $0x1  }
0x2: {  	[smem:$0x3F99] =	sst lr;
	_ =	strace $0xD0000000  }
0x3: {  	_ = 	snop  }
0x4: {  	_ = 	snop  }
0x5: {  	_ = 	snop  }
0x6: {  	_ = 	snop  }
0x7: {  	_ = 	snop  }
__scs_overlays_trampoline_lowered:
0x8: {  	[smem:$0x3FA8] =	sst s0  }
0x9: {  	[smem:$0x3FA9] =	sst s1  }
0xa: {  	[smem:$0x3FAA] =	sst s2  }
0xb: {  	[smem:$0x3FAB] =	sst s3  }
0xc: {  	[smem:$0x3FAC] =	sst s4  }
0xd: {  	[smem:$0x3FAD] =	sst s5  }
0xe: {  	[smem:$0x3FAE] =	sst s6  }
0xf: {  	[smem:$0x3FAF] =	sst s7  }
0x10: {  	[smem:$0x3FB0] =	sst s8  }
0x11: {  	[smem:$0x3FB1] =	sst s9;
	s0 =	simm.s32 @!p0 $0x0  }
0x12: {  	s1 =	sld [smem:$0x3F97];
	s0 =	simm.s32 @p0 $0x1  }
0x13: {  	[smem:$0x3FB2] =	sst s0;
	s0 =	simm.s32 @!p1 $0x0  }
0x14: {  	s2 =	sld [smem:$0x3F96];
	s0 =	simm.s32 @p1 $0x1  }
0x15: {  	[smem:$0x3FB3] =	sst s0;
	s0 =	simm.s32 @!p2 $0x0  }
0x16: {  	s3 =	sld [smem:$0x3FDB];
	s0 =	simm.s32 @p2 $0x1  }
0x17: {  	s4 =	simm.s32 $0x1BF5;
	[smem:$0x3FB5] =	sst s0  }
0x18: {  	s0 =	sld [smem:$0x3F98];
	_ =	swait.ge [sflag:s4], $0x0  }
0x19: {  	s7 =	sld [smem:$0x3F99]  }
0x1a: {  	s8 =	sadd.s32 $0xFFFFE003, lr  }
0x1b: {  	s9 =	sadd.s32 $0xFFFFFEF7, lr;
	s5 =	simm.s32 $0xFFFFFFFF;
	p2 =	slt.u32 s8, $0xFFFFF086  }
0x1c: {  	p1 =	slt.u32 s9, $0xF7A;
	s5 =	simm.s32 @!p2 $0x0  }
0x1d: {  	s5 =	simm.s32 @p1 $0x1;
	p0 =	seq.s32 s7, s2  }
0x1e: {  	s7 =	smul.u32 @!p0 $0xF7A, s2;
	p2 =	seq.s32 @!p0 s5, $0x0  }
0x1f: {  	s9 =	smul.u32 $0xF7A, s1;
	s8 =	simm.s32 @!p0 $0x1BF5;
	p2 =	por !p2, p0  }
0x20: {  	[sflag:s8] =	ssyncset.s32 @!p0 $0xFFFFF086;
	s6 =	sadd.s32 @!p0 s3, s7;
	s7 =	simm.s32 @!p0 $0x108  }
0x21: {  	s3 =	sadd.s32 s3, s9;
	s6 =	sadd.s32 @!p0 $0x88, s6;
	s7 =	simm.s32 @p2 $0x1082  }
0x22: {  	[simem:s7], [sflag:s8] =	dma.local @!p0 [hbm:s6], $0xF7A  }
0x23: {  	s9 =	sor.u32 $0xD0000000, s2;
	s6 =	simm.s32 $0x108;
	_ =	swait.ge @!p0 [sflag:s8], $0x0  }
0x24: {  	s3 =	sadd.s32 $0x88, s3;
	s6 =	simm.s32 @!p1 $0x1082;
	[sflag:s4] =	ssyncset.s32 $0xFFFFF086  }
0x25: {  	[simem:s6], [sflag:s4] =	dma.local [hbm:s3], $0xF7A  }
0x26: {  	[smem:$0x3F99] =	sst s1;
	(tag) =	ssettag s2;
	_ =	strace s9  }
0x27: {  	s1 =	sld [smem:$0x3FA9]  }
0x28: {  	s2 =	sld [smem:$0x3FAA]  }
0x29: {  	s4 =	sld [smem:$0x3FAC]  }
0x2a: {  	p0 =	seq.s32 s5, $0x0;
	s5 =	sld [smem:$0x3FAD]  }
0x2b: {  	s6 =	sld [smem:$0x3FAE]  }
0x2c: {  	s7 =	sld [smem:$0x3FAF]  }
0x2d: {  	s3 =	simm.s32 $0x108;
	s8 =	sld [smem:$0x3FB0]  }
0x2e: {  	s3 =	simm.s32 @!p0 $0x1082;
	s9 =	sld [smem:$0x3FB1]  }
0x2f: {  	lr =	sadd.s32 s0, s3;
	s0 =	sld [smem:$0x3FA8]  }
0x30: {  	s3 =	sld [smem:$0x3FAB]  }
0x31: {  	[smem:$0x3FB4] =	sst s10  }
0x32: {  	s10 =	sld [smem:$0x3FB2];
	_ =	sdelay $0x3  }
0x33: {  	p0 =	seq.s32 s10, $0x1;
	s10 =	sld [smem:$0x3FB4];
	_ =	sdelay $0x3  }
0x34: {  	[smem:$0x3FB4] =	sst s10  }
0x35: {  	s10 =	sld [smem:$0x3FB3];
	_ =	sdelay $0x3  }
0x36: {  	p1 =	seq.s32 s10, $0x1;
	s10 =	sld [smem:$0x3FB4];
	_ =	sdelay $0x3  }
0x37: {  	[smem:$0x3FB4] =	sst s10  }
0x38: {  	s10 =	sld [smem:$0x3FB5]  }
0x39: {  	_ = 	snop;
	(pc) =	sbr.ind lr, $3  }
0x3a: {  	_ = 	snop  }
0x3b: {  	_ = 	snop  }
0x3c: {  	p2 =	seq.s32 s10, $0x1;
	s10 =	sld [smem:$0x3FB4]  }
0x3d: {  	_ =	shalt  }
0x3e: {  	_ =	shalt  }
0x3f: {  	_ =	shalt  }
0x40: {  	_ =	shalt  }
0x41: {  	_ =	shalt  }
0x42: {  	_ =	shalt  }
0x43: {  	_ =	shalt  }
0x44: {  	_ =	shalt  }
0x45: {  	_ =	shalt  }
0x46: {  	_ =	shalt  }
0x47: {  	_ =	shalt  }
0x48: {  	_ =	shalt  }
0x49: {  	_ =	shalt  }
0x4a: {  	_ =	shalt  }
0x4b: {  	_ =	shalt  }
0x4c: {  	_ =	shalt  }
0x4d: {  	_ =	shalt  }
0x4e: {  	_ =	shalt  }
0x4f: {  	_ =	shalt  }
0x50: {  	_ =	shalt  }
0x51: {  	_ =	shalt  }
0x52: {  	_ =	shalt  }
0x53: {  	_ =	shalt  }
0x54: {  	_ =	shalt  }
0x55: {  	_ =	shalt  }
0x56: {  	_ =	shalt  }
0x57: {  	_ =	shalt  }
0x58: {  	_ =	shalt  }
0x59: {  	_ =	shalt  }
0x5a: {  	_ =	shalt  }
0x5b: {  	_ =	shalt  }
0x5c: {  	_ =	shalt  }
0x5d: {  	_ =	shalt  }
0x5e: {  	_ =	shalt  }
0x5f: {  	_ =	shalt  }
0x60: {  	_ =	shalt  }
0x61: {  	_ =	shalt  }
0x62: {  	_ =	shalt  }
0x63: {  	_ =	shalt  }
0x64: {  	_ =	shalt  }
0x65: {  	_ =	shalt  }
0x66: {  	_ =	shalt  }
0x67: {  	_ =	shalt  }
0x68: {  	_ =	shalt  }
0x69: {  	_ =	shalt  }
0x6a: {  	_ =	shalt  }
0x6b: {  	_ =	shalt  }
0x6c: {  	_ =	shalt  }
0x6d: {  	_ =	shalt  }
0x6e: {  	_ =	shalt  }
0x6f: {  	_ =	shalt  }
0x70: {  	_ =	shalt  }
0x71: {  	_ =	shalt  }
0x72: {  	_ =	shalt  }
0x73: {  	_ =	shalt  }
0x74: {  	_ =	shalt  }
0x75: {  	_ =	shalt  }
0x76: {  	_ =	shalt  }
0x77: {  	_ =	shalt  }
0x78: {  	_ =	shalt  }
0x79: {  	_ =	shalt  }
0x7a: {  	_ =	shalt  }
0x7b: {  	_ =	shalt  }
0x7c: {  	_ =	shalt  }
0x7d: {  	_ =	shalt  }
0x7e: {  	_ =	shalt  }
0x7f: {  	_ =	shalt  }
0x80: {  	_ =	shalt  }
0x81: {  	_ =	shalt  }
0x82: {  	_ =	shalt  }
0x83: {  	_ =	shalt  }
0x84: {  	_ =	shalt  }
0x85: {  	_ =	shalt  }
0x86: {  	_ =	shalt  }
0x87: {  	_ =	shalt  }
.Lfunc_end0:
.L_simem_size_0:
called_computation.1_lowered:
.L_overlay_start_0:
0x88: {  	s2 =	sld [smem:$0x3FD9]  }
0x89: {  	s3 =	sld [smem:$0x3FFE];
	_ =	sdelay $0x1  }
0x8a: {  	s1 =	srdreg.scid  }
0x8b: {  	s0 =	sand.u32 $0x1, s1  }
0x8c: {  	s17 =	sshll.u32 s0, $0xA;
	s2 =	sadd.s32 s3, s2  }
0x8d: {  	s2 =	sadd.s32 s2, s17  }
0x8e: {  	[smem:$0x3FC0] =	sst s2  }
0x8f: {  	_ = 	snop  }
0x90: {  	s2 =	sld [smem:$0x3FD0];
	(tm) =	ssettm $0x1  }
0x91: {  	s18 =	sld [smem:$0x3FFB];
	_ =	sdelay $0x3  }
0x92: {  	_ =	strace s18  }
0x93: {  	s3 =	sld [smem:$0x3FFC];
	_ =	sdelay $0x3  }
0x94: {  	_ =	strace s3  }
0x95: {  	s3 =	sld [smem:$0x3FFD];
	_ =	sdelay $0x3  }
0x96: {  	_ =	strace s3  }
0x97: {  	_ =	strace $0x8FFFFFFF  }
0x98: {  	s19 =	sld [smem:$0x3FDB];
	_ =	sdelay $0x1  }
0x99: {  	s4 =	simm.s32 $_scs_section_size  }
0x9a: {  	s5 =	simm.s32 $_size__tile_overlayer_lowered;
	s6 =	simm.s32 $_tile_overlayer_lowered  }
0x9b: {  	s22 =	simm.s32 $0x1BFF;
	s21 =	sshll.u32 s6, $0x1;
	s3 =	sadd.s32 s4, s19  }
0x9c: {  	s7 =	simm.s32 $0x0;
	s20 =	sshll.u32 s5, $0x1;
	s5 =	sadd.s32 s21, s3  }
0x9d: {  	[timem:s7], [sflag:s22] =	dma.local [hbm:s5], s20  }
0x9e: {  	_ =	swait.ge [sflag:s22], s20  }
0x9f: {  	s4 =	ssub.s32 $0x0, s20;
	[sflag:s22] =	ssyncset.done $0x0  }
0xa0: {  	[sflag:s22] =	ssyncadd.s32 s4;
	_ =	sdelay $0x1  }
0xa1: {  	s23 =	simm.s32 $0x1B8B  }
0xa2: {  	_ =	swait.ge [sflag:s23], $0x1  }
0xa3: {  	[sflag:s23] =	ssyncset.done $0x0  }
0xa4: {  	s25 =	simm.s32 $0x1B8E;
	s24 =	sld [smem:$0x3FFE];
	[sflag:s23] =	ssyncadd.s32 $0xFFFFFFFF  }
0xa5: {  	s26 =	simm.s32 $execute0_lowered;
	[smem:$0x3FD2] =	sst s25  }
0xa6: {  	s5 =	sshll.u32 s26, $0x1;
	_ =	strace $0x80000049;
	[dreg:$0x1] =	wrdreg $0xFFFFFFFF  }
0xa7: {  	s28 =	simm.s32 $_size_execute0_lowered;
	s3 =	sadd.s32 s3, s5;
	[dreg:$0x0] =	wrdreg $0x0  }
0xa8: {  	s5 =	sshll.u32 s28, $0x1;
	[dreg:$0x2] =	wrdreg s3  }
0xa9: {  	[dreg:$0x3] =	wrdreg s5  }
0xaa: {  	[dreg:$0x4] =	wrdreg $0xC0  }
0xab: {  	_ =	task [dreg:s7], $0x5FFFF  }
0xac: {  	[dreg:$0x1] =	wrdreg $0xFFFFFFFF  }
0xad: {  	[dreg:$0x0] =	wrdreg $0x60  }
0xae: {  	[dreg:$0x2] =	wrdreg s24  }
0xaf: {  	[dreg:$0x3] =	wrdreg s2  }
0xb0: {  	[dreg:$0x4] =	wrdreg $0x84000  }
0xb1: {  	[dreg:$0x5] =	wrdreg $0x9  }
0xb2: {  	_ =	task.clear_ibuf [dreg:s7], $0x6FFFF;
	_ =	strace $0x90000049  }
0xb3: {  	s29 =	simm.s32 $0x9;
	_ =	strace $0x8000004B  }
0xb4: {  	_ =	swait.ge [sflag:s29], $0x1  }
0xb5: {  	[sflag:s29] =	ssyncadd.s32 $0xFFFFFFFF  }
0xb6: {  	_ =	strace $0x9000004B  }
0xb7: {  	_ =	sfence  }
0xb8: {  	s30 =	sld [smem:$0x0];
	_ =	sdelay $0x2  }
0xb9: {  	s31 =	sshll.u32 s1, $0xD;
	s1 =	sshrl.u32 s1, $0x2  }
0xba: {  	s3 =	sand.u32 $0x4000, s31;
	s1 =	sadd.s32 s1, s30  }
0xbb: {  	s0 =	sor.u32 s3, s0;
	s1 =	sshll.u32 s1, $0x11  }
0xbc: {  	s0 =	sor.u32 s1, s0  }
0xbd: {  	s0 =	sadd.s32 $0x8F2B, s0  }
0xbe: {  	[sflag:s0] =	ssyncadd.remote.s32 $0x1  }
0xbf: {  	_ =	sfence.sel $0xFFFF  }
0xc0: {  	[dreg:$0x0] =	wrdreg $0xFFFFFFFF;
	(pc) =	sbr.abs _section_cstart, $3  }
0xc1: {  	[dreg:$0x1] =	wrdreg $0xFFFFFFFF  }
0xc2: {  	_ =	task.clear_ibuf [dreg:s7], $0x2FFFF;
	_ =	strace $0x9FFFFFFF  }
0xc3: {  	(tm) =	ssettm $0x7FFFFFFF  }
tec
execute0_lowered:
.L_overlay_start_1:
0x0: {  	(tag) =	ssettag $0x1  }
0x1: {  	s0 =	rddreg [dreg:$0x0]  }
0x2: {  	s2 =	rddreg [dreg:$0x1]  }
0x3: {  	s3 =	rddreg [dreg:$0x2]  }
0x4: {  	s1 =	srdreg.scid;
	s11 =	stileid.u32;
	s4 =	simm.s32 $0x0  }
0x5: {  	s28 =	simm.s32 $0x300;
	s29 =	simm.s32 $0x180;
	s30 =	simm.s32 $0x380  }
0x6: {  	s31 =	simm.s32 $0x4400;
	s12 =	simm.s32 $0x2;
	s1 =	sand.u32 $0x1, s1  }
0x7: {  	s8 =	smul.u32 $0x2800, s11;
	[smem:$0x7FF] =	sst s4;
	s6 =	sadd.s32 $0xC800, s0  }
0x8: {  	s7 =	sadd.s32 $0x2800, s0;
	s5 =	sshll.u32 s1, $0x4;
	s9 =	smul.u32 $0x28000, s1  }
0x9: {  	s17 =	smul.u32 $0x50000, s11;
	_ =	strace $0x8000004A;
	s5 =	sor.u32 s11, s5  }
0xa: {  	s1 =	ssub.s32 $0x2, s1;
	s5 =	smul.u32 $0x2800, s5;
	s8 =	sadd.s32 s8, s9  }
0xb: {  	s13 =	sshrl.u32 s1, $0x1;
	s11 =	simm.s32 $0x5;
	s0 =	sadd.s32 s8, s0  }
0xc: {  	s1 =	ssub.s32 s1, s13;
	s10 =	sshrl.u32 s5, $0x3;
	s0 =	sadd.s32 $0x33A00, s0  }
0xd: {  	s9 =	sshrl.u32 s17, $0x2;
	s14 =	sadd.s32 s7, s10;
	[dreg:$0x10] =	wrdreg s0  }
0xe: {  	s15 =	sadd.s32 s2, s10;
	s16 =	sor.u32 $0x10, s10;
	[dreg:$0x4] =	wrdreg s14  }
0xf: {  	s13 =	simm.s32 $0x6;
	[dreg:$0x5] =	wrdreg s15;
	s18 =	sadd.s32 s7, s16  }
0x10: {  	s19 =	sor.u32 $0x20, s10;
	s8 =	sadd.s32 s2, s16;
	[dreg:$0x6] =	wrdreg s18  }
0x11: {  	s10 =	sor.u32 $0x30, s10;
	s20 =	sadd.s32 s7, s19;
	[dreg:$0x7] =	wrdreg s8  }
0x12: {  	s0 =	simm.s32 $0x7;
	s21 =	sadd.s32 s7, s10;
	[dreg:$0x8] =	wrdreg s20  }
0x13: {  	s15 =	sadd.s32 s9, s3;
	s22 =	sadd.s32 s2, s10;
	[dreg:$0xa] =	wrdreg s21  }
0x14: {  	s9 =	simm.s32 $0x4;
	s8 =	sadd.s32 s2, s19;
	[dreg:$0xb] =	wrdreg s22  }
0x15: {  	s10 =	simm.s32 $0x1;
	s23 =	sadd.s32 $0x4000, s15;
	[dreg:$0x9] =	wrdreg s8  }
0x16: {  	s14 =	simm.s32 $0x0;
	s24 =	sadd.s32 $0x8000, s15;
	[dreg:$0xc] =	wrdreg s23  }
0x17: {  	s25 =	sadd.s32 $0xC000, s15;
	s26 =	sadd.s32 $0x10000, s15;
	[dreg:$0xd] =	wrdreg s24  }
0x18: {  	s22 =	smax.u32 s1, $0x1;
	s1 =	simm.s32 $0x3;
	[dreg:$0xe] =	wrdreg s25  }
0x19: {  	[dreg:$0xf] =	wrdreg s26;
	s23 =	simm.s32 $0x200;
	s24 =	simm.s32 $0x80  }
0x1a: {  	v0 =	vimm.f32 $0.0e+00;
	s25 =	simm.s32 $0x280;
	s26 =	simm.s32 $0x100;
	s8 =	simm.s32 $0x400  }
.LBB2_1:
0x1b: {  	s16 =	rddreg [dreg:$0x4]  }
0x1c: {  	[tilespmem:s4], [sflag:$0x3] =	stream.linear.gather [hbm4b:s16+s4], $0x80, $0x38;
	[tilespmem:$0x1C400] =	vst v63  }
0x1d: {  	s20 =	rddreg [dreg:$0x5]  }
0x1e: {  	[tilespmem:s23], [sflag:$0x3] =	stream.linear.gather [hbm4b:s20+s4], $0x80, $0x38;
	[tilespmem:$0x1C400] =	vst v63  }
0x1f: {  	s21 =	rddreg [dreg:$0x6]  }
0x20: {  	[tilespmem:s24], [sflag:$0x4] =	stream.linear.gather [hbm4b:s21+s4], $0x80, $0x38;
	[tilespmem:$0x1C400] =	vst v63  }
0x21: {  	s17 =	rddreg [dreg:$0x7]  }
0x22: {  	[tilespmem:s25], [sflag:$0x4] =	stream.linear.gather [hbm4b:s17+s4], $0x80, $0x38;
	[tilespmem:$0x1C400] =	vst v63  }
0x23: {  	s18 =	rddreg [dreg:$0x8]  }
0x24: {  	[tilespmem:s26], [sflag:$0x5] =	stream.linear.gather [hbm4b:s18+s4], $0x80, $0x38;
	[tilespmem:$0x1C400] =	vst v63  }
0x25: {  	s19 =	rddreg [dreg:$0x9]  }
0x26: {  	[tilespmem:s28], [sflag:$0x5] =	stream.linear.gather [hbm4b:s19+s4], $0x80, $0x38;
	[tilespmem:$0x1C400] =	vst v63  }
0x27: {  	s20 =	rddreg [dreg:$0xa]  }
0x28: {  	[tilespmem:s29], [sflag:$0x6] =	stream.linear.gather [hbm4b:s20+s4], $0x80, $0x38;
	[tilespmem:$0x1C400] =	vst v63  }
0x29: {  	s16 =	simm.s32 $0x0;
	s21 =	rddreg [dreg:$0xb];
	s17 =	simm.s32 $0x200  }
0x2a: {  	[tilespmem:s30], [sflag:$0x6] =	stream.linear.gather [hbm4b:s21+s4], $0x80, $0x38;
	[tilespmem:$0x1C400] =	vst v63  }
.LBB2_2:
0x2b: {  	p0 =	sne.s32 s17, $0xFE00;
	[tilespmem:s16+$0x4470] =	vst v0  }
0x2c: {  	[tilespmem:s16+$0x4400] =	vst v0  }
0x2d: {  	[tilespmem:s16+$0x4410] =	vst v0  }
.Ltmp0:
0x2e: {  	[tilespmem:s16+$0x4420] =	vst v0;
	(pc) =	sbr.rel @p0 .LBB2_2-.Ltmp0, $4  }
0x2f: {  	[tilespmem:s16+$0x4430] =	vst v0  }
0x30: {  	[tilespmem:s16+$0x4440] =	vst v0  }
0x31: {  	[tilespmem:s16+$0x4450] =	vst v0  }
0x32: {  	[tilespmem:s16+$0x4460] =	vst v0;
	s16 =	sshra.s32 s17, $0x2;
	s17 =	sadd.s32 $0x200, s17  }
0x33: {  	[tilespmem:s16+$0x4470] =	vst v0  }
0x34: {  	[tilespmem:s16+$0x4400] =	vst v0  }
0x35: {  	[tilespmem:s16+$0x4410] =	vst v0  }
0x36: {  	[tilespmem:s16+$0x4420] =	vst v0  }
0x37: {  	[tilespmem:s16+$0x4430] =	vst v0  }
0x38: {  	[tilespmem:s16+$0x4440] =	vst v0  }
0x39: {  	[tilespmem:s16+$0x4450] =	vst v0  }
0x3a: {  	[tilespmem:s16+$0x4460] =	vst v0  }
0x3b: {  	[spmem:s15] =	stream.linear.scatter [tilespmem:s31], [sflag:$0x7], $0x4000, $0x38;
	[tilespmem:$0x1C400] =	vst v63  }
0x3c: {  	_ =	swait.ge [sflag:s0], $0x4000  }
0x3d: {  	[sflag:s0] =	ssyncset.done $0x0  }
0x3e: {  	s20 =	rddreg [dreg:$0xc];
	[sflag:s0] =	ssyncadd.s32 $0xFFFFC000  }
0x3f: {  	[spmem:s20] =	stream.linear.scatter [tilespmem:s31], [sflag:$0x7], $0x4000, $0x38;
	[tilespmem:$0x1C400] =	vst v63  }
0x40: {  	_ =	swait.ge [sflag:s0], $0x4000  }
0x41: {  	[sflag:s0] =	ssyncset.done $0x0  }
0x42: {  	s21 =	rddreg [dreg:$0xd];
	[sflag:s0] =	ssyncadd.s32 $0xFFFFC000  }
0x43: {  	[spmem:s21] =	stream.linear.scatter [tilespmem:s31], [sflag:$0x7], $0x4000, $0x38;
	[tilespmem:$0x1C400] =	vst v63  }
0x44: {  	_ =	swait.ge [sflag:s0], $0x4000  }
0x45: {  	[sflag:s0] =	ssyncset.done $0x0  }
0x46: {  	s17 =	rddreg [dreg:$0xe];
	[sflag:s0] =	ssyncadd.s32 $0xFFFFC000  }
0x47: {  	[spmem:s17] =	stream.linear.scatter [tilespmem:s31], [sflag:$0x7], $0x4000, $0x38;
	[tilespmem:$0x1C400] =	vst v63  }
0x48: {  	_ =	swait.ge [sflag:s0], $0x4000  }
0x49: {  	[sflag:s0] =	ssyncset.done $0x0  }
0x4a: {  	s18 =	rddreg [dreg:$0xf];
	[sflag:s0] =	ssyncadd.s32 $0xFFFFC000  }
0x4b: {  	[spmem:s18] =	stream.linear.scatter [tilespmem:s31], [sflag:$0x7], $0x4000, $0x38;
	[tilespmem:$0x1C400] =	vst v63  }
0x4c: {  	_ =	swait.ge [sflag:s0], $0x4000  }
0x4d: {  	[sflag:s0] =	ssyncset.done $0x0  }
0x4e: {  	[sflag:s0] =	ssyncadd.s32 $0xFFFFC000  }
0x4f: {  	_ =	swait.ge [sflag:s1], $0x80  }
0x50: {  	[sflag:s1] =	ssyncset.done $0x0  }
0x51: {  	[sflag:s1] =	ssyncadd.s32 $0xFFFFFF80  }
0x52: {  	_ =	swait.ge [sflag:s1], $0x80  }
0x53: {  	[sflag:s1] =	ssyncset.done $0x0  }
0x54: {  	[sflag:s1] =	ssyncadd.s32 $0xFFFFFF80  }
0x55: {  	[tilespmem:s8], [sflag:$0x1] =	stream.indirect.gather [hbm4b:s6+s24], $0x80, s4, s24, $0xb8;
	[tilespmem:$0x1C400] =	vst v63  }
0x56: {  	_ =	swait.ge [sflag:s9], $0x80  }
0x57: {  	[sflag:s9] =	ssyncset.done $0x0  }
0x58: {  	[sflag:s9] =	ssyncadd.s32 $0xFFFFFF80  }
0x59: {  	_ =	swait.ge [sflag:s9], $0x80  }
0x5a: {  	[sflag:s9] =	ssyncset.done $0x0  }
0x5b: {  	[sflag:s9] =	ssyncadd.s32 $0xFFFFFF80  }
0x5c: {  	[tilespmem:s31], [sflag:$0x2] =	stream.indirect.gather [hbm4b:s6+s24], $0x80, s24, s24, $0xb8;
	[tilespmem:$0x1C400] =	vst v63  }
0x5d: {  	[bflag:$0x0] =	sbarrier.arrive $0xFFFF  }
0x5e: {  	_ =	swait.ge [sflag:s10], $0x4000  }
0x5f: {  	[sflag:s10] =	ssyncset.done $0x0  }
0x60: {  	[sflag:s10] =	ssyncadd.s32 $0xFFFFC000  }
0x61: {  	_ =	swait.ge [sflag:s11], $0x80  }
0x62: {  	[sflag:s11] =	ssyncset.done $0x0  }
0x63: {  	[sflag:s11] =	ssyncadd.s32 $0xFFFFFF80  }
0x64: {  	_ =	swait.ge [sflag:s11], $0x80  }
0x65: {  	p0 =	por $0x0, $0x0;
	s16 =	simm.s32 $0x200;
	[sflag:s11] =	ssyncset.done $0x0  }
0x66: {  	s16 =	simm.s32 @p0 $0x0;
	[sflag:s11] =	ssyncadd.s32 $0xFFFFFF80  }
0x67: {  	[spmem:s3] =	stream.indirect.scatter.add.f32 [tilespmem:s8], [sflag:$0x7], $0x80, s23, s24, $0xb8;
	[tilespmem:$0x1C400] =	vst v63  }
0x68: {  	s16 =	sadd.s32 s5, s16;
	_ =	swait.ge [sflag:s0], $0x4000  }
0x69: {  	s16 =	sshrl.u32 s16, $0x3;
	[sflag:s0] =	ssyncset.done $0x0  }
0x6a: {  	s17 =	sadd.s32 s7, s16;
	[sflag:s0] =	ssyncadd.s32 $0xFFFFC000  }
0x6b: {  	[tilespmem:s4], [sflag:$0x3] =	stream.linear.gather [hbm4b:s17+s4], $0x80, $0x38;
	[tilespmem:$0x1C400] =	vst v63  }
0x6c: {  	s16 =	sadd.s32 s2, s16  }
0x6d: {  	[tilespmem:s23], [sflag:$0x3] =	stream.linear.gather [hbm4b:s16+s4], $0x80, $0x38;
	[tilespmem:$0x1C400] =	vst v63  }
0x6e: {  	_ = 	snop  }
0x6f: {  	[tilespmem:s8], [sflag:$0x1] =	stream.indirect.gather [hbm4b:s6+s24], $0x80, s26, s24, $0xb8;
	[tilespmem:$0x1C400] =	vst v63  }
0x70: {  	_ =	swait.ge [sflag:s12], $0x4000  }
0x71: {  	[sflag:s12] =	ssyncset.done $0x0  }
0x72: {  	[sflag:s12] =	ssyncadd.s32 $0xFFFFC000  }
0x73: {  	_ =	swait.ge [sflag:s13], $0x80  }
0x74: {  	[sflag:s13] =	ssyncset.done $0x0  }
0x75: {  	[sflag:s13] =	ssyncadd.s32 $0xFFFFFF80  }
0x76: {  	_ =	swait.ge [sflag:s13], $0x80  }
0x77: {  	s16 =	simm.s32 $0x280;
	[sflag:s13] =	ssyncset.done $0x0  }
0x78: {  	s16 =	simm.s32 @p0 $0x0;
	[sflag:s13] =	ssyncadd.s32 $0xFFFFFF80  }
0x79: {  	[spmem:s3] =	stream.indirect.scatter.add.f32 [tilespmem:s31], [sflag:$0x7], $0x80, s25, s24, $0xb8;
	[tilespmem:$0x1C400] =	vst v63  }
0x7a: {  	s16 =	sadd.s32 s5, s16;
	_ =	swait.ge [sflag:s0], $0x4000  }
0x7b: {  	s16 =	sshrl.u32 s16, $0x3;
	[sflag:s0] =	ssyncset.done $0x0  }
0x7c: {  	s19 =	sadd.s32 s7, s16;
	[sflag:s0] =	ssyncadd.s32 $0xFFFFC000  }
0x7d: {  	[tilespmem:s24], [sflag:$0x4] =	stream.linear.gather [hbm4b:s19+s4], $0x80, $0x38;
	[tilespmem:$0x1C400] =	vst v63  }
0x7e: {  	s16 =	sadd.s32 s2, s16  }
0x7f: {  	[tilespmem:s25], [sflag:$0x4] =	stream.linear.gather [hbm4b:s16+s4], $0x80, $0x38;
	[tilespmem:$0x1C400] =	vst v63  }
0x80: {  	_ = 	snop  }
0x81: {  	[tilespmem:s31], [sflag:$0x2] =	stream.indirect.gather [hbm4b:s6+s24], $0x80, s29, s24, $0xb8;
	[tilespmem:$0x1C400] =	vst v63  }
0x82: {  	_ =	swait.ge [sflag:s10], $0x4000  }
0x83: {  	[sflag:s10] =	ssyncset.done $0x0  }
0x84: {  	[sflag:s10] =	ssyncadd.s32 $0xFFFFC000  }
0x85: {  	_ =	swait.ge [sflag:s1], $0x80  }
0x86: {  	[sflag:s1] =	ssyncset.done $0x0  }
0x87: {  	[sflag:s1] =	ssyncadd.s32 $0xFFFFFF80  }
0x88: {  	_ =	swait.ge [sflag:s1], $0x80  }
0x89: {  	s16 =	simm.s32 $0x300;
	[sflag:s1] =	ssyncset.done $0x0  }
0x8a: {  	s16 =	simm.s32 @p0 $0x0;
	[sflag:s1] =	ssyncadd.s32 $0xFFFFFF80  }
0x8b: {  	[spmem:s3] =	stream.indirect.scatter.add.f32 [tilespmem:s8], [sflag:$0x7], $0x80, s28, s24, $0xb8;
	[tilespmem:$0x1C400] =	vst v63  }
0x8c: {  	s16 =	sadd.s32 s5, s16;
	_ =	swait.ge [sflag:s0], $0x4000  }
0x8d: {  	s16 =	sshrl.u32 s16, $0x3;
	[sflag:s0] =	ssyncset.done $0x0  }
0x8e: {  	s20 =	sadd.s32 s7, s16;
	[sflag:s0] =	ssyncadd.s32 $0xFFFFC000  }
0x8f: {  	[tilespmem:s26], [sflag:$0x5] =	stream.linear.gather [hbm4b:s20+s4], $0x80, $0x38;
	[tilespmem:$0x1C400] =	vst v63  }
0x90: {  	s16 =	sadd.s32 s2, s16  }
0x91: {  	[tilespmem:s28], [sflag:$0x5] =	stream.linear.gather [hbm4b:s16+s4], $0x80, $0x38;
	[tilespmem:$0x1C400] =	vst v63  }
0x92: {  	_ = 	snop  }
0x93: {  	[tilespmem:s8], [sflag:$0x1] =	stream.indirect.gather [hbm4b:s6+s24], $0x80, s4, s24, $0xb8;
	[tilespmem:$0x1C400] =	vst v63  }
0x94: {  	_ =	swait.ge [sflag:s12], $0x4000  }
0x95: {  	[sflag:s12] =	ssyncset.done $0x0  }
0x96: {  	[sflag:s12] =	ssyncadd.s32 $0xFFFFC000  }
0x97: {  	_ =	swait.ge [sflag:s9], $0x80  }
0x98: {  	[sflag:s9] =	ssyncset.done $0x0  }
0x99: {  	[sflag:s9] =	ssyncadd.s32 $0xFFFFFF80  }
0x9a: {  	_ =	swait.ge [sflag:s9], $0x80  }
0x9b: {  	s16 =	simm.s32 $0x380;
	[sflag:s9] =	ssyncset.done $0x0  }
0x9c: {  	s16 =	simm.s32 @p0 $0x0;
	[sflag:s9] =	ssyncadd.s32 $0xFFFFFF80  }
0x9d: {  	[spmem:s3] =	stream.indirect.scatter.add.f32 [tilespmem:s31], [sflag:$0x7], $0x80, s30, s24, $0xb8;
	[tilespmem:$0x1C400] =	vst v63  }
0x9e: {  	s16 =	sadd.s32 s5, s16;
	_ =	swait.ge [sflag:s0], $0x4000  }
0x9f: {  	s16 =	sshrl.u32 s16, $0x3;
	[sflag:s0] =	ssyncset.done $0x0  }
0xa0: {  	s21 =	sadd.s32 s7, s16;
	[sflag:s0] =	ssyncadd.s32 $0xFFFFC000  }
0xa1: {  	[tilespmem:s29], [sflag:$0x6] =	stream.linear.gather [hbm4b:s21+s4], $0x80, $0x38;
	[tilespmem:$0x1C400] =	vst v63  }
0xa2: {  	s16 =	sadd.s32 s2, s16  }
0xa3: {  	[tilespmem:s30], [sflag:$0x6] =	stream.linear.gather [hbm4b:s16+s4], $0x80, $0x38;
	[tilespmem:$0x1C400] =	vst v63  }
0xa4: {  	s16 =	simm.s32 $0x580  }
.LBB2_4:
0xa5: {  	p0 =	sne.s32 s16, $0x2980;
	s17 =	smov.u32 s16;
	s16 =	sadd.s32 $0x200, s16  }
0xa6: {  	[tilespmem:s31], [sflag:$0x2] =	stream.indirect.gather [hbm4b:s6+s24], $0x80, s24, s24, $0xb8;
	[tilespmem:$0x1C400] =	vst v63  }
0xa7: {  	_ =	swait.ge [sflag:s10], $0x4000  }
0xa8: {  	[sflag:s10] =	ssyncset.done $0x0  }
0xa9: {  	[sflag:s10] =	ssyncadd.s32 $0xFFFFC000  }
0xaa: {  	_ =	swait.ge [sflag:s11], $0x80  }
0xab: {  	[sflag:s11] =	ssyncset.done $0x0  }
0xac: {  	[sflag:s11] =	ssyncadd.s32 $0xFFFFFF80  }
0xad: {  	s18 =	sadd.s32 $0xFFFFFF00, s17;
	s19 =	sadd.s32 $0xFFFFFF80, s17;
	_ =	swait.ge [sflag:s11], $0x80  }
0xae: {  	p1 =	seq.s32 s17, $0x2980;
	s20 =	sadd.s32 $0xFFFFFE80, s17;
	[sflag:s11] =	ssyncset.done $0x0  }
0xaf: {  	s20 =	simm.s32 @p1 $0x0;
	s18 =	simm.s32 @p1 $0x0;
	[sflag:s11] =	ssyncadd.s32 $0xFFFFFF80  }
0xb0: {  	[spmem:s3] =	stream.indirect.scatter.add.f32 [tilespmem:s8], [sflag:$0x7], $0x80, s23, s24, $0xb8;
	[tilespmem:$0x1C400] =	vst v63  }
0xb1: {  	s20 =	sadd.s32 s5, s20;
	s18 =	sadd.s32 s5, s18;
	_ =	swait.ge [sflag:s0], $0x4000  }
0xb2: {  	s20 =	sshrl.u32 s20, $0x3;
	s21 =	sshrl.u32 s18, $0x3;
	[sflag:s0] =	ssyncset.done $0x0  }
0xb3: {  	s18 =	sadd.s32 s7, s20;
	s20 =	sadd.s32 s2, s20;
	[sflag:s0] =	ssyncadd.s32 $0xFFFFC000  }
0xb4: {  	[tilespmem:s4], [sflag:$0x3] =	stream.linear.gather [hbm4b:s18+s4], $0x80, $0x38;
	[tilespmem:$0x1C400] =	vst v63  }
0xb5: {  	s19 =	simm.s32 @p1 $0x0;
	s17 =	simm.s32 @p1 $0x0  }
0xb6: {  	[tilespmem:s23], [sflag:$0x3] =	stream.linear.gather [hbm4b:s20+s4], $0x80, $0x38;
	[tilespmem:$0x1C400] =	vst v63  }
0xb7: {  	s17 =	sadd.s32 s5, s17;
	s18 =	sadd.s32 s5, s19  }
0xb8: {  	[tilespmem:s8], [sflag:$0x1] =	stream.indirect.gather [hbm4b:s6+s24], $0x80, s26, s24, $0xb8;
	[tilespmem:$0x1C400] =	vst v63  }
0xb9: {  	s17 =	sshrl.u32 s17, $0x3;
	s18 =	sshrl.u32 s18, $0x3;
	_ =	swait.ge [sflag:s12], $0x4000  }
0xba: {  	[sflag:s12] =	ssyncset.done $0x0  }
0xbb: {  	[sflag:s12] =	ssyncadd.s32 $0xFFFFC000  }
0xbc: {  	_ =	swait.ge [sflag:s13], $0x80  }
0xbd: {  	[sflag:s13] =	ssyncset.done $0x0  }
0xbe: {  	[sflag:s13] =	ssyncadd.s32 $0xFFFFFF80  }
0xbf: {  	_ =	swait.ge [sflag:s13], $0x80  }
0xc0: {  	[sflag:s13] =	ssyncset.done $0x0  }
0xc1: {  	[sflag:s13] =	ssyncadd.s32 $0xFFFFFF80  }
0xc2: {  	[spmem:s3] =	stream.indirect.scatter.add.f32 [tilespmem:s31], [sflag:$0x7], $0x80, s25, s24, $0xb8;
	[tilespmem:$0x1C400] =	vst v63  }
0xc3: {  	_ =	swait.ge [sflag:s0], $0x4000  }
0xc4: {  	s19 =	sadd.s32 s7, s21;
	[sflag:s0] =	ssyncset.done $0x0  }
0xc5: {  	s20 =	sadd.s32 s2, s21;
	[sflag:s0] =	ssyncadd.s32 $0xFFFFC000  }
0xc6: {  	[tilespmem:s24], [sflag:$0x4] =	stream.linear.gather [hbm4b:s19+s4], $0x80, $0x38;
	[tilespmem:$0x1C400] =	vst v63  }
0xc7: {  	_ = 	snop  }
0xc8: {  	[tilespmem:s25], [sflag:$0x4] =	stream.linear.gather [hbm4b:s20+s4], $0x80, $0x38;
	[tilespmem:$0x1C400] =	vst v63  }
0xc9: {  	_ = 	snop  }
0xca: {  	[tilespmem:s31], [sflag:$0x2] =	stream.indirect.gather [hbm4b:s6+s24], $0x80, s29, s24, $0xb8;
	[tilespmem:$0x1C400] =	vst v63  }
0xcb: {  	_ =	swait.ge [sflag:s10], $0x4000  }
0xcc: {  	[sflag:s10] =	ssyncset.done $0x0  }
0xcd: {  	[sflag:s10] =	ssyncadd.s32 $0xFFFFC000  }
0xce: {  	_ =	swait.ge [sflag:s1], $0x80  }
0xcf: {  	[sflag:s1] =	ssyncset.done $0x0  }
0xd0: {  	[sflag:s1] =	ssyncadd.s32 $0xFFFFFF80  }
0xd1: {  	_ =	swait.ge [sflag:s1], $0x80  }
0xd2: {  	[sflag:s1] =	ssyncset.done $0x0  }
0xd3: {  	[sflag:s1] =	ssyncadd.s32 $0xFFFFFF80  }
0xd4: {  	[spmem:s3] =	stream.indirect.scatter.add.f32 [tilespmem:s8], [sflag:$0x7], $0x80, s28, s24, $0xb8;
	[tilespmem:$0x1C400] =	vst v63  }
0xd5: {  	_ =	swait.ge [sflag:s0], $0x4000  }
0xd6: {  	s19 =	sadd.s32 s7, s18;
	[sflag:s0] =	ssyncset.done $0x0  }
0xd7: {  	s18 =	sadd.s32 s2, s18;
	[sflag:s0] =	ssyncadd.s32 $0xFFFFC000  }
0xd8: {  	[tilespmem:s26], [sflag:$0x5] =	stream.linear.gather [hbm4b:s19+s4], $0x80, $0x38;
	[tilespmem:$0x1C400] =	vst v63  }
0xd9: {  	_ = 	snop  }
0xda: {  	[tilespmem:s28], [sflag:$0x5] =	stream.linear.gather [hbm4b:s18+s4], $0x80, $0x38;
	[tilespmem:$0x1C400] =	vst v63  }
0xdb: {  	_ = 	snop  }
0xdc: {  	[tilespmem:s8], [sflag:$0x1] =	stream.indirect.gather [hbm4b:s6+s24], $0x80, s4, s24, $0xb8;
	[tilespmem:$0x1C400] =	vst v63  }
0xdd: {  	_ =	swait.ge [sflag:s12], $0x4000  }
0xde: {  	[sflag:s12] =	ssyncset.done $0x0  }
0xdf: {  	[sflag:s12] =	ssyncadd.s32 $0xFFFFC000  }
0xe0: {  	_ =	swait.ge [sflag:s9], $0x80  }
0xe1: {  	[sflag:s9] =	ssyncset.done $0x0  }
0xe2: {  	[sflag:s9] =	ssyncadd.s32 $0xFFFFFF80  }
0xe3: {  	_ =	swait.ge [sflag:s9], $0x80  }
0xe4: {  	[sflag:s9] =	ssyncset.done $0x0  }
0xe5: {  	[sflag:s9] =	ssyncadd.s32 $0xFFFFFF80  }
0xe6: {  	[spmem:s3] =	stream.indirect.scatter.add.f32 [tilespmem:s31], [sflag:$0x7], $0x80, s30, s24, $0xb8;
	[tilespmem:$0x1C400] =	vst v63  }
0xe7: {  	_ =	swait.ge [sflag:s0], $0x4000  }
.Ltmp1:
0xe8: {  	s18 =	sadd.s32 s7, s17;
	[sflag:s0] =	ssyncset.done $0x0;
	(pc) =	sbr.rel @p0 .LBB2_4-.Ltmp1, $4  }
0xe9: {  	s17 =	sadd.s32 s2, s17;
	[sflag:s0] =	ssyncadd.s32 $0xFFFFC000  }
0xea: {  	[tilespmem:s29], [sflag:$0x6] =	stream.linear.gather [hbm4b:s18+s4], $0x80, $0x38;
	[tilespmem:$0x1C400] =	vst v63  }
0xeb: {  	_ = 	snop  }
0xec: {  	[tilespmem:s30], [sflag:$0x6] =	stream.linear.gather [hbm4b:s17+s4], $0x80, $0x38;
	[tilespmem:$0x1C400] =	vst v63  }
0xed: {  	[tilespmem:s31], [sflag:$0x2] =	stream.indirect.gather [hbm4b:s6+s24], $0x80, s24, s24, $0xb8;
	[tilespmem:$0x1C400] =	vst v63  }
0xee: {  	_ =	swait.ge [sflag:s10], $0x4000  }
0xef: {  	[sflag:s10] =	ssyncset.done $0x0  }
0xf0: {  	[sflag:s10] =	ssyncadd.s32 $0xFFFFC000  }
0xf1: {  	_ =	swait.ge [sflag:s12], $0x4000  }
0xf2: {  	[sflag:s12] =	ssyncset.done $0x0  }
0xf3: {  	[sflag:s12] =	ssyncadd.s32 $0xFFFFC000  }
0xf4: {  	_ =	swait.ge [sflag:s11], $0x80  }
0xf5: {  	[sflag:s11] =	ssyncset.done $0x0  }
0xf6: {  	[sflag:s11] =	ssyncadd.s32 $0xFFFFFF80  }
0xf7: {  	_ =	swait.ge [sflag:s11], $0x80  }
0xf8: {  	[sflag:s11] =	ssyncset.done $0x0  }
0xf9: {  	[sflag:s11] =	ssyncadd.s32 $0xFFFFFF80  }
0xfa: {  	_ =	swait.ge [sflag:s13], $0x80  }
0xfb: {  	[sflag:s13] =	ssyncset.done $0x0  }
0xfc: {  	[sflag:s13] =	ssyncadd.s32 $0xFFFFFF80  }
0xfd: {  	_ =	swait.ge [sflag:s13], $0x80  }
0xfe: {  	s16 =	stileid.u32;
	[sflag:s13] =	ssyncset.done $0x0  }
0xff: {  	s17 =	sshrl.u32 s15, $0x3;
	s14 =	sadd.s32 $0x1, s14;
	[sflag:s13] =	ssyncadd.s32 $0xFFFFFF80  }
0x100: {  	s16 =	sshll.u32 s16, $0x6;
	p0 =	sne.s32 s14, s22;
	[bflag:$0x0] =	sbarrier.arrive $0xFFFF  }
.Ltmp2:
0x101: {  	s16 =	sor.u32 $0x1C07, s16;
	s18 =	rddreg [dreg:$0x10];
	(pc) =	sbr.rel @p0 .LBB2_1-.Ltmp2, $4  }
0x102: {  	[hbm:s18], [sflag:s16] =	dma.local [spmem:s17], $0x2800  }
0x103: {  	_ =	swait.ge [sflag:s0], $0x2800  }
0x104: {  	[sflag:s0] =	ssyncset.done $0x0  }
0x105: {  	[sflag:s0] =	ssyncadd.s32 $0xFFFFD800  }
0x106: {  	_ =	sfence.sel $0x180000  }
0x107: {  	[bflag:$0x0] =	sbarrier.arrive $0xFFFF  }
0x108: {  	_ =	strace $0x9000004A  }
0x109: {  	s0 =	stileid.u32;
	[bflag:$0x2] =	sbarrier.arrive $0xFFFF  }
0x10a: {  	p0 =	sne.s32 s0, $0x0;
	s0 =	rddreg [dreg:$0x3]  }
0x10b: {  	s0 =	sadd.s32 @!p0 $0x100000, s0  }
0x10c: {  	[sflag:s0] =	ssyncadd.tile.s32 @!p0 $0x1;
	_ =	shalt  }
.Lfunc_end2:
_tile_overlayer_lowered:
.L_overlay_start_2:
0x10d: {  	(tag) =	ssettag $0x2  }
0x10e: {  	s0 =	rddreg [dreg:$0x0];
	s2 =	stileid.u32  }
0x10f: {  	s1 =	rddreg [dreg:$0x1];
	p0 =	sne.s32 s2, $0x0  }
0x110: {  	s3 =	rddreg [dreg:$0x2];
	[bflag:$0x3] =	sbarrier.arrive $0xFFFF;
	s2 =	simm.s32 @!p0 $0x1C07  }
0x111: {  	[timem:s3], [sflag:s2] =	dma.local @!p0 [hbm:s0], s1  }
0x112: {  	s0 =	simm.s32 @!p0 $0x7  }
0x113: {  	_ =	swait.ge @!p0 [sflag:s0], s1  }
0x114: {  	s1 =	ssub.s32 @!p0 $0x0, s1;
	[sflag:s0] =	ssyncset.done @!p0 $0x0  }
0x115: {  	[sflag:s0] =	ssyncadd.s32 @!p0 s1  }
0x116: {  	[bflag:$0x3] =	sbarrier.arrive $0xFFFF  }
0x117: {  	_ =	shalt  }

// kernel: kernel.14.cloned.1.call-start
scs
__scs_entry_jumppad:
0x0: {  	(pc) =	sbr.rel $0x88, $3  }
0x1: {  	(tag) =	ssettag $0x0;
	lr =	simm.s32 $0x1  }
0x2: {  	[smem:$0x3F99] =	sst lr;
	_ =	strace $0xD0000000  }
0x3: {  	_ = 	snop  }
0x4: {  	_ = 	snop  }
0x5: {  	_ = 	snop  }
0x6: {  	_ = 	snop  }
0x7: {  	_ = 	snop  }
__scs_overlays_trampoline_lowered:
0x8: {  	[smem:$0x3FA8] =	sst s0  }
0x9: {  	[smem:$0x3FA9] =	sst s1  }
0xa: {  	[smem:$0x3FAA] =	sst s2  }
0xb: {  	[smem:$0x3FAB] =	sst s3  }
0xc: {  	[smem:$0x3FAC] =	sst s4  }
0xd: {  	[smem:$0x3FAD] =	sst s5  }
0xe: {  	[smem:$0x3FAE] =	sst s6  }
0xf: {  	[smem:$0x3FAF] =	sst s7  }
0x10: {  	[smem:$0x3FB0] =	sst s8  }
0x11: {  	[smem:$0x3FB1] =	sst s9;
	s0 =	simm.s32 @!p0 $0x0  }
0x12: {  	s1 =	sld [smem:$0x3F97];
	s0 =	simm.s32 @p0 $0x1  }
0x13: {  	[smem:$0x3FB2] =	sst s0;
	s0 =	simm.s32 @!p1 $0x0  }
0x14: {  	s2 =	sld [smem:$0x3F96];
	s0 =	simm.s32 @p1 $0x1  }
0x15: {  	[smem:$0x3FB3] =	sst s0;
	s0 =	simm.s32 @!p2 $0x0  }
0x16: {  	s3 =	sld [smem:$0x3FDB];
	s0 =	simm.s32 @p2 $0x1  }
0x17: {  	s4 =	simm.s32 $0x1BF5;
	[smem:$0x3FB5] =	sst s0  }
0x18: {  	s0 =	sld [smem:$0x3F98];
	_ =	swait.ge [sflag:s4], $0x0  }
0x19: {  	s7 =	sld [smem:$0x3F99]  }
0x1a: {  	s8 =	sadd.s32 $0xFFFFE003, lr  }
0x1b: {  	s9 =	sadd.s32 $0xFFFFFEF7, lr;
	s5 =	simm.s32 $0xFFFFFFFF;
	p2 =	slt.u32 s8, $0xFFFFF086  }
0x1c: {  	p1 =	slt.u32 s9, $0xF7A;
	s5 =	simm.s32 @!p2 $0x0  }
0x1d: {  	s5 =	simm.s32 @p1 $0x1;
	p0 =	seq.s32 s7, s2  }
0x1e: {  	s7 =	smul.u32 @!p0 $0xF7A, s2;
	p2 =	seq.s32 @!p0 s5, $0x0  }
0x1f: {  	s9 =	smul.u32 $0xF7A, s1;
	s8 =	simm.s32 @!p0 $0x1BF5;
	p2 =	por !p2, p0  }
0x20: {  	[sflag:s8] =	ssyncset.s32 @!p0 $0xFFFFF086;
	s6 =	sadd.s32 @!p0 s3, s7;
	s7 =	simm.s32 @!p0 $0x108  }
0x21: {  	s3 =	sadd.s32 s3, s9;
	s6 =	sadd.s32 @!p0 $0x88, s6;
	s7 =	simm.s32 @p2 $0x1082  }
0x22: {  	[simem:s7], [sflag:s8] =	dma.local @!p0 [hbm:s6], $0xF7A  }
0x23: {  	s9 =	sor.u32 $0xD0000000, s2;
	s6 =	simm.s32 $0x108;
	_ =	swait.ge @!p0 [sflag:s8], $0x0  }
0x24: {  	s3 =	sadd.s32 $0x88, s3;
	s6 =	simm.s32 @!p1 $0x1082;
	[sflag:s4] =	ssyncset.s32 $0xFFFFF086  }
0x25: {  	[simem:s6], [sflag:s4] =	dma.local [hbm:s3], $0xF7A  }
0x26: {  	[smem:$0x3F99] =	sst s1;
	(tag) =	ssettag s2;
	_ =	strace s9  }
0x27: {  	s1 =	sld [smem:$0x3FA9]  }
0x28: {  	s2 =	sld [smem:$0x3FAA]  }
0x29: {  	s4 =	sld [smem:$0x3FAC]  }
0x2a: {  	p0 =	seq.s32 s5, $0x0;
	s5 =	sld [smem:$0x3FAD]  }
0x2b: {  	s6 =	sld [smem:$0x3FAE]  }
0x2c: {  	s7 =	sld [smem:$0x3FAF]  }
0x2d: {  	s3 =	simm.s32 $0x108;
	s8 =	sld [smem:$0x3FB0]  }
0x2e: {  	s3 =	simm.s32 @!p0 $0x1082;
	s9 =	sld [smem:$0x3FB1]  }
0x2f: {  	lr =	sadd.s32 s0, s3;
	s0 =	sld [smem:$0x3FA8]  }
0x30: {  	s3 =	sld [smem:$0x3FAB]  }
0x31: {  	[smem:$0x3FB4] =	sst s10  }
0x32: {  	s10 =	sld [smem:$0x3FB2];
	_ =	sdelay $0x3  }
0x33: {  	p0 =	seq.s32 s10, $0x1;
	s10 =	sld [smem:$0x3FB4];
	_ =	sdelay $0x3  }
0x34: {  	[smem:$0x3FB4] =	sst s10  }
0x35: {  	s10 =	sld [smem:$0x3FB3];
	_ =	sdelay $0x3  }
0x36: {  	p1 =	seq.s32 s10, $0x1;
	s10 =	sld [smem:$0x3FB4];
	_ =	sdelay $0x3  }
0x37: {  	[smem:$0x3FB4] =	sst s10  }
0x38: {  	s10 =	sld [smem:$0x3FB5]  }
0x39: {  	_ = 	snop;
	(pc) =	sbr.ind lr, $3  }
0x3a: {  	_ = 	snop  }
0x3b: {  	_ = 	snop  }
0x3c: {  	p2 =	seq.s32 s10, $0x1;
	s10 =	sld [smem:$0x3FB4]  }
0x3d: {  	_ =	shalt  }
0x3e: {  	_ =	shalt  }
0x3f: {  	_ =	shalt  }
0x40: {  	_ =	shalt  }
0x41: {  	_ =	shalt  }
0x42: {  	_ =	shalt  }
0x43: {  	_ =	shalt  }
0x44: {  	_ =	shalt  }
0x45: {  	_ =	shalt  }
0x46: {  	_ =	shalt  }
0x47: {  	_ =	shalt  }
0x48: {  	_ =	shalt  }
0x49: {  	_ =	shalt  }
0x4a: {  	_ =	shalt  }
0x4b: {  	_ =	shalt  }
0x4c: {  	_ =	shalt  }
0x4d: {  	_ =	shalt  }
0x4e: {  	_ =	shalt  }
0x4f: {  	_ =	shalt  }
0x50: {  	_ =	shalt  }
0x51: {  	_ =	shalt  }
0x52: {  	_ =	shalt  }
0x53: {  	_ =	shalt  }
0x54: {  	_ =	shalt  }
0x55: {  	_ =	shalt  }
0x56: {  	_ =	shalt  }
0x57: {  	_ =	shalt  }
0x58: {  	_ =	shalt  }
0x59: {  	_ =	shalt  }
0x5a: {  	_ =	shalt  }
0x5b: {  	_ =	shalt  }
0x5c: {  	_ =	shalt  }
0x5d: {  	_ =	shalt  }
0x5e: {  	_ =	shalt  }
0x5f: {  	_ =	shalt  }
0x60: {  	_ =	shalt  }
0x61: {  	_ =	shalt  }
0x62: {  	_ =	shalt  }
0x63: {  	_ =	shalt  }
0x64: {  	_ =	shalt  }
0x65: {  	_ =	shalt  }
0x66: {  	_ =	shalt  }
0x67: {  	_ =	shalt  }
0x68: {  	_ =	shalt  }
0x69: {  	_ =	shalt  }
0x6a: {  	_ =	shalt  }
0x6b: {  	_ =	shalt  }
0x6c: {  	_ =	shalt  }
0x6d: {  	_ =	shalt  }
0x6e: {  	_ =	shalt  }
0x6f: {  	_ =	shalt  }
0x70: {  	_ =	shalt  }
0x71: {  	_ =	shalt  }
0x72: {  	_ =	shalt  }
0x73: {  	_ =	shalt  }
0x74: {  	_ =	shalt  }
0x75: {  	_ =	shalt  }
0x76: {  	_ =	shalt  }
0x77: {  	_ =	shalt  }
0x78: {  	_ =	shalt  }
0x79: {  	_ =	shalt  }
0x7a: {  	_ =	shalt  }
0x7b: {  	_ =	shalt  }
0x7c: {  	_ =	shalt  }
0x7d: {  	_ =	shalt  }
0x7e: {  	_ =	shalt  }
0x7f: {  	_ =	shalt  }
0x80: {  	_ =	shalt  }
0x81: {  	_ =	shalt  }
0x82: {  	_ =	shalt  }
0x83: {  	_ =	shalt  }
0x84: {  	_ =	shalt  }
0x85: {  	_ =	shalt  }
0x86: {  	_ =	shalt  }
0x87: {  	_ =	shalt  }
.Lfunc_end0:
.L_simem_size_0:
called_computation.2_lowered:
.L_overlay_start_0:
0x88: {  	s2 =	sld [smem:$0x3FD9]  }
0x89: {  	s3 =	sld [smem:$0x3FFE];
	_ =	sdelay $0x1  }
0x8a: {  	s1 =	srdreg.scid  }
0x8b: {  	s0 =	sand.u32 $0x1, s1  }
0x8c: {  	s17 =	sshll.u32 s0, $0xA;
	s2 =	sadd.s32 s3, s2  }
0x8d: {  	s2 =	sadd.s32 s2, s17  }
0x8e: {  	[smem:$0x3FC0] =	sst s2  }
0x8f: {  	_ = 	snop  }
0x90: {  	s2 =	sld [smem:$0x3FD0];
	(tm) =	ssettm $0x1  }
0x91: {  	s18 =	sld [smem:$0x3FFB];
	_ =	sdelay $0x3  }
0x92: {  	_ =	strace s18  }
0x93: {  	s3 =	sld [smem:$0x3FFC];
	_ =	sdelay $0x3  }
0x94: {  	_ =	strace s3  }
0x95: {  	s3 =	sld [smem:$0x3FFD];
	_ =	sdelay $0x3  }
0x96: {  	_ =	strace s3  }
0x97: {  	_ =	strace $0x8FFFFFFF  }
0x98: {  	s19 =	sld [smem:$0x3FDB];
	_ =	sdelay $0x1  }
0x99: {  	s4 =	simm.s32 $_scs_section_size  }
0x9a: {  	s5 =	simm.s32 $_size__tile_overlayer_lowered;
	s6 =	simm.s32 $_tile_overlayer_lowered  }
0x9b: {  	s22 =	simm.s32 $0x1BFF;
	s21 =	sshll.u32 s6, $0x1;
	s3 =	sadd.s32 s4, s19  }
0x9c: {  	s7 =	simm.s32 $0x0;
	s20 =	sshll.u32 s5, $0x1;
	s5 =	sadd.s32 s21, s3  }
0x9d: {  	[timem:s7], [sflag:s22] =	dma.local [hbm:s5], s20  }
0x9e: {  	_ =	swait.ge [sflag:s22], s20  }
0x9f: {  	s4 =	ssub.s32 $0x0, s20;
	[sflag:s22] =	ssyncset.done $0x0  }
0xa0: {  	[sflag:s22] =	ssyncadd.s32 s4;
	_ =	sdelay $0x1  }
0xa1: {  	s23 =	simm.s32 $0x1B8B  }
0xa2: {  	_ =	swait.ge [sflag:s23], $0x1  }
0xa3: {  	[sflag:s23] =	ssyncset.done $0x0  }
0xa4: {  	s25 =	simm.s32 $0x1B8E;
	s24 =	sld [smem:$0x3FFE];
	[sflag:s23] =	ssyncadd.s32 $0xFFFFFFFF  }
0xa5: {  	s26 =	simm.s32 $execute0_lowered;
	[smem:$0x3FD2] =	sst s25  }
0xa6: {  	s5 =	sshll.u32 s26, $0x1;
	_ =	strace $0x8000004C;
	[dreg:$0x1] =	wrdreg $0xFFFFFFFF  }
0xa7: {  	s28 =	simm.s32 $_size_execute0_lowered;
	s3 =	sadd.s32 s3, s5;
	[dreg:$0x0] =	wrdreg $0x0  }
0xa8: {  	s5 =	sshll.u32 s28, $0x1;
	[dreg:$0x2] =	wrdreg s3  }
0xa9: {  	[dreg:$0x3] =	wrdreg s5  }
0xaa: {  	[dreg:$0x4] =	wrdreg $0xC0  }
0xab: {  	_ =	task [dreg:s7], $0x5FFFF  }
0xac: {  	[dreg:$0x1] =	wrdreg $0xFFFFFFFF  }
0xad: {  	[dreg:$0x0] =	wrdreg $0x60  }
0xae: {  	[dreg:$0x2] =	wrdreg s24  }
0xaf: {  	[dreg:$0x3] =	wrdreg s2  }
0xb0: {  	[dreg:$0x4] =	wrdreg $0x84000  }
0xb1: {  	[dreg:$0x5] =	wrdreg $0x9  }
0xb2: {  	_ =	task.clear_ibuf [dreg:s7], $0x6FFFF;
	_ =	strace $0x9000004C  }
0xb3: {  	s29 =	simm.s32 $0x9;
	_ =	strace $0x8000004E  }
0xb4: {  	_ =	swait.ge [sflag:s29], $0x1  }
0xb5: {  	[sflag:s29] =	ssyncadd.s32 $0xFFFFFFFF  }
0xb6: {  	_ =	strace $0x9000004E  }
0xb7: {  	_ =	sfence  }
0xb8: {  	s30 =	sld [smem:$0x0];
	_ =	sdelay $0x2  }
0xb9: {  	s31 =	sshll.u32 s1, $0xD;
	s1 =	sshrl.u32 s1, $0x2  }
0xba: {  	s3 =	sand.u32 $0x4000, s31;
	s1 =	sadd.s32 s1, s30  }
0xbb: {  	s0 =	sor.u32 s3, s0;
	s1 =	sshll.u32 s1, $0x11  }
0xbc: {  	s0 =	sor.u32 s1, s0  }
0xbd: {  	s0 =	sadd.s32 $0x8F2B, s0  }
0xbe: {  	[sflag:s0] =	ssyncadd.remote.s32 $0x1  }
0xbf: {  	_ =	sfence.sel $0xFFFF  }
0xc0: {  	[dreg:$0x0] =	wrdreg $0xFFFFFFFF;
	(pc) =	sbr.abs _section_cstart, $3  }
0xc1: {  	[dreg:$0x1] =	wrdreg $0xFFFFFFFF  }
0xc2: {  	_ =	task.clear_ibuf [dreg:s7], $0x2FFFF;
	_ =	strace $0x9FFFFFFF  }
0xc3: {  	(tm) =	ssettm $0x7FFFFFFF  }
tec
execute0_lowered:
.L_overlay_start_1:
0x0: {  	(tag) =	ssettag $0x1  }
0x1: {  	s0 =	rddreg [dreg:$0x0]  }
0x2: {  	s2 =	rddreg [dreg:$0x1]  }
0x3: {  	s3 =	rddreg [dreg:$0x2]  }
0x4: {  	s1 =	srdreg.scid;
	s11 =	stileid.u32;
	s4 =	simm.s32 $0x0  }
0x5: {  	s28 =	simm.s32 $0x300;
	s29 =	simm.s32 $0x180;
	s30 =	simm.s32 $0x380  }
0x6: {  	s31 =	simm.s32 $0x4400;
	s12 =	simm.s32 $0x2;
	s1 =	sand.u32 $0x1, s1  }
0x7: {  	s8 =	smul.u32 $0x2800, s11;
	[smem:$0x7FF] =	sst s4;
	s6 =	sadd.s32 $0xC800, s0  }
0x8: {  	s7 =	sadd.s32 $0x2800, s0;
	s5 =	sshll.u32 s1, $0x4;
	s9 =	smul.u32 $0x28000, s1  }
0x9: {  	s17 =	smul.u32 $0x50000, s11;
	_ =	strace $0x8000004D;
	s5 =	sor.u32 s11, s5  }
0xa: {  	s1 =	ssub.s32 $0x2, s1;
	s5 =	smul.u32 $0x2800, s5;
	s8 =	sadd.s32 s8, s9  }
0xb: {  	s13 =	sshrl.u32 s1, $0x1;
	s11 =	simm.s32 $0x5;
	s0 =	sadd.s32 s8, s0  }
0xc: {  	s1 =	ssub.s32 s1, s13;
	s10 =	sshrl.u32 s5, $0x3;
	s0 =	sadd.s32 $0x33A00, s0  }
0xd: {  	s9 =	sshrl.u32 s17, $0x2;
	s14 =	sadd.s32 s7, s10;
	[dreg:$0x10] =	wrdreg s0  }
0xe: {  	s15 =	sadd.s32 s2, s10;
	s16 =	sor.u32 $0x10, s10;
	[dreg:$0x4] =	wrdreg s14  }
0xf: {  	s13 =	simm.s32 $0x6;
	[dreg:$0x5] =	wrdreg s15;
	s18 =	sadd.s32 s7, s16  }
0x10: {  	s19 =	sor.u32 $0x20, s10;
	s8 =	sadd.s32 s2, s16;
	[dreg:$0x6] =	wrdreg s18  }
0x11: {  	s10 =	sor.u32 $0x30, s10;
	s20 =	sadd.s32 s7, s19;
	[dreg:$0x7] =	wrdreg s8  }
0x12: {  	s0 =	simm.s32 $0x7;
	s21 =	sadd.s32 s7, s10;
	[dreg:$0x8] =	wrdreg s20  }
0x13: {  	s15 =	sadd.s32 s9, s3;
	s22 =	sadd.s32 s2, s10;
	[dreg:$0xa] =	wrdreg s21  }
0x14: {  	s9 =	simm.s32 $0x4;
	s8 =	sadd.s32 s2, s19;
	[dreg:$0xb] =	wrdreg s22  }
0x15: {  	s10 =	simm.s32 $0x1;
	s23 =	sadd.s32 $0x4000, s15;
	[dreg:$0x9] =	wrdreg s8  }
0x16: {  	s14 =	simm.s32 $0x0;
	s24 =	sadd.s32 $0x8000, s15;
	[dreg:$0xc] =	wrdreg s23  }
0x17: {  	s25 =	sadd.s32 $0xC000, s15;
	s26 =	sadd.s32 $0x10000, s15;
	[dreg:$0xd] =	wrdreg s24  }
0x18: {  	s22 =	smax.u32 s1, $0x1;
	s1 =	simm.s32 $0x3;
	[dreg:$0xe] =	wrdreg s25  }
0x19: {  	[dreg:$0xf] =	wrdreg s26;
	s23 =	simm.s32 $0x200;
	s24 =	simm.s32 $0x80  }
0x1a: {  	v0 =	vimm.f32 $0.0e+00;
	s25 =	simm.s32 $0x280;
	s26 =	simm.s32 $0x100;
	s8 =	simm.s32 $0x400  }
.LBB2_1:
0x1b: {  	s16 =	rddreg [dreg:$0x4]  }
0x1c: {  	[tilespmem:s4], [sflag:$0x3] =	stream.linear.gather [hbm4b:s16+s4], $0x80, $0x38;
	[tilespmem:$0x1C400] =	vst v63  }
0x1d: {  	s20 =	rddreg [dreg:$0x5]  }
0x1e: {  	[tilespmem:s23], [sflag:$0x3] =	stream.linear.gather [hbm4b:s20+s4], $0x80, $0x38;
	[tilespmem:$0x1C400] =	vst v63  }
0x1f: {  	s21 =	rddreg [dreg:$0x6]  }
0x20: {  	[tilespmem:s24], [sflag:$0x4] =	stream.linear.gather [hbm4b:s21+s4], $0x80, $0x38;
	[tilespmem:$0x1C400] =	vst v63  }
0x21: {  	s17 =	rddreg [dreg:$0x7]  }
0x22: {  	[tilespmem:s25], [sflag:$0x4] =	stream.linear.gather [hbm4b:s17+s4], $0x80, $0x38;
	[tilespmem:$0x1C400] =	vst v63  }
0x23: {  	s18 =	rddreg [dreg:$0x8]  }
0x24: {  	[tilespmem:s26], [sflag:$0x5] =	stream.linear.gather [hbm4b:s18+s4], $0x80, $0x38;
	[tilespmem:$0x1C400] =	vst v63  }
0x25: {  	s19 =	rddreg [dreg:$0x9]  }
0x26: {  	[tilespmem:s28], [sflag:$0x5] =	stream.linear.gather [hbm4b:s19+s4], $0x80, $0x38;
	[tilespmem:$0x1C400] =	vst v63  }
0x27: {  	s20 =	rddreg [dreg:$0xa]  }
0x28: {  	[tilespmem:s29], [sflag:$0x6] =	stream.linear.gather [hbm4b:s20+s4], $0x80, $0x38;
	[tilespmem:$0x1C400] =	vst v63  }
0x29: {  	s16 =	simm.s32 $0x0;
	s21 =	rddreg [dreg:$0xb];
	s17 =	simm.s32 $0x200  }
0x2a: {  	[tilespmem:s30], [sflag:$0x6] =	stream.linear.gather [hbm4b:s21+s4], $0x80, $0x38;
	[tilespmem:$0x1C400] =	vst v63  }
.LBB2_2:
0x2b: {  	p0 =	sne.s32 s17, $0xFE00;
	[tilespmem:s16+$0x4470] =	vst v0  }
0x2c: {  	[tilespmem:s16+$0x4400] =	vst v0  }
0x2d: {  	[tilespmem:s16+$0x4410] =	vst v0  }
.Ltmp0:
0x2e: {  	[tilespmem:s16+$0x4420] =	vst v0;
	(pc) =	sbr.rel @p0 .LBB2_2-.Ltmp0, $4  }
0x2f: {  	[tilespmem:s16+$0x4430] =	vst v0  }
0x30: {  	[tilespmem:s16+$0x4440] =	vst v0  }
0x31: {  	[tilespmem:s16+$0x4450] =	vst v0  }
0x32: {  	[tilespmem:s16+$0x4460] =	vst v0;
	s16 =	sshra.s32 s17, $0x2;
	s17 =	sadd.s32 $0x200, s17  }
0x33: {  	[tilespmem:s16+$0x4470] =	vst v0  }
0x34: {  	[tilespmem:s16+$0x4400] =	vst v0  }
0x35: {  	[tilespmem:s16+$0x4410] =	vst v0  }
0x36: {  	[tilespmem:s16+$0x4420] =	vst v0  }
0x37: {  	[tilespmem:s16+$0x4430] =	vst v0  }
0x38: {  	[tilespmem:s16+$0x4440] =	vst v0  }
0x39: {  	[tilespmem:s16+$0x4450] =	vst v0  }
0x3a: {  	[tilespmem:s16+$0x4460] =	vst v0  }
0x3b: {  	[spmem:s15] =	stream.linear.scatter [tilespmem:s31], [sflag:$0x7], $0x4000, $0x38;
	[tilespmem:$0x1C400] =	vst v63  }
0x3c: {  	_ =	swait.ge [sflag:s0], $0x4000  }
0x3d: {  	[sflag:s0] =	ssyncset.done $0x0  }
0x3e: {  	s20 =	rddreg [dreg:$0xc];
	[sflag:s0] =	ssyncadd.s32 $0xFFFFC000  }
0x3f: {  	[spmem:s20] =	stream.linear.scatter [tilespmem:s31], [sflag:$0x7], $0x4000, $0x38;
	[tilespmem:$0x1C400] =	vst v63  }
0x40: {  	_ =	swait.ge [sflag:s0], $0x4000  }
0x41: {  	[sflag:s0] =	ssyncset.done $0x0  }
0x42: {  	s21 =	rddreg [dreg:$0xd];
	[sflag:s0] =	ssyncadd.s32 $0xFFFFC000  }
0x43: {  	[spmem:s21] =	stream.linear.scatter [tilespmem:s31], [sflag:$0x7], $0x4000, $0x38;
	[tilespmem:$0x1C400] =	vst v63  }
0x44: {  	_ =	swait.ge [sflag:s0], $0x4000  }
0x45: {  	[sflag:s0] =	ssyncset.done $0x0  }
0x46: {  	s17 =	rddreg [dreg:$0xe];
	[sflag:s0] =	ssyncadd.s32 $0xFFFFC000  }
0x47: {  	[spmem:s17] =	stream.linear.scatter [tilespmem:s31], [sflag:$0x7], $0x4000, $0x38;
	[tilespmem:$0x1C400] =	vst v63  }
0x48: {  	_ =	swait.ge [sflag:s0], $0x4000  }
0x49: {  	[sflag:s0] =	ssyncset.done $0x0  }
0x4a: {  	s18 =	rddreg [dreg:$0xf];
	[sflag:s0] =	ssyncadd.s32 $0xFFFFC000  }
0x4b: {  	[spmem:s18] =	stream.linear.scatter [tilespmem:s31], [sflag:$0x7], $0x4000, $0x38;
	[tilespmem:$0x1C400] =	vst v63  }
0x4c: {  	_ =	swait.ge [sflag:s0], $0x4000  }
0x4d: {  	[sflag:s0] =	ssyncset.done $0x0  }
0x4e: {  	[sflag:s0] =	ssyncadd.s32 $0xFFFFC000  }
0x4f: {  	_ =	swait.ge [sflag:s1], $0x80  }
0x50: {  	[sflag:s1] =	ssyncset.done $0x0  }
0x51: {  	[sflag:s1] =	ssyncadd.s32 $0xFFFFFF80  }
0x52: {  	_ =	swait.ge [sflag:s1], $0x80  }
0x53: {  	[sflag:s1] =	ssyncset.done $0x0  }
0x54: {  	[sflag:s1] =	ssyncadd.s32 $0xFFFFFF80  }
0x55: {  	[tilespmem:s8], [sflag:$0x1] =	stream.indirect.gather [hbm4b:s6+s24], $0x80, s4, s24, $0xb8;
	[tilespmem:$0x1C400] =	vst v63  }
0x56: {  	_ =	swait.ge [sflag:s9], $0x80  }
0x57: {  	[sflag:s9] =	ssyncset.done $0x0  }
0x58: {  	[sflag:s9] =	ssyncadd.s32 $0xFFFFFF80  }
0x59: {  	_ =	swait.ge [sflag:s9], $0x80  }
0x5a: {  	[sflag:s9] =	ssyncset.done $0x0  }
0x5b: {  	[sflag:s9] =	ssyncadd.s32 $0xFFFFFF80  }
0x5c: {  	[tilespmem:s31], [sflag:$0x2] =	stream.indirect.gather [hbm4b:s6+s24], $0x80, s24, s24, $0xb8;
	[tilespmem:$0x1C400] =	vst v63  }
0x5d: {  	[bflag:$0x0] =	sbarrier.arrive $0xFFFF  }
0x5e: {  	_ =	swait.ge [sflag:s10], $0x4000  }
0x5f: {  	[sflag:s10] =	ssyncset.done $0x0  }
0x60: {  	[sflag:s10] =	ssyncadd.s32 $0xFFFFC000  }
0x61: {  	_ =	swait.ge [sflag:s11], $0x80  }
0x62: {  	[sflag:s11] =	ssyncset.done $0x0  }
0x63: {  	[sflag:s11] =	ssyncadd.s32 $0xFFFFFF80  }
0x64: {  	_ =	swait.ge [sflag:s11], $0x80  }
0x65: {  	p0 =	por $0x0, $0x0;
	s16 =	simm.s32 $0x200;
	[sflag:s11] =	ssyncset.done $0x0  }
0x66: {  	s16 =	simm.s32 @p0 $0x0;
	[sflag:s11] =	ssyncadd.s32 $0xFFFFFF80  }
0x67: {  	[spmem:s3] =	stream.indirect.scatter.add.f32 [tilespmem:s8], [sflag:$0x7], $0x80, s23, s24, $0xb8;
	[tilespmem:$0x1C400] =	vst v63  }
0x68: {  	s16 =	sadd.s32 s5, s16;
	_ =	swait.ge [sflag:s0], $0x4000  }
0x69: {  	s16 =	sshrl.u32 s16, $0x3;
	[sflag:s0] =	ssyncset.done $0x0  }
0x6a: {  	s17 =	sadd.s32 s7, s16;
	[sflag:s0] =	ssyncadd.s32 $0xFFFFC000  }
0x6b: {  	[tilespmem:s4], [sflag:$0x3] =	stream.linear.gather [hbm4b:s17+s4], $0x80, $0x38;
	[tilespmem:$0x1C400] =	vst v63  }
0x6c: {  	s16 =	sadd.s32 s2, s16  }
0x6d: {  	[tilespmem:s23], [sflag:$0x3] =	stream.linear.gather [hbm4b:s16+s4], $0x80, $0x38;
	[tilespmem:$0x1C400] =	vst v63  }
0x6e: {  	_ = 	snop  }
0x6f: {  	[tilespmem:s8], [sflag:$0x1] =	stream.indirect.gather [hbm4b:s6+s24], $0x80, s26, s24, $0xb8;
	[tilespmem:$0x1C400] =	vst v63  }
0x70: {  	_ =	swait.ge [sflag:s12], $0x4000  }
0x71: {  	[sflag:s12] =	ssyncset.done $0x0  }
0x72: {  	[sflag:s12] =	ssyncadd.s32 $0xFFFFC000  }
0x73: {  	_ =	swait.ge [sflag:s13], $0x80  }
0x74: {  	[sflag:s13] =	ssyncset.done $0x0  }
0x75: {  	[sflag:s13] =	ssyncadd.s32 $0xFFFFFF80  }
0x76: {  	_ =	swait.ge [sflag:s13], $0x80  }
0x77: {  	s16 =	simm.s32 $0x280;
	[sflag:s13] =	ssyncset.done $0x0  }
0x78: {  	s16 =	simm.s32 @p0 $0x0;
	[sflag:s13] =	ssyncadd.s32 $0xFFFFFF80  }
0x79: {  	[spmem:s3] =	stream.indirect.scatter.add.f32 [tilespmem:s31], [sflag:$0x7], $0x80, s25, s24, $0xb8;
	[tilespmem:$0x1C400] =	vst v63  }
0x7a: {  	s16 =	sadd.s32 s5, s16;
	_ =	swait.ge [sflag:s0], $0x4000  }
0x7b: {  	s16 =	sshrl.u32 s16, $0x3;
	[sflag:s0] =	ssyncset.done $0x0  }
0x7c: {  	s19 =	sadd.s32 s7, s16;
	[sflag:s0] =	ssyncadd.s32 $0xFFFFC000  }
0x7d: {  	[tilespmem:s24], [sflag:$0x4] =	stream.linear.gather [hbm4b:s19+s4], $0x80, $0x38;
	[tilespmem:$0x1C400] =	vst v63  }
0x7e: {  	s16 =	sadd.s32 s2, s16  }
0x7f: {  	[tilespmem:s25], [sflag:$0x4] =	stream.linear.gather [hbm4b:s16+s4], $0x80, $0x38;
	[tilespmem:$0x1C400] =	vst v63  }
0x80: {  	_ = 	snop  }
0x81: {  	[tilespmem:s31], [sflag:$0x2] =	stream.indirect.gather [hbm4b:s6+s24], $0x80, s29, s24, $0xb8;
	[tilespmem:$0x1C400] =	vst v63  }
0x82: {  	_ =	swait.ge [sflag:s10], $0x4000  }
0x83: {  	[sflag:s10] =	ssyncset.done $0x0  }
0x84: {  	[sflag:s10] =	ssyncadd.s32 $0xFFFFC000  }
0x85: {  	_ =	swait.ge [sflag:s1], $0x80  }
0x86: {  	[sflag:s1] =	ssyncset.done $0x0  }
0x87: {  	[sflag:s1] =	ssyncadd.s32 $0xFFFFFF80  }
0x88: {  	_ =	swait.ge [sflag:s1], $0x80  }
0x89: {  	s16 =	simm.s32 $0x300;
	[sflag:s1] =	ssyncset.done $0x0  }
0x8a: {  	s16 =	simm.s32 @p0 $0x0;
	[sflag:s1] =	ssyncadd.s32 $0xFFFFFF80  }
0x8b: {  	[spmem:s3] =	stream.indirect.scatter.add.f32 [tilespmem:s8], [sflag:$0x7], $0x80, s28, s24, $0xb8;
	[tilespmem:$0x1C400] =	vst v63  }
0x8c: {  	s16 =	sadd.s32 s5, s16;
	_ =	swait.ge [sflag:s0], $0x4000  }
0x8d: {  	s16 =	sshrl.u32 s16, $0x3;
	[sflag:s0] =	ssyncset.done $0x0  }
0x8e: {  	s20 =	sadd.s32 s7, s16;
	[sflag:s0] =	ssyncadd.s32 $0xFFFFC000  }
0x8f: {  	[tilespmem:s26], [sflag:$0x5] =	stream.linear.gather [hbm4b:s20+s4], $0x80, $0x38;
	[tilespmem:$0x1C400] =	vst v63  }
0x90: {  	s16 =	sadd.s32 s2, s16  }
0x91: {  	[tilespmem:s28], [sflag:$0x5] =	stream.linear.gather [hbm4b:s16+s4], $0x80, $0x38;
	[tilespmem:$0x1C400] =	vst v63  }
0x92: {  	_ = 	snop  }
0x93: {  	[tilespmem:s8], [sflag:$0x1] =	stream.indirect.gather [hbm4b:s6+s24], $0x80, s4, s24, $0xb8;
	[tilespmem:$0x1C400] =	vst v63  }
0x94: {  	_ =	swait.ge [sflag:s12], $0x4000  }
0x95: {  	[sflag:s12] =	ssyncset.done $0x0  }
0x96: {  	[sflag:s12] =	ssyncadd.s32 $0xFFFFC000  }
0x97: {  	_ =	swait.ge [sflag:s9], $0x80  }
0x98: {  	[sflag:s9] =	ssyncset.done $0x0  }
0x99: {  	[sflag:s9] =	ssyncadd.s32 $0xFFFFFF80  }
0x9a: {  	_ =	swait.ge [sflag:s9], $0x80  }
0x9b: {  	s16 =	simm.s32 $0x380;
	[sflag:s9] =	ssyncset.done $0x0  }
0x9c: {  	s16 =	simm.s32 @p0 $0x0;
	[sflag:s9] =	ssyncadd.s32 $0xFFFFFF80  }
0x9d: {  	[spmem:s3] =	stream.indirect.scatter.add.f32 [tilespmem:s31], [sflag:$0x7], $0x80, s30, s24, $0xb8;
	[tilespmem:$0x1C400] =	vst v63  }
0x9e: {  	s16 =	sadd.s32 s5, s16;
	_ =	swait.ge [sflag:s0], $0x4000  }
0x9f: {  	s16 =	sshrl.u32 s16, $0x3;
	[sflag:s0] =	ssyncset.done $0x0  }
0xa0: {  	s21 =	sadd.s32 s7, s16;
	[sflag:s0] =	ssyncadd.s32 $0xFFFFC000  }
0xa1: {  	[tilespmem:s29], [sflag:$0x6] =	stream.linear.gather [hbm4b:s21+s4], $0x80, $0x38;
	[tilespmem:$0x1C400] =	vst v63  }
0xa2: {  	s16 =	sadd.s32 s2, s16  }
0xa3: {  	[tilespmem:s30], [sflag:$0x6] =	stream.linear.gather [hbm4b:s16+s4], $0x80, $0x38;
	[tilespmem:$0x1C400] =	vst v63  }
0xa4: {  	s16 =	simm.s32 $0x580  }
.LBB2_4:
0xa5: {  	p0 =	sne.s32 s16, $0x2980;
	s17 =	smov.u32 s16;
	s16 =	sadd.s32 $0x200, s16  }
0xa6: {  	[tilespmem:s31], [sflag:$0x2] =	stream.indirect.gather [hbm4b:s6+s24], $0x80, s24, s24, $0xb8;
	[tilespmem:$0x1C400] =	vst v63  }
0xa7: {  	_ =	swait.ge [sflag:s10], $0x4000  }
0xa8: {  	[sflag:s10] =	ssyncset.done $0x0  }
0xa9: {  	[sflag:s10] =	ssyncadd.s32 $0xFFFFC000  }
0xaa: {  	_ =	swait.ge [sflag:s11], $0x80  }
0xab: {  	[sflag:s11] =	ssyncset.done $0x0  }
0xac: {  	[sflag:s11] =	ssyncadd.s32 $0xFFFFFF80  }
0xad: {  	s18 =	sadd.s32 $0xFFFFFF00, s17;
	s19 =	sadd.s32 $0xFFFFFF80, s17;
	_ =	swait.ge [sflag:s11], $0x80  }
0xae: {  	p1 =	seq.s32 s17, $0x2980;
	s20 =	sadd.s32 $0xFFFFFE80, s17;
	[sflag:s11] =	ssyncset.done $0x0  }
0xaf: {  	s20 =	simm.s32 @p1 $0x0;
	s18 =	simm.s32 @p1 $0x0;
	[sflag:s11] =	ssyncadd.s32 $0xFFFFFF80  }
0xb0: {  	[spmem:s3] =	stream.indirect.scatter.add.f32 [tilespmem:s8], [sflag:$0x7], $0x80, s23, s24, $0xb8;
	[tilespmem:$0x1C400] =	vst v63  }
0xb1: {  	s20 =	sadd.s32 s5, s20;
	s18 =	sadd.s32 s5, s18;
	_ =	swait.ge [sflag:s0], $0x4000  }
0xb2: {  	s20 =	sshrl.u32 s20, $0x3;
	s21 =	sshrl.u32 s18, $0x3;
	[sflag:s0] =	ssyncset.done $0x0  }
0xb3: {  	s18 =	sadd.s32 s7, s20;
	s20 =	sadd.s32 s2, s20;
	[sflag:s0] =	ssyncadd.s32 $0xFFFFC000  }
0xb4: {  	[tilespmem:s4], [sflag:$0x3] =	stream.linear.gather [hbm4b:s18+s4], $0x80, $0x38;
	[tilespmem:$0x1C400] =	vst v63  }
0xb5: {  	s19 =	simm.s32 @p1 $0x0;
	s17 =	simm.s32 @p1 $0x0  }
0xb6: {  	[tilespmem:s23], [sflag:$0x3] =	stream.linear.gather [hbm4b:s20+s4], $0x80, $0x38;
	[tilespmem:$0x1C400] =	vst v63  }
0xb7: {  	s17 =	sadd.s32 s5, s17;
	s18 =	sadd.s32 s5, s19  }
0xb8: {  	[tilespmem:s8], [sflag:$0x1] =	stream.indirect.gather [hbm4b:s6+s24], $0x80, s26, s24, $0xb8;
	[tilespmem:$0x1C400] =	vst v63  }
0xb9: {  	s17 =	sshrl.u32 s17, $0x3;
	s18 =	sshrl.u32 s18, $0x3;
	_ =	swait.ge [sflag:s12], $0x4000  }
0xba: {  	[sflag:s12] =	ssyncset.done $0x0  }
0xbb: {  	[sflag:s12] =	ssyncadd.s32 $0xFFFFC000  }
0xbc: {  	_ =	swait.ge [sflag:s13], $0x80  }
0xbd: {  	[sflag:s13] =	ssyncset.done $0x0  }
0xbe: {  	[sflag:s13] =	ssyncadd.s32 $0xFFFFFF80  }
0xbf: {  	_ =	swait.ge [sflag:s13], $0x80  }
0xc0: {  	[sflag:s13] =	ssyncset.done $0x0  }
0xc1: {  	[sflag:s13] =	ssyncadd.s32 $0xFFFFFF80  }
0xc2: {  	[spmem:s3] =	stream.indirect.scatter.add.f32 [tilespmem:s31], [sflag:$0x7], $0x80, s25, s24, $0xb8;
	[tilespmem:$0x1C400] =	vst v63  }
0xc3: {  	_ =	swait.ge [sflag:s0], $0x4000  }
0xc4: {  	s19 =	sadd.s32 s7, s21;
	[sflag:s0] =	ssyncset.done $0x0  }
0xc5: {  	s20 =	sadd.s32 s2, s21;
	[sflag:s0] =	ssyncadd.s32 $0xFFFFC000  }
0xc6: {  	[tilespmem:s24], [sflag:$0x4] =	stream.linear.gather [hbm4b:s19+s4], $0x80, $0x38;
	[tilespmem:$0x1C400] =	vst v63  }
0xc7: {  	_ = 	snop  }
0xc8: {  	[tilespmem:s25], [sflag:$0x4] =	stream.linear.gather [hbm4b:s20+s4], $0x80, $0x38;
	[tilespmem:$0x1C400] =	vst v63  }
0xc9: {  	_ = 	snop  }
0xca: {  	[tilespmem:s31], [sflag:$0x2] =	stream.indirect.gather [hbm4b:s6+s24], $0x80, s29, s24, $0xb8;
	[tilespmem:$0x1C400] =	vst v63  }
0xcb: {  	_ =	swait.ge [sflag:s10], $0x4000  }
0xcc: {  	[sflag:s10] =	ssyncset.done $0x0  }
0xcd: {  	[sflag:s10] =	ssyncadd.s32 $0xFFFFC000  }
0xce: {  	_ =	swait.ge [sflag:s1], $0x80  }
0xcf: {  	[sflag:s1] =	ssyncset.done $0x0  }
0xd0: {  	[sflag:s1] =	ssyncadd.s32 $0xFFFFFF80  }
0xd1: {  	_ =	swait.ge [sflag:s1], $0x80  }
0xd2: {  	[sflag:s1] =	ssyncset.done $0x0  }
0xd3: {  	[sflag:s1] =	ssyncadd.s32 $0xFFFFFF80  }
0xd4: {  	[spmem:s3] =	stream.indirect.scatter.add.f32 [tilespmem:s8], [sflag:$0x7], $0x80, s28, s24, $0xb8;
	[tilespmem:$0x1C400] =	vst v63  }
0xd5: {  	_ =	swait.ge [sflag:s0], $0x4000  }
0xd6: {  	s19 =	sadd.s32 s7, s18;
	[sflag:s0] =	ssyncset.done $0x0  }
0xd7: {  	s18 =	sadd.s32 s2, s18;
	[sflag:s0] =	ssyncadd.s32 $0xFFFFC000  }
0xd8: {  	[tilespmem:s26], [sflag:$0x5] =	stream.linear.gather [hbm4b:s19+s4], $0x80, $0x38;
	[tilespmem:$0x1C400] =	vst v63  }
0xd9: {  	_ = 	snop  }
0xda: {  	[tilespmem:s28], [sflag:$0x5] =	stream.linear.gather [hbm4b:s18+s4], $0x80, $0x38;
	[tilespmem:$0x1C400] =	vst v63  }
0xdb: {  	_ = 	snop  }
0xdc: {  	[tilespmem:s8], [sflag:$0x1] =	stream.indirect.gather [hbm4b:s6+s24], $0x80, s4, s24, $0xb8;
	[tilespmem:$0x1C400] =	vst v63  }
0xdd: {  	_ =	swait.ge [sflag:s12], $0x4000  }
0xde: {  	[sflag:s12] =	ssyncset.done $0x0  }
0xdf: {  	[sflag:s12] =	ssyncadd.s32 $0xFFFFC000  }
0xe0: {  	_ =	swait.ge [sflag:s9], $0x80  }
0xe1: {  	[sflag:s9] =	ssyncset.done $0x0  }
0xe2: {  	[sflag:s9] =	ssyncadd.s32 $0xFFFFFF80  }
0xe3: {  	_ =	swait.ge [sflag:s9], $0x80  }
0xe4: {  	[sflag:s9] =	ssyncset.done $0x0  }
0xe5: {  	[sflag:s9] =	ssyncadd.s32 $0xFFFFFF80  }
0xe6: {  	[spmem:s3] =	stream.indirect.scatter.add.f32 [tilespmem:s31], [sflag:$0x7], $0x80, s30, s24, $0xb8;
	[tilespmem:$0x1C400] =	vst v63  }
0xe7: {  	_ =	swait.ge [sflag:s0], $0x4000  }
.Ltmp1:
0xe8: {  	s18 =	sadd.s32 s7, s17;
	[sflag:s0] =	ssyncset.done $0x0;
	(pc) =	sbr.rel @p0 .LBB2_4-.Ltmp1, $4  }
0xe9: {  	s17 =	sadd.s32 s2, s17;
	[sflag:s0] =	ssyncadd.s32 $0xFFFFC000  }
0xea: {  	[tilespmem:s29], [sflag:$0x6] =	stream.linear.gather [hbm4b:s18+s4], $0x80, $0x38;
	[tilespmem:$0x1C400] =	vst v63  }
0xeb: {  	_ = 	snop  }
0xec: {  	[tilespmem:s30], [sflag:$0x6] =	stream.linear.gather [hbm4b:s17+s4], $0x80, $0x38;
	[tilespmem:$0x1C400] =	vst v63  }
0xed: {  	[tilespmem:s31], [sflag:$0x2] =	stream.indirect.gather [hbm4b:s6+s24], $0x80, s24, s24, $0xb8;
	[tilespmem:$0x1C400] =	vst v63  }
0xee: {  	_ =	swait.ge [sflag:s10], $0x4000  }
0xef: {  	[sflag:s10] =	ssyncset.done $0x0  }
0xf0: {  	[sflag:s10] =	ssyncadd.s32 $0xFFFFC000  }
0xf1: {  	_ =	swait.ge [sflag:s12], $0x4000  }
0xf2: {  	[sflag:s12] =	ssyncset.done $0x0  }
0xf3: {  	[sflag:s12] =	ssyncadd.s32 $0xFFFFC000  }
0xf4: {  	_ =	swait.ge [sflag:s11], $0x80  }
0xf5: {  	[sflag:s11] =	ssyncset.done $0x0  }
0xf6: {  	[sflag:s11] =	ssyncadd.s32 $0xFFFFFF80  }
0xf7: {  	_ =	swait.ge [sflag:s11], $0x80  }
0xf8: {  	[sflag:s11] =	ssyncset.done $0x0  }
0xf9: {  	[sflag:s11] =	ssyncadd.s32 $0xFFFFFF80  }
0xfa: {  	_ =	swait.ge [sflag:s13], $0x80  }
0xfb: {  	[sflag:s13] =	ssyncset.done $0x0  }
0xfc: {  	[sflag:s13] =	ssyncadd.s32 $0xFFFFFF80  }
0xfd: {  	_ =	swait.ge [sflag:s13], $0x80  }
0xfe: {  	s16 =	stileid.u32;
	[sflag:s13] =	ssyncset.done $0x0  }
0xff: {  	s17 =	sshrl.u32 s15, $0x3;
	s14 =	sadd.s32 $0x1, s14;
	[sflag:s13] =	ssyncadd.s32 $0xFFFFFF80  }
0x100: {  	s16 =	sshll.u32 s16, $0x6;
	p0 =	sne.s32 s14, s22;
	[bflag:$0x0] =	sbarrier.arrive $0xFFFF  }
.Ltmp2:
0x101: {  	s16 =	sor.u32 $0x1C07, s16;
	s18 =	rddreg [dreg:$0x10];
	(pc) =	sbr.rel @p0 .LBB2_1-.Ltmp2, $4  }
0x102: {  	[hbm:s18], [sflag:s16] =	dma.local [spmem:s17], $0x2800  }
0x103: {  	_ =	swait.ge [sflag:s0], $0x2800  }
0x104: {  	[sflag:s0] =	ssyncset.done $0x0  }
0x105: {  	[sflag:s0] =	ssyncadd.s32 $0xFFFFD800  }
0x106: {  	_ =	sfence.sel $0x180000  }
0x107: {  	[bflag:$0x0] =	sbarrier.arrive $0xFFFF  }
0x108: {  	_ =	strace $0x9000004D  }
0x109: {  	s0 =	stileid.u32;
	[bflag:$0x2] =	sbarrier.arrive $0xFFFF  }
0x10a: {  	p0 =	sne.s32 s0, $0x0;
	s0 =	rddreg [dreg:$0x3]  }
0x10b: {  	s0 =	sadd.s32 @!p0 $0x100000, s0  }
0x10c: {  	[sflag:s0] =	ssyncadd.tile.s32 @!p0 $0x1;
	_ =	shalt  }
.Lfunc_end2:
_tile_overlayer_lowered:
.L_overlay_start_2:
0x10d: {  	(tag) =	ssettag $0x2  }
0x10e: {  	s0 =	rddreg [dreg:$0x0];
	s2 =	stileid.u32  }
0x10f: {  	s1 =	rddreg [dreg:$0x1];
	p0 =	sne.s32 s2, $0x0  }
0x110: {  	s3 =	rddreg [dreg:$0x2];
	[bflag:$0x3] =	sbarrier.arrive $0xFFFF;
	s2 =	simm.s32 @!p0 $0x1C07  }
0x111: {  	[timem:s3], [sflag:s2] =	dma.local @!p0 [hbm:s0], s1  }
0x112: {  	s0 =	simm.s32 @!p0 $0x7  }
0x113: {  	_ =	swait.ge @!p0 [sflag:s0], s1  }
0x114: {  	s1 =	ssub.s32 @!p0 $0x0, s1;
	[sflag:s0] =	ssyncset.done @!p0 $0x0  }
0x115: {  	[sflag:s0] =	ssyncadd.s32 @!p0 s1  }
0x116: {  	[bflag:$0x3] =	sbarrier.arrive $0xFFFF  }
0x117: {  	_ =	shalt  }

// kernel: kernel.8.cloned.1.call-start
scs
__scs_entry_jumppad:
0x0: {  	(pc) =	sbr.rel $0x88, $3  }
0x1: {  	(tag) =	ssettag $0x0;
	lr =	simm.s32 $0x1  }
0x2: {  	[smem:$0x3F99] =	sst lr;
	_ =	strace $0xD0000000  }
0x3: {  	_ = 	snop  }
0x4: {  	_ = 	snop  }
0x5: {  	_ = 	snop  }
0x6: {  	_ = 	snop  }
0x7: {  	_ = 	snop  }
__scs_overlays_trampoline_lowered:
0x8: {  	[smem:$0x3FA8] =	sst s0  }
0x9: {  	[smem:$0x3FA9] =	sst s1  }
0xa: {  	[smem:$0x3FAA] =	sst s2  }
0xb: {  	[smem:$0x3FAB] =	sst s3  }
0xc: {  	[smem:$0x3FAC] =	sst s4  }
0xd: {  	[smem:$0x3FAD] =	sst s5  }
0xe: {  	[smem:$0x3FAE] =	sst s6  }
0xf: {  	[smem:$0x3FAF] =	sst s7  }
0x10: {  	[smem:$0x3FB0] =	sst s8  }
0x11: {  	[smem:$0x3FB1] =	sst s9;
	s0 =	simm.s32 @!p0 $0x0  }
0x12: {  	s1 =	sld [smem:$0x3F97];
	s0 =	simm.s32 @p0 $0x1  }
0x13: {  	[smem:$0x3FB2] =	sst s0;
	s0 =	simm.s32 @!p1 $0x0  }
0x14: {  	s2 =	sld [smem:$0x3F96];
	s0 =	simm.s32 @p1 $0x1  }
0x15: {  	[smem:$0x3FB3] =	sst s0;
	s0 =	simm.s32 @!p2 $0x0  }
0x16: {  	s3 =	sld [smem:$0x3FDB];
	s0 =	simm.s32 @p2 $0x1  }
0x17: {  	s4 =	simm.s32 $0x1BF5;
	[smem:$0x3FB5] =	sst s0  }
0x18: {  	s0 =	sld [smem:$0x3F98];
	_ =	swait.ge [sflag:s4], $0x0  }
0x19: {  	s7 =	sld [smem:$0x3F99]  }
0x1a: {  	s8 =	sadd.s32 $0xFFFFE003, lr  }
0x1b: {  	s9 =	sadd.s32 $0xFFFFFEF7, lr;
	s5 =	simm.s32 $0xFFFFFFFF;
	p2 =	slt.u32 s8, $0xFFFFF086  }
0x1c: {  	p1 =	slt.u32 s9, $0xF7A;
	s5 =	simm.s32 @!p2 $0x0  }
0x1d: {  	s5 =	simm.s32 @p1 $0x1;
	p0 =	seq.s32 s7, s2  }
0x1e: {  	s7 =	smul.u32 @!p0 $0xF7A, s2;
	p2 =	seq.s32 @!p0 s5, $0x0  }
0x1f: {  	s9 =	smul.u32 $0xF7A, s1;
	s8 =	simm.s32 @!p0 $0x1BF5;
	p2 =	por !p2, p0  }
0x20: {  	[sflag:s8] =	ssyncset.s32 @!p0 $0xFFFFF086;
	s6 =	sadd.s32 @!p0 s3, s7;
	s7 =	simm.s32 @!p0 $0x108  }
0x21: {  	s3 =	sadd.s32 s3, s9;
	s6 =	sadd.s32 @!p0 $0x88, s6;
	s7 =	simm.s32 @p2 $0x1082  }
0x22: {  	[simem:s7], [sflag:s8] =	dma.local @!p0 [hbm:s6], $0xF7A  }
0x23: {  	s9 =	sor.u32 $0xD0000000, s2;
	s6 =	simm.s32 $0x108;
	_ =	swait.ge @!p0 [sflag:s8], $0x0  }
0x24: {  	s3 =	sadd.s32 $0x88, s3;
	s6 =	simm.s32 @!p1 $0x1082;
	[sflag:s4] =	ssyncset.s32 $0xFFFFF086  }
0x25: {  	[simem:s6], [sflag:s4] =	dma.local [hbm:s3], $0xF7A  }
0x26: {  	[smem:$0x3F99] =	sst s1;
	(tag) =	ssettag s2;
	_ =	strace s9  }
0x27: {  	s1 =	sld [smem:$0x3FA9]  }
0x28: {  	s2 =	sld [smem:$0x3FAA]  }
0x29: {  	s4 =	sld [smem:$0x3FAC]  }
0x2a: {  	p0 =	seq.s32 s5, $0x0;
	s5 =	sld [smem:$0x3FAD]  }
0x2b: {  	s6 =	sld [smem:$0x3FAE]  }
0x2c: {  	s7 =	sld [smem:$0x3FAF]  }
0x2d: {  	s3 =	simm.s32 $0x108;
	s8 =	sld [smem:$0x3FB0]  }
0x2e: {  	s3 =	simm.s32 @!p0 $0x1082;
	s9 =	sld [smem:$0x3FB1]  }
0x2f: {  	lr =	sadd.s32 s0, s3;
	s0 =	sld [smem:$0x3FA8]  }
0x30: {  	s3 =	sld [smem:$0x3FAB]  }
0x31: {  	[smem:$0x3FB4] =	sst s10  }
0x32: {  	s10 =	sld [smem:$0x3FB2];
	_ =	sdelay $0x3  }
0x33: {  	p0 =	seq.s32 s10, $0x1;
	s10 =	sld [smem:$0x3FB4];
	_ =	sdelay $0x3  }
0x34: {  	[smem:$0x3FB4] =	sst s10  }
0x35: {  	s10 =	sld [smem:$0x3FB3];
	_ =	sdelay $0x3  }
0x36: {  	p1 =	seq.s32 s10, $0x1;
	s10 =	sld [smem:$0x3FB4];
	_ =	sdelay $0x3  }
0x37: {  	[smem:$0x3FB4] =	sst s10  }
0x38: {  	s10 =	sld [smem:$0x3FB5]  }
0x39: {  	_ = 	snop;
	(pc) =	sbr.ind lr, $3  }
0x3a: {  	_ = 	snop  }
0x3b: {  	_ = 	snop  }
0x3c: {  	p2 =	seq.s32 s10, $0x1;
	s10 =	sld [smem:$0x3FB4]  }
0x3d: {  	_ =	shalt  }
0x3e: {  	_ =	shalt  }
0x3f: {  	_ =	shalt  }
0x40: {  	_ =	shalt  }
0x41: {  	_ =	shalt  }
0x42: {  	_ =	shalt  }
0x43: {  	_ =	shalt  }
0x44: {  	_ =	shalt  }
0x45: {  	_ =	shalt  }
0x46: {  	_ =	shalt  }
0x47: {  	_ =	shalt  }
0x48: {  	_ =	shalt  }
0x49: {  	_ =	shalt  }
0x4a: {  	_ =	shalt  }
0x4b: {  	_ =	shalt  }
0x4c: {  	_ =	shalt  }
0x4d: {  	_ =	shalt  }
0x4e: {  	_ =	shalt  }
0x4f: {  	_ =	shalt  }
0x50: {  	_ =	shalt  }
0x51: {  	_ =	shalt  }
0x52: {  	_ =	shalt  }
0x53: {  	_ =	shalt  }
0x54: {  	_ =	shalt  }
0x55: {  	_ =	shalt  }
0x56: {  	_ =	shalt  }
0x57: {  	_ =	shalt  }
0x58: {  	_ =	shalt  }
0x59: {  	_ =	shalt  }
0x5a: {  	_ =	shalt  }
0x5b: {  	_ =	shalt  }
0x5c: {  	_ =	shalt  }
0x5d: {  	_ =	shalt  }
0x5e: {  	_ =	shalt  }
0x5f: {  	_ =	shalt  }
0x60: {  	_ =	shalt  }
0x61: {  	_ =	shalt  }
0x62: {  	_ =	shalt  }
0x63: {  	_ =	shalt  }
0x64: {  	_ =	shalt  }
0x65: {  	_ =	shalt  }
0x66: {  	_ =	shalt  }
0x67: {  	_ =	shalt  }
0x68: {  	_ =	shalt  }
0x69: {  	_ =	shalt  }
0x6a: {  	_ =	shalt  }
0x6b: {  	_ =	shalt  }
0x6c: {  	_ =	shalt  }
0x6d: {  	_ =	shalt  }
0x6e: {  	_ =	shalt  }
0x6f: {  	_ =	shalt  }
0x70: {  	_ =	shalt  }
0x71: {  	_ =	shalt  }
0x72: {  	_ =	shalt  }
0x73: {  	_ =	shalt  }
0x74: {  	_ =	shalt  }
0x75: {  	_ =	shalt  }
0x76: {  	_ =	shalt  }
0x77: {  	_ =	shalt  }
0x78: {  	_ =	shalt  }
0x79: {  	_ =	shalt  }
0x7a: {  	_ =	shalt  }
0x7b: {  	_ =	shalt  }
0x7c: {  	_ =	shalt  }
0x7d: {  	_ =	shalt  }
0x7e: {  	_ =	shalt  }
0x7f: {  	_ =	shalt  }
0x80: {  	_ =	shalt  }
0x81: {  	_ =	shalt  }
0x82: {  	_ =	shalt  }
0x83: {  	_ =	shalt  }
0x84: {  	_ =	shalt  }
0x85: {  	_ =	shalt  }
0x86: {  	_ =	shalt  }
0x87: {  	_ =	shalt  }
.Lfunc_end0:
.L_simem_size_0:
called_computation_lowered:
.L_overlay_start_0:
0x88: {  	s2 =	sld [smem:$0x3FD9]  }
0x89: {  	s3 =	sld [smem:$0x3FFE];
	_ =	sdelay $0x1  }
0x8a: {  	s1 =	srdreg.scid  }
0x8b: {  	s0 =	sand.u32 $0x1, s1  }
0x8c: {  	s17 =	sshll.u32 s0, $0xA;
	s2 =	sadd.s32 s3, s2  }
0x8d: {  	s2 =	sadd.s32 s2, s17  }
0x8e: {  	[smem:$0x3FC0] =	sst s2  }
0x8f: {  	_ = 	snop  }
0x90: {  	s2 =	sld [smem:$0x3FD0];
	(tm) =	ssettm $0x1  }
0x91: {  	s18 =	sld [smem:$0x3FFB];
	_ =	sdelay $0x3  }
0x92: {  	_ =	strace s18  }
0x93: {  	s3 =	sld [smem:$0x3FFC];
	_ =	sdelay $0x3  }
0x94: {  	_ =	strace s3  }
0x95: {  	s3 =	sld [smem:$0x3FFD];
	_ =	sdelay $0x3  }
0x96: {  	_ =	strace s3  }
0x97: {  	_ =	strace $0x8FFFFFFF  }
0x98: {  	s19 =	sld [smem:$0x3FDB];
	_ =	sdelay $0x1  }
0x99: {  	s4 =	simm.s32 $_scs_section_size  }
0x9a: {  	s5 =	simm.s32 $_size__tile_overlayer_lowered;
	s6 =	simm.s32 $_tile_overlayer_lowered  }
0x9b: {  	s22 =	simm.s32 $0x1BFF;
	s21 =	sshll.u32 s6, $0x1;
	s3 =	sadd.s32 s4, s19  }
0x9c: {  	s7 =	simm.s32 $0x0;
	s20 =	sshll.u32 s5, $0x1;
	s5 =	sadd.s32 s21, s3  }
0x9d: {  	[timem:s7], [sflag:s22] =	dma.local [hbm:s5], s20  }
0x9e: {  	_ =	swait.ge [sflag:s22], s20  }
0x9f: {  	s4 =	ssub.s32 $0x0, s20;
	[sflag:s22] =	ssyncset.done $0x0  }
0xa0: {  	[sflag:s22] =	ssyncadd.s32 s4;
	_ =	sdelay $0x1  }
0xa1: {  	s23 =	simm.s32 $0x1B8B  }
0xa2: {  	_ =	swait.ge [sflag:s23], $0x1  }
0xa3: {  	[sflag:s23] =	ssyncset.done $0x0  }
0xa4: {  	s25 =	simm.s32 $0x1B8E;
	s24 =	sld [smem:$0x3FFE];
	[sflag:s23] =	ssyncadd.s32 $0xFFFFFFFF  }
0xa5: {  	s26 =	simm.s32 $execute0_lowered;
	[smem:$0x3FD2] =	sst s25  }
0xa6: {  	s5 =	sshll.u32 s26, $0x1;
	_ =	strace $0x80000046;
	[dreg:$0x1] =	wrdreg $0xFFFFFFFF  }
0xa7: {  	s28 =	simm.s32 $_size_execute0_lowered;
	s3 =	sadd.s32 s3, s5;
	[dreg:$0x0] =	wrdreg $0x0  }
0xa8: {  	s5 =	sshll.u32 s28, $0x1;
	[dreg:$0x2] =	wrdreg s3  }
0xa9: {  	[dreg:$0x3] =	wrdreg s5  }
0xaa: {  	[dreg:$0x4] =	wrdreg $0xC0  }
0xab: {  	_ =	task [dreg:s7], $0x5FFFF  }
0xac: {  	[dreg:$0x1] =	wrdreg $0xFFFFFFFF  }
0xad: {  	[dreg:$0x0] =	wrdreg $0x60  }
0xae: {  	[dreg:$0x2] =	wrdreg s2  }
0xaf: {  	[dreg:$0x3] =	wrdreg s24  }
0xb0: {  	[dreg:$0x4] =	wrdreg $0x2B000  }
0xb1: {  	[dreg:$0x5] =	wrdreg $0x9  }
0xb2: {  	_ =	task.clear_ibuf [dreg:s7], $0x6FFFF;
	_ =	strace $0x90000046  }
0xb3: {  	s29 =	simm.s32 $0x9;
	_ =	strace $0x80000048  }
0xb4: {  	_ =	swait.ge [sflag:s29], $0x1  }
0xb5: {  	[sflag:s29] =	ssyncadd.s32 $0xFFFFFFFF  }
0xb6: {  	_ =	strace $0x90000048  }
0xb7: {  	_ =	sfence  }
0xb8: {  	s30 =	sld [smem:$0x0];
	_ =	sdelay $0x2  }
0xb9: {  	s31 =	sshll.u32 s1, $0xD;
	s1 =	sshrl.u32 s1, $0x2  }
0xba: {  	s3 =	sand.u32 $0x4000, s31;
	s1 =	sadd.s32 s1, s30  }
0xbb: {  	s0 =	sor.u32 s3, s0;
	s1 =	sshll.u32 s1, $0x11  }
0xbc: {  	s0 =	sor.u32 s1, s0  }
0xbd: {  	s0 =	sadd.s32 $0x8F2B, s0  }
0xbe: {  	[sflag:s0] =	ssyncadd.remote.s32 $0x1  }
0xbf: {  	_ =	sfence.sel $0xFFFF  }
0xc0: {  	[dreg:$0x0] =	wrdreg $0xFFFFFFFF;
	(pc) =	sbr.abs _section_cstart, $3  }
0xc1: {  	[dreg:$0x1] =	wrdreg $0xFFFFFFFF  }
0xc2: {  	_ =	task.clear_ibuf [dreg:s7], $0x2FFFF;
	_ =	strace $0x9FFFFFFF  }
0xc3: {  	(tm) =	ssettm $0x7FFFFFFF  }
tec
execute0_lowered:
.L_overlay_start_1:
0x0: {  	(tag) =	ssettag $0x1  }
0x1: {  	s5 =	rddreg [dreg:$0x0]  }
0x2: {  	s4 =	rddreg [dreg:$0x1];
	s1 =	srdreg.scid  }
0x3: {  	s0 =	stileid.u32;
	s2 =	rddreg [dreg:$0x2];
	s3 =	simm.s32 $0x0  }
0x4: {  	s11 =	simm.s32 $0x2800;
	s6 =	sand.u32 $0x1, s1;
	s1 =	rddreg [dreg:$0x3]  }
0x5: {  	s14 =	simm.s32 $0x0;
	s7 =	smul.u32 $0x280, s0;
	[smem:$0x7FF] =	sst s3  }
0x6: {  	s12 =	sshll.u32 s0, $0x6;
	s8 =	smul.u32 $0x2800, s6;
	s9 =	sshll.u32 s6, $0x4  }
0x7: {  	s6 =	ssub.s32 $0x2, s6;
	_ =	strace $0x80000047;
	s9 =	sor.u32 s0, s9  }
0x8: {  	s10 =	sshrl.u32 s6, $0x1;
	s8 =	sadd.s32 s7, s8;
	s9 =	smul.u32 $0x500, s9  }
0x9: {  	s12 =	sor.u32 $0x1C01, s12;
	s10 =	ssub.s32 s6, s10;
	s8 =	sshrl.u32 s8, $0x3  }
0xa: {  	s8 =	sadd.s32 s8, s4;
	s4 =	sadd.s32 s7, s2;
	s5 =	sadd.s32 s5, s9  }
0xb: {  	s7 =	smax.u32 s10, $0x1;
	s9 =	simm.s32 $0x1;
	s10 =	simm.s32 $0x80  }
0xc: {  	v0 =	vimm.f32 $1.000000000e+00;
	v1 =	vimm.f32 $0.0e+00;
	s6 =	sadd.s32 $0xC800, s8;
	s8 =	simm.s32 $0x2880;
	s13 =	sshrl.u32 s4, $0x3  }
.LBB2_1:
0xd: {  	[tilespmem:$0x2800] =	vst v0  }
0xe: {  	[tilespmem:$0x2810] =	vst v0  }
0xf: {  	[tilespmem:$0x2820] =	vst v0  }
0x10: {  	[tilespmem:$0x2830] =	vst v0  }
0x11: {  	[tilespmem:$0x2840] =	vst v0  }
0x12: {  	[tilespmem:$0x2850] =	vst v0  }
0x13: {  	[tilespmem:$0x2860] =	vst v0  }
0x14: {  	[tilespmem:$0x2870] =	vst v0  }
0x15: {  	[tilespmem:$0x2880] =	vst v1  }
0x16: {  	[tilespmem:$0x2890] =	vst v1  }
0x17: {  	[tilespmem:$0x28A0] =	vst v1  }
0x18: {  	[tilespmem:$0x28B0] =	vst v1  }
0x19: {  	[tilespmem:$0x28C0] =	vst v1  }
0x1a: {  	[tilespmem:$0x28D0] =	vst v1  }
0x1b: {  	[tilespmem:$0x28E0] =	vst v1  }
0x1c: {  	[tilespmem:$0x28F0] =	vst v1  }
0x1d: {  	[tilespmem:$0x2900] =	vst v1  }
0x1e: {  	[tilespmem:$0x2910] =	vst v1  }
0x1f: {  	[tilespmem:$0x2920] =	vst v1  }
0x20: {  	[tilespmem:$0x2930] =	vst v1  }
0x21: {  	[tilespmem:$0x2940] =	vst v1  }
0x22: {  	[tilespmem:$0x2950] =	vst v1  }
0x23: {  	[tilespmem:$0x2960] =	vst v1  }
0x24: {  	[tilespmem:$0x2970] =	vst v1  }
0x25: {  	[tilespmem:$0x2980] =	vst v1  }
0x26: {  	[tilespmem:$0x2990] =	vst v1  }
0x27: {  	[tilespmem:$0x29A0] =	vst v1  }
0x28: {  	[tilespmem:$0x29B0] =	vst v1  }
0x29: {  	[tilespmem:$0x29C0] =	vst v1  }
0x2a: {  	[tilespmem:$0x29D0] =	vst v1  }
0x2b: {  	[tilespmem:$0x29E0] =	vst v1  }
0x2c: {  	[tilespmem:$0x29F0] =	vst v1  }
0x2d: {  	[tilespmem:$0x2A00] =	vst v1  }
0x2e: {  	[tilespmem:$0x2A10] =	vst v1  }
0x2f: {  	[tilespmem:$0x2A20] =	vst v1  }
0x30: {  	[tilespmem:$0x2A30] =	vst v1  }
0x31: {  	[tilespmem:$0x2A40] =	vst v1  }
0x32: {  	[tilespmem:$0x2A50] =	vst v1  }
0x33: {  	[tilespmem:$0x2A60] =	vst v1  }
0x34: {  	[tilespmem:$0x2A70] =	vst v1  }
0x35: {  	[tilespmem:$0x2A80] =	vst v1  }
0x36: {  	[tilespmem:$0x2A90] =	vst v1  }
0x37: {  	[tilespmem:$0x2AA0] =	vst v1  }
0x38: {  	[tilespmem:$0x2AB0] =	vst v1  }
0x39: {  	[tilespmem:$0x2AC0] =	vst v1  }
0x3a: {  	[tilespmem:$0x2AD0] =	vst v1  }
0x3b: {  	[tilespmem:$0x2AE0] =	vst v1  }
0x3c: {  	[tilespmem:$0x2AF0] =	vst v1  }
0x3d: {  	[spmem:s4] =	stream.linear.scatter [tilespmem:s8], [sflag:$0x1], $0x280, $0x38;
	[tilespmem:$0x2D80] =	vst v63  }
0x3e: {  	_ =	swait.ge [sflag:s9], $0x280  }
0x3f: {  	[sflag:s9] =	ssyncset.done $0x0  }
0x40: {  	[sflag:s9] =	ssyncadd.s32 $0xFFFFFD80  }
0x41: {  	[tilespmem:s3], [sflag:$0x1] =	stream.linear.gather [hbm4b:s5+s3], $0x2800, $0x38;
	[tilespmem:$0x2D80] =	vst v63  }
0x42: {  	_ =	swait.ge [sflag:s9], $0x2800  }
0x43: {  	[sflag:s9] =	ssyncset.done $0x0  }
0x44: {  	[sflag:s9] =	ssyncadd.s32 $0xFFFFD800  }
0x45: {  	s15 =	simm.s32 $0x0;
	[bflag:$0x0] =	sbarrier.arrive $0xFFFF  }
0x46: {  	[spmem:s2] =	stream.indirect.scatter.add.f32 [tilespmem:s11], [sflag:$0x1], $0x1, s15, s10, $0xb8;
	[tilespmem:$0x2D80] =	vst v63  }
0x47: {  	_ =	swait.ge [sflag:s9], $0x80  }
0x48: {  	s15 =	simm.s32 $0x200;
	[sflag:s9] =	ssyncset.done $0x0  }
.LBB2_2:
0x49: {  	s16 =	sshra.s32 s15, $0x2;
	[sflag:s9] =	ssyncadd.s32 $0xFFFFFF80;
	p0 =	sne.s32 s15, $0x9E00  }
0x4a: {  	[spmem:s2] =	stream.indirect.scatter.add.f32 [tilespmem:s11], [sflag:$0x1], $0x1, s16, s10, $0xb8;
	[tilespmem:$0x2D80] =	vst v63  }
.Ltmp0:
0x4b: {  	_ = 	snop;
	(pc) =	sbr.rel @p0 .LBB2_2-.Ltmp0, $4  }
0x4c: {  	_ = 	snop  }
0x4d: {  	s15 =	sadd.s32 $0x200, s15  }
0x4e: {  	_ =	swait.ge [sflag:s9], $0x80  }
0x4f: {  	[sflag:s9] =	ssyncset.done $0x0  }
0x50: {  	s14 =	sadd.s32 $0x1, s14  }
0x51: {  	[sflag:s9] =	ssyncadd.s32 $0xFFFFFF80;
	p0 =	sne.s32 s14, s7  }
.Ltmp1:
0x52: {  	[bflag:$0x0] =	sbarrier.arrive $0xFFFF;
	(pc) =	sbr.rel @p0 .LBB2_1-.Ltmp1, $4  }
0x53: {  	[hbm:s6], [sflag:s12] =	dma.local [spmem:s13], $0x50  }
0x54: {  	_ =	swait.ge [sflag:s9], $0x50  }
0x55: {  	[sflag:s9] =	ssyncset.done $0x0  }
0x56: {  	[sflag:s9] =	ssyncadd.s32 $0xFFFFFFB0  }
0x57: {  	_ =	sfence.sel $0x180000  }
0x58: {  	[bflag:$0x0] =	sbarrier.arrive $0xFFFF  }
0x59: {  	p0 =	sne.s32 s0, $0x0;
	_ =	strace $0x90000047  }
0x5a: {  	s0 =	sadd.s32 @!p0 $0x100000, s1;
	[bflag:$0x2] =	sbarrier.arrive $0xFFFF  }
0x5b: {  	[sflag:s0] =	ssyncadd.tile.s32 @!p0 $0x1;
	_ =	shalt  }
.Lfunc_end2:
_tile_overlayer_lowered:
.L_overlay_start_2:
0x5c: {  	(tag) =	ssettag $0x2  }
0x5d: {  	s0 =	rddreg [dreg:$0x0];
	s2 =	stileid.u32  }
0x5e: {  	s1 =	rddreg [dreg:$0x1];
	p0 =	sne.s32 s2, $0x0  }
0x5f: {  	s3 =	rddreg [dreg:$0x2];
	[bflag:$0x3] =	sbarrier.arrive $0xFFFF;
	s2 =	simm.s32 @!p0 $0x1C01  }
0x60: {  	[timem:s3], [sflag:s2] =	dma.local @!p0 [hbm:s0], s1  }
0x61: {  	s0 =	simm.s32 @!p0 $0x1  }
0x62: {  	_ =	swait.ge @!p0 [sflag:s0], s1  }
0x63: {  	s1 =	ssub.s32 @!p0 $0x0, s1;
	[sflag:s0] =	ssyncset.done @!p0 $0x0  }
0x64: {  	[sflag:s0] =	ssyncadd.s32 @!p0 s1  }
0x65: {  	[bflag:$0x3] =	sbarrier.arrive $0xFFFF  }
0x66: {  	_ =	shalt  }

</sc_bundles>
